<compile_context>
chip_gen: v7x
topology: tpu7x:2x2x1
jax: 0.10.2.dev20260603
libtpu: 0.0.44.dev20260713+nightly
codegen_flags: <defaults>
</compile_context>

<pallas_src>
import functools

import jax
import jax.numpy as jnp
from jax import lax
from jax.experimental import pallas as pl
from jax.experimental.pallas import tpu as pltpu
from jax.experimental.pallas import tpu_sc as plsc

N_NODES_K = 10000
D_FEAT_K = 128
HIDDEN_K = 128
N_CLASSES_K = 40
N_EDGES_K = 320000

_info = plsc.get_sparse_core_info()
NC = _info.num_cores
NS = _info.num_subcores
NW = NC * NS

CH = 128
NCH0 = 79
NCH1 = 79
EPAD = NS * (NCH0 + NCH1) * CH
EPW = NCH0 * CH

NPAD = 10240
ROWS_PER_TILE = NPAD // NS
BN = 1024
GRID = NPAD // BN

D_OUT_PAD = 64

_MESH = plsc.VectorSubcoreMesh(core_axis_name="c", subcore_axis_name="s")
_SC_PARAMS = pltpu.CompilerParams(needs_layout_passes=False)
_SC_PARAMS_LINEAR = pltpu.CompilerParams(
    needs_layout_passes=False, use_tc_tiling_on_sc=False)


@functools.partial(
    pl.kernel,
    mesh=_MESH,
    out_type=jax.ShapeDtypeStruct((NW, NPAD), jnp.float32),
    scratch_types=[
        pltpu.VMEM((EPW,), jnp.int32),
        pltpu.VMEM((NPAD,), jnp.float32),
    ],
    compiler_params=_SC_PARAMS,
)
def _deg_kernel(didx_hbm, degp_hbm, didx_v, dacc_v):
    cc = lax.axis_index("c")
    s = lax.axis_index("s")
    w = cc * NS + s
    pltpu.sync_copy(didx_hbm.at[w], didx_v)
    zero16 = jnp.zeros((16,), jnp.float32)
    ones16 = jnp.ones((16,), jnp.float32)

    def _zero(i, carry):
        dacc_v[pl.ds(i * 16, 16)] = zero16
        return carry

    lax.fori_loop(0, NPAD // 16, _zero, 0)

    def _count(i, carry):
        idx = didx_v[pl.ds(i * 16, 16)]
        plsc.addupdate_scatter(dacc_v, [idx], ones16)
        return carry

    lax.fori_loop(0, EPW // 16, _count, 0)
    pltpu.sync_copy(dacc_v, degp_hbm.at[w])


def _make_scatter(d, params):
    @functools.partial(
        pl.kernel,
        mesh=_MESH,
        out_type=jax.ShapeDtypeStruct((NC, NPAD, d), jnp.float32),
        scratch_types=[
            pltpu.VMEM((1, CH), jnp.int32),
            pltpu.VMEM((1, CH), jnp.int32),
            pltpu.VMEM((NCH0, CH), jnp.int32),
            pltpu.VMEM((CH, d), jnp.float32),
            pltpu.VMEM((CH, d), jnp.float32),
            pltpu.VMEM_SHARED((NPAD, d), jnp.float32),
            pltpu.SemaphoreType.DMA,
            pltpu.SemaphoreType.DMA,
            pltpu.SemaphoreType.DMA,
            pltpu.SemaphoreType.DMA,
        ],
        compiler_params=params,
    )
    def _scatter(p_hbm, sidx_hbm, didx_hbm, out_hbm, ib0, ib1, didx_v, rb0,
                 rb1, acc_sh, semi0, semi1, semg0, semg1):
        cc = lax.axis_index("c")
        s = lax.axis_index("s")
        w = cc * NS + s
        nch = NCH0
        pltpu.sync_copy(didx_hbm.at[w], didx_v)

        zero16 = jnp.zeros((16,), jnp.float32)

        def _zero(r, carry):
            for k in range(d // 16):
                rb0[r, pl.ds(k * 16, 16)] = zero16
            return carry

        lax.fori_loop(0, CH, _zero, 0)
        base = s * ROWS_PER_TILE
        for j in range(ROWS_PER_TILE // CH):
            pltpu.sync_copy(rb0, acc_sh.at[pl.ds(base + j * CH, CH)])

        pltpu.sync_copy(sidx_hbm.at[w, pl.ds(0, 1)], ib0)
        pltpu.async_copy(p_hbm.at[ib0.at[0]], rb0, semg0)
        pltpu.async_copy(sidx_hbm.at[w, pl.ds(1, 1)], ib1, semi1)
        plsc.subcore_barrier()

        def _edge_pair(j, carry):
            c0 = j * 2
            pltpu.make_async_copy(sidx_hbm.at[w, pl.ds(c0 + 1, 1)], ib1, semi1).wait()
            pltpu.make_async_copy(p_hbm.at[ib0.at[0]], rb0, semg0).wait()
            pltpu.async_copy(p_hbm.at[ib1.at[0]], rb1, semg1)
            pltpu.async_copy(sidx_hbm.at[w, pl.ds(c0 + 2, 1)], ib0, semi0)
            pltpu.sync_copy(rb0, acc_sh.at[didx_v.at[c0]], add=True)
            pltpu.make_async_copy(sidx_hbm.at[w, pl.ds(c0 + 2, 1)], ib0, semi0).wait()
            pltpu.make_async_copy(p_hbm.at[ib1.at[0]], rb1, semg1).wait()
            pltpu.async_copy(p_hbm.at[ib0.at[0]], rb0, semg0)
            pltpu.async_copy(sidx_hbm.at[w, pl.ds(c0 + 3, 1)], ib1, semi1)
            pltpu.sync_copy(rb1, acc_sh.at[didx_v.at[c0 + 1]], add=True)
            return carry

        lax.fori_loop(0, (nch - 1) // 2, _edge_pair, 0)
        pltpu.make_async_copy(p_hbm.at[ib0.at[0]], rb0, semg0).wait()
        pltpu.make_async_copy(sidx_hbm.at[w, pl.ds(nch, 1)], ib1, semi1).wait()
        pltpu.sync_copy(rb0, acc_sh.at[didx_v.at[nch - 1]], add=True)
        plsc.subcore_barrier()
        for j in range(ROWS_PER_TILE // CH):
            pltpu.sync_copy(
                acc_sh.at[pl.ds(base + j * CH, CH)],
                out_hbm.at[cc, pl.ds(base + j * CH, CH)],
            )

    return _scatter


_scatter128 = _make_scatter(HIDDEN_K, _SC_PARAMS)
_scatter64 = _make_scatter(D_OUT_PAD, _SC_PARAMS_LINEAR)


def _dinv_from(degp):
    deg = jnp.sum(degp, axis=0) + 1.0
    return lax.rsqrt(deg)


def _scale_rows(v, dinv):
    d = v.shape[-1]
    v3 = v.reshape(BN // 128, 128, d)
    return (v3 * dinv[:, :, None]).reshape(BN, d)


def _tc1_body(x_ref, degp_ref, w_ref, o_ref):
    dinv = _dinv_from(degp_ref[...])
    h = jnp.dot(x_ref[...], w_ref[...], preferred_element_type=jnp.float32)
    o_ref[...] = _scale_rows(h, dinv)


def _tc_mid_body(s_ref, p_ref, degp_ref, b_ref, w_ref, o_ref):
    dinv = _dinv_from(degp_ref[...])
    agg = _scale_rows(s_ref[0] + s_ref[1] + p_ref[...], dinv)
    h = jnp.maximum(agg + b_ref[...], 0.0)
    o = jnp.dot(h, w_ref[...], preferred_element_type=jnp.float32)
    o_ref[...] = _scale_rows(o, dinv)


def _tc4_body(s_ref, p_ref, degp_ref, b_ref, o_ref):
    dinv = _dinv_from(degp_ref[...])
    agg = _scale_rows(s_ref[0] + s_ref[1] + p_ref[...], dinv)
    o_ref[...] = jnp.maximum(agg + b_ref[...], 0.0)


def _degp_spec():
    return pl.BlockSpec((NW, BN // 128, 128), lambda i: (0, i, 0))


def _tc1(x_pad, degp3, w):
    return pl.pallas_call(
        _tc1_body,
        grid=(GRID,),
        in_specs=[
            pl.BlockSpec((BN, D_FEAT_K), lambda i: (i, 0)),
            _degp_spec(),
            pl.BlockSpec((D_FEAT_K, HIDDEN_K), lambda i: (0, 0)),
        ],
        out_specs=pl.BlockSpec((BN, HIDDEN_K), lambda i: (i, 0)),
        out_shape=jax.ShapeDtypeStruct((NPAD, HIDDEN_K), jnp.float32),
    )(x_pad, degp3, w)


def _tc_mid(s, p, degp3, b, w, d_out):
    return pl.pallas_call(
        _tc_mid_body,
        grid=(GRID,),
        in_specs=[
            pl.BlockSpec((NC, BN, HIDDEN_K), lambda i: (0, i, 0)),
            pl.BlockSpec((BN, HIDDEN_K), lambda i: (i, 0)),
            _degp_spec(),
            pl.BlockSpec((1, HIDDEN_K), lambda i: (0, 0)),
            pl.BlockSpec((HIDDEN_K, d_out), lambda i: (0, 0)),
        ],
        out_specs=pl.BlockSpec((BN, d_out), lambda i: (i, 0)),
        out_shape=jax.ShapeDtypeStruct((NPAD, d_out), jnp.float32),
    )(s, p, degp3, b, w)


def _tc4(s, p, degp3, b):
    return pl.pallas_call(
        _tc4_body,
        grid=(GRID,),
        in_specs=[
            pl.BlockSpec((NC, BN, D_OUT_PAD), lambda i: (0, i, 0)),
            pl.BlockSpec((BN, D_OUT_PAD), lambda i: (i, 0)),
            _degp_spec(),
            pl.BlockSpec((1, D_OUT_PAD), lambda i: (0, 0)),
        ],
        out_specs=pl.BlockSpec((BN, D_OUT_PAD), lambda i: (i, 0)),
        out_shape=jax.ShapeDtypeStruct((NPAD, D_OUT_PAD), jnp.float32),
    )(s, p, degp3, b)


def kernel(x, edge_index, W_in, b_in, W_h, b_h, W_out, b_out):
    src = edge_index[0].astype(jnp.int32)
    dst = edge_index[1].astype(jnp.int32)
    pad_e = EPAD - N_EDGES_K

    def _distribute(arr, fill):
        a = jnp.concatenate(
            [arr, jnp.full((pad_e,), fill, jnp.int32)]).reshape(-1, CH)
        a0 = a[: NS * NCH0].reshape(NS, NCH0, CH)
        a1 = a[NS * NCH0:].reshape(NS, NCH1, CH)
        a1 = jnp.pad(a1, ((0, 0), (0, NCH0 - NCH1), (0, 0)),
                     constant_values=fill)
        return jnp.concatenate([a0, a1], axis=0)

    src_p = jnp.pad(_distribute(src, 0), ((0, 0), (0, 1), (0, 0)))
    dst_p = _distribute(dst, N_NODES_K)
    dst_flat = dst_p.reshape(NW, EPW)

    x_pad = jnp.pad(x, ((0, NPAD - N_NODES_K), (0, 0)))
    wo_pad = jnp.pad(W_out, ((0, 0), (0, D_OUT_PAD - N_CLASSES_K)))
    bo_pad = jnp.pad(b_out, ((0, D_OUT_PAD - N_CLASSES_K),)).reshape(1, D_OUT_PAD)

    degp = _deg_kernel(dst_flat)
    degp3 = degp.reshape(NW, NPAD // 128, 128)

    p1 = _tc1(x_pad, degp3, W_in)
    s1 = _scatter128(p1, src_p, dst_p)
    p2 = _tc_mid(s1, p1, degp3, b_in.reshape(1, HIDDEN_K), W_h, HIDDEN_K)
    s2 = _scatter128(p2, src_p, dst_p)
    p3 = _tc_mid(s2, p2, degp3, b_h.reshape(1, HIDDEN_K), wo_pad, D_OUT_PAD)
    s3 = _scatter64(p3, src_p, dst_p)
    out = _tc4(s3, p3, degp3, bo_pad)
    return out[:N_NODES_K, :N_CLASSES_K]

# --- scband reference (transcript-rebuilt; emitter-appended) ---
"""Pipeline reference for scband-gcn-47227460387599 (READ-ONLY COPY).

The authoritative reference and input builder live on the scoring server;
editing this copy changes nothing except your own understanding.
"""

import jax, jax.numpy as jnp
import numpy as np

N_NODES = 10000
D_FEAT = 128
HIDDEN = 128
N_CLASSES = 40
N_EDGES = 320000


def setup_inputs(seed: int = 0) -> dict:
    key = jax.random.key(seed)
    ks = jax.random.split(key, 8)
    x = jax.random.normal(ks[0], (N_NODES, D_FEAT), dtype=jnp.float32)
    edge_index = jax.random.randint(ks[1], (2, N_EDGES), 0, N_NODES, dtype=jnp.int64)
    s_in = 1.0 / np.sqrt(D_FEAT)
    s_h = 1.0 / np.sqrt(HIDDEN)
    W_in = jax.random.uniform(ks[2], (D_FEAT, HIDDEN), jnp.float32, -s_in, s_in)
    b_in = jnp.zeros((HIDDEN,), jnp.float32)
    W_h = jax.random.uniform(ks[3], (HIDDEN, HIDDEN), jnp.float32, -s_h, s_h)
    b_h = jnp.zeros((HIDDEN,), jnp.float32)
    W_out = jax.random.uniform(ks[4], (HIDDEN, N_CLASSES), jnp.float32, -s_h, s_h)
    b_out = jnp.zeros((N_CLASSES,), jnp.float32)
    return {"x": x, "edge_index": edge_index, "W_in": W_in, "b_in": b_in,
            "W_h": W_h, "b_h": b_h, "W_out": W_out, "b_out": b_out}


def _gcn_conv(x, W, b, src, dst, norm):
    h = x @ W
    msg = h[src] * norm[:, None]
    out = jax.ops.segment_sum(msg, dst, num_segments=N_NODES)
    return out + b


def _prep_graph(edge_index):
    loops = jnp.arange(N_NODES, dtype=edge_index.dtype)
    src = jnp.concatenate([edge_index[0], loops])
    dst = jnp.concatenate([edge_index[1], loops])
    ones = jnp.ones_like(dst, dtype=jnp.float32)
    deg = jax.ops.segment_sum(ones, dst, num_segments=N_NODES)
    dinv = jnp.where(deg > 0, deg ** -0.5, 0.0)
    norm = dinv[src] * dinv[dst]
    return src, dst, norm


def reference(x, edge_index, W_in, b_in, W_h, b_h, W_out, b_out):
    # eval mode: dropout is identity
    src, dst, norm = _prep_graph(edge_index)
    h = jax.nn.relu(_gcn_conv(x, W_in, b_in, src, dst, norm))
    h = jax.nn.relu(_gcn_conv(h, W_h, b_h, src, dst, norm))
    h = jax.nn.relu(_gcn_conv(h, W_out, b_out, src, dst, norm))
    return h

if __name__ == "__main__":
    import jax
    _d = setup_inputs()
    print(jax.jit(kernel)(*tuple(_d.values())))

</pallas_src>

<mosaic_0001>
#map = affine_map<(d0, d1) -> (0, 0)>
module attributes {stable_mosaic.version = 14 : i64} {
  func.func @_deg_kernel(%arg0: i32, %arg1: i32, %arg2: memref<32x10112xi32, #tpu.memory_space<hbm>>, %arg3: memref<32x10240xf32, #tpu.memory_space<hbm>>, %arg4: memref<10112xi32, #tpu.memory_space<vmem>>, %arg5: memref<10240xf32, #tpu.memory_space<vmem>>) attributes {dimension_semantics = [#tpu.dimension_semantics<core_parallel>, #tpu.dimension_semantics<subcore_parallel>], iteration_bounds = array<i64: 2, 16>, scalar_prefetch = 0 : i64, scratch_operands = 2 : i64, tpu.core_type = #tpu.core_type<sc_vector_subcore>, window_params = [{transform_indices = #map}, {transform_indices = #map}]} {
    %mul3A = arith.constant 16 : i32
    %mul3A_0 = arith.muli %arg0, %mul3A : i32
    %add3A = arith.addi %mul3A_0, %arg1 : i32
    "tpu.region"() ({
      %run_scoped3A = tpu.sem_alloc : memref<!tpu.dma_semaphore, #tpu.memory_space<semaphore_mem>>
      %dma_start3A = arith.constant 0 : i32
      %dma_start3A_15 = tpu.memref_slice %arg2[%add3A, %dma_start3A] : memref<32x10112xi32, #tpu.memory_space<hbm>> -> memref<1x10112xi32, #tpu.memory_space<hbm>>
      %dma_start3A_16 = tpu.memref_squeeze %dma_start3A_15 : memref<1x10112xi32, #tpu.memory_space<hbm>> -> memref<10112xi32, #tpu.memory_space<hbm>>
      %dma_start3A_17 = arith.constant 0 : i32
      %dma_start3A_18 = tpu.memref_slice %arg2[%add3A, %dma_start3A_17] : memref<32x10112xi32, #tpu.memory_space<hbm>> -> memref<1x10112xi32, #tpu.memory_space<hbm>>
      %dma_start3A_19 = tpu.memref_squeeze %dma_start3A_18 : memref<1x10112xi32, #tpu.memory_space<hbm>> -> memref<10112xi32, #tpu.memory_space<hbm>>
      tpu.enqueue_dma source(%dma_start3A_19 : memref<10112xi32, #tpu.memory_space<hbm>>) target(%arg4 : memref<10112xi32, #tpu.memory_space<vmem>>) target_semaphore(%run_scoped3A : memref<!tpu.dma_semaphore, #tpu.memory_space<semaphore_mem>>)
      %dma_wait3A = arith.constant 0 : i32
      %dma_wait3A_20 = tpu.memref_slice %arg2[%add3A, %dma_wait3A] : memref<32x10112xi32, #tpu.memory_space<hbm>> -> memref<1x10112xi32, #tpu.memory_space<hbm>>
      %dma_wait3A_21 = tpu.memref_squeeze %dma_wait3A_20 : memref<1x10112xi32, #tpu.memory_space<hbm>> -> memref<10112xi32, #tpu.memory_space<hbm>>
      %dma_wait3A_22 = arith.constant 0 : i32
      %dma_wait3A_23 = tpu.memref_slice %arg2[%add3A, %dma_wait3A_22] : memref<32x10112xi32, #tpu.memory_space<hbm>> -> memref<1x10112xi32, #tpu.memory_space<hbm>>
      %dma_wait3A_24 = tpu.memref_squeeze %dma_wait3A_23 : memref<1x10112xi32, #tpu.memory_space<hbm>> -> memref<10112xi32, #tpu.memory_space<hbm>>
      tpu.wait_dma2 semaphore(%run_scoped3A : memref<!tpu.dma_semaphore, #tpu.memory_space<semaphore_mem>>) src(%dma_wait3A_24 : memref<10112xi32, #tpu.memory_space<hbm>>) dst(%arg4 : memref<10112xi32, #tpu.memory_space<vmem>>)
      tpu.yield
    }) : () -> ()
    %broadcast_in_dim3A = arith.constant 0.000000e+00 : f32
    %broadcast_in_dim3A_1 = vector.broadcast %broadcast_in_dim3A : f32 to vector<16xf32>
    %broadcast_in_dim3A_2 = arith.constant 1.000000e+00 : f32
    %broadcast_in_dim3A_3 = vector.broadcast %broadcast_in_dim3A_2 : f32 to vector<16xf32>
    %scan3A = arith.constant 0 : i32
    %scan3A_4 = arith.constant 0 : i32
    %scan3A_5 = arith.constant 640 : i32
    %scan3A_6 = arith.addi %scan3A_4, %scan3A_5 : i32
    %scan3A_7 = arith.constant 1 : i32
    scf.for %scan3A_15 = %scan3A_4 to %scan3A_6 step %scan3A_7  : i32 {
      %mul3A_16 = arith.constant 16 : i32
      %mul3A_17 = arith.muli %scan3A_15, %mul3A_16 : i32
      %swap3A = arith.index_cast %mul3A_17 : i32 to index
      %swap3A_18 = tpu.vector_load %arg5[%swap3A] {strides = array<i32>} : memref<10240xf32, #tpu.memory_space<vmem>>, vector<16xf32>,
      tpu.vector_store %arg5[%swap3A], %broadcast_in_dim3A_1 {strides = array<i32>} : memref<10240xf32, #tpu.memory_space<vmem>>, vector<16xf32>,
    }
    %scan3A_8 = arith.constant 640 : i32
    %scan3A_9 = arith.constant 0 : i32
    %scan3A_10 = arith.constant 0 : i32
    %scan3A_11 = arith.constant 632 : i32
    %scan3A_12 = arith.addi %scan3A_10, %scan3A_11 : i32
    %scan3A_13 = arith.constant 1 : i32
    scf.for %scan3A_15 = %scan3A_10 to %scan3A_12 step %scan3A_13  : i32 {
      %mul3A_16 = arith.constant 16 : i32
      %mul3A_17 = arith.muli %scan3A_15, %mul3A_16 : i32
      %get3A = arith.index_cast %mul3A_17 : i32 to index
      %get3A_18 = tpu.vector_load %arg4[%get3A] {strides = array<i32>} : memref<10112xi32, #tpu.memory_space<vmem>>, vector<16xi32>,
      tpu.vector_store_idx %arg5[%get3A_18], %broadcast_in_dim3A_3 {add = true} : memref<10240xf32, #tpu.memory_space<vmem>>[vector<16xi32>], vector<16xf32>,
    }
    %scan3A_14 = arith.constant 632 : i32
    "tpu.region"() ({
      %run_scoped3A = tpu.sem_alloc : memref<!tpu.dma_semaphore, #tpu.memory_space<semaphore_mem>>
      %dma_start3A = arith.constant 0 : i32
      %dma_start3A_15 = tpu.memref_slice %arg3[%add3A, %dma_start3A] : memref<32x10240xf32, #tpu.memory_space<hbm>> -> memref<1x10240xf32, #tpu.memory_space<hbm>>
      %dma_start3A_16 = tpu.memref_squeeze %dma_start3A_15 : memref<1x10240xf32, #tpu.memory_space<hbm>> -> memref<10240xf32, #tpu.memory_space<hbm>>
      %dma_start3A_17 = arith.constant 0 : i32
      %dma_start3A_18 = tpu.memref_slice %arg3[%add3A, %dma_start3A_17] : memref<32x10240xf32, #tpu.memory_space<hbm>> -> memref<1x10240xf32, #tpu.memory_space<hbm>>
      %dma_start3A_19 = tpu.memref_squeeze %dma_start3A_18 : memref<1x10240xf32, #tpu.memory_space<hbm>> -> memref<10240xf32, #tpu.memory_space<hbm>>
      tpu.enqueue_dma source(%arg5 : memref<10240xf32, #tpu.memory_space<vmem>>) target(%dma_start3A_19 : memref<10240xf32, #tpu.memory_space<hbm>>) target_semaphore(%run_scoped3A : memref<!tpu.dma_semaphore, #tpu.memory_space<semaphore_mem>>)
      %dma_wait3A = arith.constant 0 : i32
      %dma_wait3A_20 = tpu.memref_slice %arg3[%add3A, %dma_wait3A] : memref<32x10240xf32, #tpu.memory_space<hbm>> -> memref<1x10240xf32, #tpu.memory_space<hbm>>
      %dma_wait3A_21 = tpu.memref_squeeze %dma_wait3A_20 : memref<1x10240xf32, #tpu.memory_space<hbm>> -> memref<10240xf32, #tpu.memory_space<hbm>>
      %dma_wait3A_22 = arith.constant 0 : i32
      %dma_wait3A_23 = tpu.memref_slice %arg3[%add3A, %dma_wait3A_22] : memref<32x10240xf32, #tpu.memory_space<hbm>> -> memref<1x10240xf32, #tpu.memory_space<hbm>>
      %dma_wait3A_24 = tpu.memref_squeeze %dma_wait3A_23 : memref<1x10240xf32, #tpu.memory_space<hbm>> -> memref<10240xf32, #tpu.memory_space<hbm>>
      tpu.wait_dma2 semaphore(%run_scoped3A : memref<!tpu.dma_semaphore, #tpu.memory_space<semaphore_mem>>) src(%arg5 : memref<10240xf32, #tpu.memory_space<vmem>>) dst(%dma_wait3A_24 : memref<10240xf32, #tpu.memory_space<hbm>>)
      tpu.yield
    }) : () -> ()
    return
  }
}

#map = affine_map<(d0, d1) -> (0, 0)>
#map1 = affine_map<(d0, d1) -> (0, 0, 0)>
module attributes {stable_mosaic.version = 14 : i64} {
  func.func @_scatter(%arg0: i32, %arg1: i32, %arg2: memref<10240x128xf32, #tpu.memory_space<hbm>>, %arg3: memref<32x80x128xi32, #tpu.memory_space<hbm>>, %arg4: memref<32x79x128xi32, #tpu.memory_space<hbm>>, %arg5: memref<2x10240x128xf32, #tpu.memory_space<hbm>>, %arg6: memref<1x128xi32, #tpu.memory_space<vmem>>, %arg7: memref<1x128xi32, #tpu.memory_space<vmem>>, %arg8: memref<79x128xi32, #tpu.memory_space<vmem>>, %arg9: memref<128x128xf32, #tpu.memory_space<vmem>>, %arg10: memref<128x128xf32, #tpu.memory_space<vmem>>, %arg11: memref<10240x128xf32, #tpu.memory_space<vmem_shared>>, %arg12: memref<!tpu.dma_semaphore, #tpu.memory_space<semaphore_mem>>, %arg13: memref<!tpu.dma_semaphore, #tpu.memory_space<semaphore_mem>>, %arg14: memref<!tpu.dma_semaphore, #tpu.memory_space<semaphore_mem>>, %arg15: memref<!tpu.dma_semaphore, #tpu.memory_space<semaphore_mem>>) attributes {dimension_semantics = [#tpu.dimension_semantics<core_parallel>, #tpu.dimension_semantics<subcore_parallel>], iteration_bounds = array<i64: 2, 16>, scalar_prefetch = 0 : i64, scratch_operands = 10 : i64, tpu.core_type = #tpu.core_type<sc_vector_subcore>, window_params = [{transform_indices = #map}, {transform_indices = #map1}, {transform_indices = #map1}, {transform_indices = #map1}]} {
    %mul3A = arith.constant 16 : i32
    %mul3A_0 = arith.muli %arg0, %mul3A : i32
    %add3A = arith.addi %mul3A_0, %arg1 : i32
    "tpu.region"() ({
      %run_scoped3A_74 = tpu.sem_alloc : memref<!tpu.dma_semaphore, #tpu.memory_space<semaphore_mem>>
      %dma_start3A_75 = arith.constant 0 : i32
      %dma_start3A_76 = arith.constant 0 : i32
      %dma_start3A_77 = tpu.memref_slice %arg4[%add3A, %dma_start3A_75, %dma_start3A_76] : memref<32x79x128xi32, #tpu.memory_space<hbm>> -> memref<1x79x128xi32, #tpu.memory_space<hbm>>
      %dma_start3A_78 = tpu.memref_squeeze %dma_start3A_77 : memref<1x79x128xi32, #tpu.memory_space<hbm>> -> memref<79x128xi32, #tpu.memory_space<hbm>>
      %dma_start3A_79 = arith.constant 0 : i32
      %dma_start3A_80 = arith.constant 0 : i32
      %dma_start3A_81 = tpu.memref_slice %arg4[%add3A, %dma_start3A_79, %dma_start3A_80] : memref<32x79x128xi32, #tpu.memory_space<hbm>> -> memref<1x79x128xi32, #tpu.memory_space<hbm>>
      %dma_start3A_82 = tpu.memref_squeeze %dma_start3A_81 : memref<1x79x128xi32, #tpu.memory_space<hbm>> -> memref<79x128xi32, #tpu.memory_space<hbm>>
      tpu.enqueue_dma source(%dma_start3A_82 : memref<79x128xi32, #tpu.memory_space<hbm>>) target(%arg8 : memref<79x128xi32, #tpu.memory_space<vmem>>) target_semaphore(%run_scoped3A_74 : memref<!tpu.dma_semaphore, #tpu.memory_space<semaphore_mem>>)
      %dma_wait3A_83 = arith.constant 0 : i32
      %dma_wait3A_84 = arith.constant 0 : i32
      %dma_wait3A_85 = tpu.memref_slice %arg4[%add3A, %dma_wait3A_83, %dma_wait3A_84] : memref<32x79x128xi32, #tpu.memory_space<hbm>> -> memref<1x79x128xi32, #tpu.memory_space<hbm>>
      %dma_wait3A_86 = tpu.memref_squeeze %dma_wait3A_85 : memref<1x79x128xi32, #tpu.memory_space<hbm>> -> memref<79x128xi32, #tpu.memory_space<hbm>>
      %dma_wait3A_87 = arith.constant 0 : i32
      %dma_wait3A_88 = arith.constant 0 : i32
      %dma_wait3A_89 = tpu.memref_slice %arg4[%add3A, %dma_wait3A_87, %dma_wait3A_88] : memref<32x79x128xi32, #tpu.memory_space<hbm>> -> memref<1x79x128xi32, #tpu.memory_space<hbm>>
      %dma_wait3A_90 = tpu.memref_squeeze %dma_wait3A_89 : memref<1x79x128xi32, #tpu.memory_space<hbm>> -> memref<79x128xi32, #tpu.memory_space<hbm>>
      tpu.wait_dma2 semaphore(%run_scoped3A_74 : memref<!tpu.dma_semaphore, #tpu.memory_space<semaphore_mem>>) src(%dma_wait3A_90 : memref<79x128xi32, #tpu.memory_space<hbm>>) dst(%arg8 : memref<79x128xi32, #tpu.memory_space<vmem>>)
      tpu.yield
    }) : () -> ()
    %broadcast_in_dim3A = arith.constant 0.000000e+00 : f32
    %broadcast_in_dim3A_1 = vector.broadcast %broadcast_in_dim3A : f32 to vector<16xf32>
    %scan3A = arith.constant 0 : i32
    %scan3A_2 = arith.constant 0 : i32
    %scan3A_3 = arith.constant 128 : i32
    %scan3A_4 = arith.addi %scan3A_2, %scan3A_3 : i32
    %scan3A_5 = arith.constant 1 : i32
    scf.for %scan3A_74 = %scan3A_2 to %scan3A_4 step %scan3A_5  : i32 {
      %swap3A = arith.index_cast %scan3A_74 : i32 to index
      %swap3A_75 = arith.constant 0 : index
      %swap3A_76 = tpu.vector_load %arg9[%swap3A, %swap3A_75] {strides = array<i32>} : memref<128x128xf32, #tpu.memory_space<vmem>>, vector<16xf32>,
      tpu.vector_store %arg9[%swap3A, %swap3A_75], %broadcast_in_dim3A_1 {strides = array<i32>} : memref<128x128xf32, #tpu.memory_space<vmem>>, vector<16xf32>,
      %swap3A_77 = arith.index_cast %scan3A_74 : i32 to index
      %swap3A_78 = arith.constant 16 : index
      %swap3A_79 = tpu.vector_load %arg9[%swap3A_77, %swap3A_78] {strides = array<i32>} : memref<128x128xf32, #tpu.memory_space<vmem>>, vector<16xf32>,
      tpu.vector_store %arg9[%swap3A_77, %swap3A_78], %broadcast_in_dim3A_1 {strides = array<i32>} : memref<128x128xf32, #tpu.memory_space<vmem>>, vector<16xf32>,
      %swap3A_80 = arith.index_cast %scan3A_74 : i32 to index
      %swap3A_81 = arith.constant 32 : index
      %swap3A_82 = tpu.vector_load %arg9[%swap3A_80, %swap3A_81] {strides = array<i32>} : memref<128x128xf32, #tpu.memory_space<vmem>>, vector<16xf32>,
      tpu.vector_store %arg9[%swap3A_80, %swap3A_81], %broadcast_in_dim3A_1 {strides = array<i32>} : memref<128x128xf32, #tpu.memory_space<vmem>>, vector<16xf32>,
      %swap3A_83 = arith.index_cast %scan3A_74 : i32 to index
      %swap3A_84 = arith.constant 48 : index
      %swap3A_85 = tpu.vector_load %arg9[%swap3A_83, %swap3A_84] {strides = array<i32>} : memref<128x128xf32, #tpu.memory_space<vmem>>, vector<16xf32>,
      tpu.vector_store %arg9[%swap3A_83, %swap3A_84], %broadcast_in_dim3A_1 {strides = array<i32>} : memref<128x128xf32, #tpu.memory_space<vmem>>, vector<16xf32>,
      %swap3A_86 = arith.index_cast %scan3A_74 : i32 to index
      %swap3A_87 = arith.constant 64 : index
      %swap3A_88 = tpu.vector_load %arg9[%swap3A_86, %swap3A_87] {strides = array<i32>} : memref<128x128xf32, #tpu.memory_space<vmem>>, vector<16xf32>,
      tpu.vector_store %arg9[%swap3A_86, %swap3A_87], %broadcast_in_dim3A_1 {strides = array<i32>} : memref<128x128xf32, #tpu.memory_space<vmem>>, vector<16xf32>,
      %swap3A_89 = arith.index_cast %scan3A_74 : i32 to index
      %swap3A_90 = arith.constant 80 : index
      %swap3A_91 = tpu.vector_load %arg9[%swap3A_89, %swap3A_90] {strides = array<i32>} : memref<128x128xf32, #tpu.memory_space<vmem>>, vector<16xf32>,
      tpu.vector_store %arg9[%swap3A_89, %swap3A_90], %broadcast_in_dim3A_1 {strides = array<i32>} : memref<128x128xf32, #tpu.memory_space<vmem>>, vector<16xf32>,
      %swap3A_92 = arith.index_cast %scan3A_74 : i32 to index
      %swap3A_93 = arith.constant 96 : index
      %swap3A_94 = tpu.vector_load %arg9[%swap3A_92, %swap3A_93] {strides = array<i32>} : memref<128x128xf32, #tpu.memory_space<vmem>>, vector<16xf32>,
      tpu.vector_store %arg9[%swap3A_92, %swap3A_93], %broadcast_in_dim3A_1 {strides = array<i32>} : memref<128x128xf32, #tpu.memory_space<vmem>>, vector<16xf32>,
      %swap3A_95 = arith.index_cast %scan3A_74 : i32 to index
      %swap3A_96 = arith.constant 112 : index
      %swap3A_97 = tpu.vector_load %arg9[%swap3A_95, %swap3A_96] {strides = array<i32>} : memref<128x128xf32, #tpu.memory_space<vmem>>, vector<16xf32>,
      tpu.vector_store %arg9[%swap3A_95, %swap3A_96], %broadcast_in_dim3A_1 {strides = array<i32>} : memref<128x128xf32, #tpu.memory_space<vmem>>, vector<16xf32>,
    }
    %scan3A_6 = arith.constant 128 : i32
    %mul3A_7 = arith.constant 640 : i32
    %mul3A_8 = arith.muli %arg1, %mul3A_7 : i32
    %add3A_9 = arith.constant 0 : i32
    %add3A_10 = arith.addi %mul3A_8, %add3A_9 : i32
    "tpu.region"() ({
      %run_scoped3A_74 = tpu.sem_alloc : memref<!tpu.dma_semaphore, #tpu.memory_space<semaphore_mem>>
      %dma_start3A_75 = arith.constant 0 : i32
      %dma_start3A_76 = tpu.memref_slice %arg11[%add3A_10, %dma_start3A_75] : memref<10240x128xf32, #tpu.memory_space<vmem_shared>> -> memref<128x128xf32, #tpu.memory_space<vmem_shared>>
      %dma_start3A_77 = arith.constant 0 : i32
      %dma_start3A_78 = tpu.memref_slice %arg11[%add3A_10, %dma_start3A_77] : memref<10240x128xf32, #tpu.memory_space<vmem_shared>> -> memref<128x128xf32, #tpu.memory_space<vmem_shared>>
      tpu.enqueue_dma source(%arg9 : memref<128x128xf32, #tpu.memory_space<vmem>>) target(%dma_start3A_78 : memref<128x128xf32, #tpu.memory_space<vmem_shared>>) target_semaphore(%run_scoped3A_74 : memref<!tpu.dma_semaphore, #tpu.memory_space<semaphore_mem>>)
      %dma_wait3A_79 = arith.constant 0 : i32
      %dma_wait3A_80 = tpu.memref_slice %arg11[%add3A_10, %dma_wait3A_79] : memref<10240x128xf32, #tpu.memory_space<vmem_shared>> -> memref<128x128xf32, #tpu.memory_space<vmem_shared>>
      %dma_wait3A_81 = arith.constant 0 : i32
      %dma_wait3A_82 = tpu.memref_slice %arg11[%add3A_10, %dma_wait3A_81] : memref<10240x128xf32, #tpu.memory_space<vmem_shared>> -> memref<128x128xf32, #tpu.memory_space<vmem_shared>>
      tpu.wait_dma2 semaphore(%run_scoped3A_74 : memref<!tpu.dma_semaphore, #tpu.memory_space<semaphore_mem>>) src(%arg9 : memref<128x128xf32, #tpu.memory_space<vmem>>) dst(%dma_wait3A_82 : memref<128x128xf32, #tpu.memory_space<vmem_shared>>)
      tpu.yield
    }) : () -> ()
    %add3A_11 = arith.constant 128 : i32
    %add3A_12 = arith.addi %mul3A_8, %add3A_11 : i32
    "tpu.region"() ({
      %run_scoped3A_74 = tpu.sem_alloc : memref<!tpu.dma_semaphore, #tpu.memory_space<semaphore_mem>>
      %dma_start3A_75 = arith.constant 0 : i32
      %dma_start3A_76 = tpu.memref_slice %arg11[%add3A_12, %dma_start3A_75] : memref<10240x128xf32, #tpu.memory_space<vmem_shared>> -> memref<128x128xf32, #tpu.memory_space<vmem_shared>>
      %dma_start3A_77 = arith.constant 0 : i32
      %dma_start3A_78 = tpu.memref_slice %arg11[%add3A_12, %dma_start3A_77] : memref<10240x128xf32, #tpu.memory_space<vmem_shared>> -> memref<128x128xf32, #tpu.memory_space<vmem_shared>>
      tpu.enqueue_dma source(%arg9 : memref<128x128xf32, #tpu.memory_space<vmem>>) target(%dma_start3A_78 : memref<128x128xf32, #tpu.memory_space<vmem_shared>>) target_semaphore(%run_scoped3A_74 : memref<!tpu.dma_semaphore, #tpu.memory_space<semaphore_mem>>)
      %dma_wait3A_79 = arith.constant 0 : i32
      %dma_wait3A_80 = tpu.memref_slice %arg11[%add3A_12, %dma_wait3A_79] : memref<10240x128xf32, #tpu.memory_space<vmem_shared>> -> memref<128x128xf32, #tpu.memory_space<vmem_shared>>
      %dma_wait3A_81 = arith.constant 0 : i32
      %dma_wait3A_82 = tpu.memref_slice %arg11[%add3A_12, %dma_wait3A_81] : memref<10240x128xf32, #tpu.memory_space<vmem_shared>> -> memref<128x128xf32, #tpu.memory_space<vmem_shared>>
      tpu.wait_dma2 semaphore(%run_scoped3A_74 : memref<!tpu.dma_semaphore, #tpu.memory_space<semaphore_mem>>) src(%arg9 : memref<128x128xf32, #tpu.memory_space<vmem>>) dst(%dma_wait3A_82 : memref<128x128xf32, #tpu.memory_space<vmem_shared>>)
      tpu.yield
    }) : () -> ()
    %add3A_13 = arith.constant 256 : i32
    %add3A_14 = arith.addi %mul3A_8, %add3A_13 : i32
    "tpu.region"() ({
      %run_scoped3A_74 = tpu.sem_alloc : memref<!tpu.dma_semaphore, #tpu.memory_space<semaphore_mem>>
      %dma_start3A_75 = arith.constant 0 : i32
      %dma_start3A_76 = tpu.memref_slice %arg11[%add3A_14, %dma_start3A_75] : memref<10240x128xf32, #tpu.memory_space<vmem_shared>> -> memref<128x128xf32, #tpu.memory_space<vmem_shared>>
      %dma_start3A_77 = arith.constant 0 : i32
      %dma_start3A_78 = tpu.memref_slice %arg11[%add3A_14, %dma_start3A_77] : memref<10240x128xf32, #tpu.memory_space<vmem_shared>> -> memref<128x128xf32, #tpu.memory_space<vmem_shared>>
      tpu.enqueue_dma source(%arg9 : memref<128x128xf32, #tpu.memory_space<vmem>>) target(%dma_start3A_78 : memref<128x128xf32, #tpu.memory_space<vmem_shared>>) target_semaphore(%run_scoped3A_74 : memref<!tpu.dma_semaphore, #tpu.memory_space<semaphore_mem>>)
      %dma_wait3A_79 = arith.constant 0 : i32
      %dma_wait3A_80 = tpu.memref_slice %arg11[%add3A_14, %dma_wait3A_79] : memref<10240x128xf32, #tpu.memory_space<vmem_shared>> -> memref<128x128xf32, #tpu.memory_space<vmem_shared>>
      %dma_wait3A_81 = arith.constant 0 : i32
      %dma_wait3A_82 = tpu.memref_slice %arg11[%add3A_14, %dma_wait3A_81] : memref<10240x128xf32, #tpu.memory_space<vmem_shared>> -> memref<128x128xf32, #tpu.memory_space<vmem_shared>>
      tpu.wait_dma2 semaphore(%run_scoped3A_74 : memref<!tpu.dma_semaphore, #tpu.memory_space<semaphore_mem>>) src(%arg9 : memref<128x128xf32, #tpu.memory_space<vmem>>) dst(%dma_wait3A_82 : memref<128x128xf32, #tpu.memory_space<vmem_shared>>)
      tpu.yield
    }) : () -> ()
    %add3A_15 = arith.constant 384 : i32
    %add3A_16 = arith.addi %mul3A_8, %add3A_15 : i32
    "tpu.region"() ({
      %run_scoped3A_74 = tpu.sem_alloc : memref<!tpu.dma_semaphore, #tpu.memory_space<semaphore_mem>>
      %dma_start3A_75 = arith.constant 0 : i32
      %dma_start3A_76 = tpu.memref_slice %arg11[%add3A_16, %dma_start3A_75] : memref<10240x128xf32, #tpu.memory_space<vmem_shared>> -> memref<128x128xf32, #tpu.memory_space<vmem_shared>>
      %dma_start3A_77 = arith.constant 0 : i32
      %dma_start3A_78 = tpu.memref_slice %arg11[%add3A_16, %dma_start3A_77] : memref<10240x128xf32, #tpu.memory_space<vmem_shared>> -> memref<128x128xf32, #tpu.memory_space<vmem_shared>>
      tpu.enqueue_dma source(%arg9 : memref<128x128xf32, #tpu.memory_space<vmem>>) target(%dma_start3A_78 : memref<128x128xf32, #tpu.memory_space<vmem_shared>>) target_semaphore(%run_scoped3A_74 : memref<!tpu.dma_semaphore, #tpu.memory_space<semaphore_mem>>)
      %dma_wait3A_79 = arith.constant 0 : i32
      %dma_wait3A_80 = tpu.memref_slice %arg11[%add3A_16, %dma_wait3A_79] : memref<10240x128xf32, #tpu.memory_space<vmem_shared>> -> memref<128x128xf32, #tpu.memory_space<vmem_shared>>
      %dma_wait3A_81 = arith.constant 0 : i32
      %dma_wait3A_82 = tpu.memref_slice %arg11[%add3A_16, %dma_wait3A_81] : memref<10240x128xf32, #tpu.memory_space<vmem_shared>> -> memref<128x128xf32, #tpu.memory_space<vmem_shared>>
      tpu.wait_dma2 semaphore(%run_scoped3A_74 : memref<!tpu.dma_semaphore, #tpu.memory_space<semaphore_mem>>) src(%arg9 : memref<128x128xf32, #tpu.memory_space<vmem>>) dst(%dma_wait3A_82 : memref<128x128xf32, #tpu.memory_space<vmem_shared>>)
      tpu.yield
    }) : () -> ()
    %add3A_17 = arith.constant 512 : i32
    %add3A_18 = arith.addi %mul3A_8, %add3A_17 : i32
    "tpu.region"() ({
      %run_scoped3A_74 = tpu.sem_alloc : memref<!tpu.dma_semaphore, #tpu.memory_space<semaphore_mem>>
      %dma_start3A_75 = arith.constant 0 : i32
      %dma_start3A_76 = tpu.memref_slice %arg11[%add3A_18, %dma_start3A_75] : memref<10240x128xf32, #tpu.memory_space<vmem_shared>> -> memref<128x128xf32, #tpu.memory_space<vmem_shared>>
      %dma_start3A_77 = arith.constant 0 : i32
      %dma_start3A_78 = tpu.memref_slice %arg11[%add3A_18, %dma_start3A_77] : memref<10240x128xf32, #tpu.memory_space<vmem_shared>> -> memref<128x128xf32, #tpu.memory_space<vmem_shared>>
      tpu.enqueue_dma source(%arg9 : memref<128x128xf32, #tpu.memory_space<vmem>>) target(%dma_start3A_78 : memref<128x128xf32, #tpu.memory_space<vmem_shared>>) target_semaphore(%run_scoped3A_74 : memref<!tpu.dma_semaphore, #tpu.memory_space<semaphore_mem>>)
      %dma_wait3A_79 = arith.constant 0 : i32
      %dma_wait3A_80 = tpu.memref_slice %arg11[%add3A_18, %dma_wait3A_79] : memref<10240x128xf32, #tpu.memory_space<vmem_shared>> -> memref<128x128xf32, #tpu.memory_space<vmem_shared>>
      %dma_wait3A_81 = arith.constant 0 : i32
      %dma_wait3A_82 = tpu.memref_slice %arg11[%add3A_18, %dma_wait3A_81] : memref<10240x128xf32, #tpu.memory_space<vmem_shared>> -> memref<128x128xf32, #tpu.memory_space<vmem_shared>>
      tpu.wait_dma2 semaphore(%run_scoped3A_74 : memref<!tpu.dma_semaphore, #tpu.memory_space<semaphore_mem>>) src(%arg9 : memref<128x128xf32, #tpu.memory_space<vmem>>) dst(%dma_wait3A_82 : memref<128x128xf32, #tpu.memory_space<vmem_shared>>)
      tpu.yield
    }) : () -> ()
    "tpu.region"() ({
      %run_scoped3A_74 = tpu.sem_alloc : memref<!tpu.dma_semaphore, #tpu.memory_space<semaphore_mem>>
      %dma_start3A_75 = arith.constant 0 : i32
      %dma_start3A_76 = arith.constant 0 : i32
      %dma_start3A_77 = tpu.memref_slice %arg3[%add3A, %dma_start3A_75, %dma_start3A_76] : memref<32x80x128xi32, #tpu.memory_space<hbm>> -> memref<1x1x128xi32, #tpu.memory_space<hbm>>
      %dma_start3A_78 = tpu.memref_squeeze %dma_start3A_77 : memref<1x1x128xi32, #tpu.memory_space<hbm>> -> memref<1x128xi32, #tpu.memory_space<hbm>>
      %dma_start3A_79 = arith.constant 0 : i32
      %dma_start3A_80 = arith.constant 0 : i32
      %dma_start3A_81 = tpu.memref_slice %arg3[%add3A, %dma_start3A_79, %dma_start3A_80] : memref<32x80x128xi32, #tpu.memory_space<hbm>> -> memref<1x1x128xi32, #tpu.memory_space<hbm>>
      %dma_start3A_82 = tpu.memref_squeeze %dma_start3A_81 : memref<1x1x128xi32, #tpu.memory_space<hbm>> -> memref<1x128xi32, #tpu.memory_space<hbm>>
      tpu.enqueue_dma source(%dma_start3A_82 : memref<1x128xi32, #tpu.memory_space<hbm>>) target(%arg6 : memref<1x128xi32, #tpu.memory_space<vmem>>) target_semaphore(%run_scoped3A_74 : memref<!tpu.dma_semaphore, #tpu.memory_space<semaphore_mem>>)
      %dma_wait3A_83 = arith.constant 0 : i32
      %dma_wait3A_84 = arith.constant 0 : i32
      %dma_wait3A_85 = tpu.memref_slice %arg3[%add3A, %dma_wait3A_83, %dma_wait3A_84] : memref<32x80x128xi32, #tpu.memory_space<hbm>> -> memref<1x1x128xi32, #tpu.memory_space<hbm>>
      %dma_wait3A_86 = tpu.memref_squeeze %dma_wait3A_85 : memref<1x1x128xi32, #tpu.memory_space<hbm>> -> memref<1x128xi32, #tpu.memory_space<hbm>>
      %dma_wait3A_87 = arith.constant 0 : i32
      %dma_wait3A_88 = arith.constant 0 : i32
      %dma_wait3A_89 = tpu.memref_slice %arg3[%add3A, %dma_wait3A_87, %dma_wait3A_88] : memref<32x80x128xi32, #tpu.memory_space<hbm>> -> memref<1x1x128xi32, #tpu.memory_space<hbm>>
      %dma_wait3A_90 = tpu.memref_squeeze %dma_wait3A_89 : memref<1x1x128xi32, #tpu.memory_space<hbm>> -> memref<1x128xi32, #tpu.memory_space<hbm>>
      tpu.wait_dma2 semaphore(%run_scoped3A_74 : memref<!tpu.dma_semaphore, #tpu.memory_space<semaphore_mem>>) src(%dma_wait3A_90 : memref<1x128xi32, #tpu.memory_space<hbm>>) dst(%arg6 : memref<1x128xi32, #tpu.memory_space<vmem>>)
      tpu.yield
    }) : () -> ()
    %dma_start3A = arith.constant 0 : i32
    %dma_start3A_19 = arith.constant 0 : i32
    %dma_start3A_20 = tpu.memref_slice %arg6[%dma_start3A, %dma_start3A_19] : memref<1x128xi32, #tpu.memory_space<vmem>> -> memref<1x128xi32, #tpu.memory_space<vmem>>
    %dma_start3A_21 = tpu.memref_squeeze %dma_start3A_20 : memref<1x128xi32, #tpu.memory_space<vmem>> -> memref<128xi32, #tpu.memory_space<vmem>>
    %dma_start3A_22 = arith.constant 0 : i32
    %dma_start3A_23 = arith.constant 0 : i32
    %dma_start3A_24 = tpu.memref_slice %arg2[%dma_start3A_22, %dma_start3A_23] : memref<10240x128xf32, #tpu.memory_space<hbm>> -> memref<10240x128xf32, #tpu.memory_space<hbm>>
    tpu.enqueue_indirect_dma source(%dma_start3A_24 : memref<10240x128xf32, #tpu.memory_space<hbm>>) target(%arg9 : memref<128x128xf32, #tpu.memory_space<vmem>>) offsets(%dma_start3A_21 : memref<128xi32, #tpu.memory_space<vmem>>) semaphore(%arg14 : memref<!tpu.dma_semaphore, #tpu.memory_space<semaphore_mem>>)
    %dma_start3A_25 = arith.constant 1 : i32
    %dma_start3A_26 = arith.constant 0 : i32
    %dma_start3A_27 = tpu.memref_slice %arg3[%add3A, %dma_start3A_25, %dma_start3A_26] : memref<32x80x128xi32, #tpu.memory_space<hbm>> -> memref<1x1x128xi32, #tpu.memory_space<hbm>>
    %dma_start3A_28 = tpu.memref_squeeze %dma_start3A_27 : memref<1x1x128xi32, #tpu.memory_space<hbm>> -> memref<1x128xi32, #tpu.memory_space<hbm>>
    %dma_start3A_29 = arith.constant 1 : i32
    %dma_start3A_30 = arith.constant 0 : i32
    %dma_start3A_31 = tpu.memref_slice %arg3[%add3A, %dma_start3A_29, %dma_start3A_30] : memref<32x80x128xi32, #tpu.memory_space<hbm>> -> memref<1x1x128xi32, #tpu.memory_space<hbm>>
    %dma_start3A_32 = tpu.memref_squeeze %dma_start3A_31 : memref<1x1x128xi32, #tpu.memory_space<hbm>> -> memref<1x128xi32, #tpu.memory_space<hbm>>
    tpu.enqueue_dma source(%dma_start3A_32 : memref<1x128xi32, #tpu.memory_space<hbm>>) target(%arg7 : memref<1x128xi32, #tpu.memory_space<vmem>>) target_semaphore(%arg13 : memref<!tpu.dma_semaphore, #tpu.memory_space<semaphore_mem>>)
    %barrier3A = arith.constant 0 : index
    tpu.barrier barrier_id(%barrier3A)
    %scan3A_33 = arith.constant 0 : i32
    %scan3A_34 = arith.constant 0 : i32
    %scan3A_35 = arith.constant 39 : i32
    %scan3A_36 = arith.addi %scan3A_34, %scan3A_35 : i32
    %scan3A_37 = arith.constant 1 : i32
    scf.for %scan3A_74 = %scan3A_34 to %scan3A_36 step %scan3A_37  : i32 {
      %mul3A_75 = arith.constant 2 : i32
      %mul3A_76 = arith.muli %scan3A_74, %mul3A_75 : i32
      %add3A_77 = arith.constant 1 : i32
      %add3A_78 = arith.addi %mul3A_76, %add3A_77 : i32
      %dma_wait3A_79 = arith.constant 0 : i32
      %dma_wait3A_80 = tpu.memref_slice %arg3[%add3A, %add3A_78, %dma_wait3A_79] : memref<32x80x128xi32, #tpu.memory_space<hbm>> -> memref<1x1x128xi32, #tpu.memory_space<hbm>>
      %dma_wait3A_81 = tpu.memref_squeeze %dma_wait3A_80 : memref<1x1x128xi32, #tpu.memory_space<hbm>> -> memref<1x128xi32, #tpu.memory_space<hbm>>
      %dma_wait3A_82 = arith.constant 0 : i32
      %dma_wait3A_83 = tpu.memref_slice %arg3[%add3A, %add3A_78, %dma_wait3A_82] : memref<32x80x128xi32, #tpu.memory_space<hbm>> -> memref<1x1x128xi32, #tpu.memory_space<hbm>>
      %dma_wait3A_84 = tpu.memref_squeeze %dma_wait3A_83 : memref<1x1x128xi32, #tpu.memory_space<hbm>> -> memref<1x128xi32, #tpu.memory_space<hbm>>
      tpu.wait_dma2 semaphore(%arg13 : memref<!tpu.dma_semaphore, #tpu.memory_space<semaphore_mem>>) src(%dma_wait3A_84 : memref<1x128xi32, #tpu.memory_space<hbm>>) dst(%arg7 : memref<1x128xi32, #tpu.memory_space<vmem>>)
      %dma_wait3A_85 = arith.constant 0 : i32
      %dma_wait3A_86 = arith.constant 0 : i32
      %dma_wait3A_87 = tpu.memref_slice %arg6[%dma_wait3A_85, %dma_wait3A_86] : memref<1x128xi32, #tpu.memory_space<vmem>> -> memref<1x128xi32, #tpu.memory_space<vmem>>
      %dma_wait3A_88 = tpu.memref_squeeze %dma_wait3A_87 : memref<1x128xi32, #tpu.memory_space<vmem>> -> memref<128xi32, #tpu.memory_space<vmem>>
      %dma_wait3A_89 = arith.constant 0 : i32
      %dma_wait3A_90 = arith.constant 0 : i32
      %dma_wait3A_91 = tpu.memref_slice %arg2[%dma_wait3A_89, %dma_wait3A_90] : memref<10240x128xf32, #tpu.memory_space<hbm>> -> memref<10240x128xf32, #tpu.memory_space<hbm>>
      tpu.wait_indirect_dma semaphore(%arg14 : memref<!tpu.dma_semaphore, #tpu.memory_space<semaphore_mem>>) src(%dma_wait3A_91 : memref<10240x128xf32, #tpu.memory_space<hbm>>) dst(%arg9 : memref<128x128xf32, #tpu.memory_space<vmem>>)
      %dma_start3A_92 = arith.constant 0 : i32
      %dma_start3A_93 = arith.constant 0 : i32
      %dma_start3A_94 = tpu.memref_slice %arg7[%dma_start3A_92, %dma_start3A_93] : memref<1x128xi32, #tpu.memory_space<vmem>> -> memref<1x128xi32, #tpu.memory_space<vmem>>
      %dma_start3A_95 = tpu.memref_squeeze %dma_start3A_94 : memref<1x128xi32, #tpu.memory_space<vmem>> -> memref<128xi32, #tpu.memory_space<vmem>>
      %dma_start3A_96 = arith.constant 0 : i32
      %dma_start3A_97 = arith.constant 0 : i32
      %dma_start3A_98 = tpu.memref_slice %arg2[%dma_start3A_96, %dma_start3A_97] : memref<10240x128xf32, #tpu.memory_space<hbm>> -> memref<10240x128xf32, #tpu.memory_space<hbm>>
      tpu.enqueue_indirect_dma source(%dma_start3A_98 : memref<10240x128xf32, #tpu.memory_space<hbm>>) target(%arg10 : memref<128x128xf32, #tpu.memory_space<vmem>>) offsets(%dma_start3A_95 : memref<128xi32, #tpu.memory_space<vmem>>) semaphore(%arg15 : memref<!tpu.dma_semaphore, #tpu.memory_space<semaphore_mem>>)
      %add3A_99 = arith.constant 2 : i32
      %add3A_100 = arith.addi %mul3A_76, %add3A_99 : i32
      %dma_start3A_101 = arith.constant 0 : i32
      %dma_start3A_102 = tpu.memref_slice %arg3[%add3A, %add3A_100, %dma_start3A_101] : memref<32x80x128xi32, #tpu.memory_space<hbm>> -> memref<1x1x128xi32, #tpu.memory_space<hbm>>
      %dma_start3A_103 = tpu.memref_squeeze %dma_start3A_102 : memref<1x1x128xi32, #tpu.memory_space<hbm>> -> memref<1x128xi32, #tpu.memory_space<hbm>>
      %dma_start3A_104 = arith.constant 0 : i32
      %dma_start3A_105 = tpu.memref_slice %arg3[%add3A, %add3A_100, %dma_start3A_104] : memref<32x80x128xi32, #tpu.memory_space<hbm>> -> memref<1x1x128xi32, #tpu.memory_space<hbm>>
      %dma_start3A_106 = tpu.memref_squeeze %dma_start3A_105 : memref<1x1x128xi32, #tpu.memory_space<hbm>> -> memref<1x128xi32, #tpu.memory_space<hbm>>
      tpu.enqueue_dma source(%dma_start3A_106 : memref<1x128xi32, #tpu.memory_space<hbm>>) target(%arg6 : memref<1x128xi32, #tpu.memory_space<vmem>>) target_semaphore(%arg12 : memref<!tpu.dma_semaphore, #tpu.memory_space<semaphore_mem>>)
      "tpu.region"() ({
        %run_scoped3A_139 = tpu.sem_alloc : memref<!tpu.dma_semaphore, #tpu.memory_space<semaphore_mem>>
        %dma_start3A_140 = arith.constant 0 : i32
        %dma_start3A_141 = tpu.memref_slice %arg8[%mul3A_76, %dma_start3A_140] : memref<79x128xi32, #tpu.memory_space<vmem>> -> memref<1x128xi32, #tpu.memory_space<vmem>>
        %dma_start3A_142 = tpu.memref_squeeze %dma_start3A_141 : memref<1x128xi32, #tpu.memory_space<vmem>> -> memref<128xi32, #tpu.memory_space<vmem>>
        %dma_start3A_143 = arith.constant 0 : i32
        %dma_start3A_144 = arith.constant 0 : i32
        %dma_start3A_145 = tpu.memref_slice %arg11[%dma_start3A_143, %dma_start3A_144] : memref<10240x128xf32, #tpu.memory_space<vmem_shared>> -> memref<10240x128xf32, #tpu.memory_space<vmem_shared>>
        tpu.enqueue_indirect_dma source(%arg9 : memref<128x128xf32, #tpu.memory_space<vmem>>) target(%dma_start3A_145 : memref<10240x128xf32, #tpu.memory_space<vmem_shared>>) offsets(%dma_start3A_142 : memref<128xi32, #tpu.memory_space<vmem>>) semaphore(%run_scoped3A_139 : memref<!tpu.dma_semaphore, #tpu.memory_space<semaphore_mem>>) {add = true}
        %dma_wait3A_146 = arith.constant 0 : i32
        %dma_wait3A_147 = tpu.memref_slice %arg8[%mul3A_76, %dma_wait3A_146] : memref<79x128xi32, #tpu.memory_space<vmem>> -> memref<1x128xi32, #tpu.memory_space<vmem>>
        %dma_wait3A_148 = tpu.memref_squeeze %dma_wait3A_147 : memref<1x128xi32, #tpu.memory_space<vmem>> -> memref<128xi32, #tpu.memory_space<vmem>>
        %dma_wait3A_149 = arith.constant 0 : i32
        %dma_wait3A_150 = arith.constant 0 : i32
        %dma_wait3A_151 = tpu.memref_slice %arg11[%dma_wait3A_149, %dma_wait3A_150] : memref<10240x128xf32, #tpu.memory_space<vmem_shared>> -> memref<10240x128xf32, #tpu.memory_space<vmem_shared>>
        tpu.wait_indirect_dma semaphore(%run_scoped3A_139 : memref<!tpu.dma_semaphore, #tpu.memory_space<semaphore_mem>>) src(%arg9 : memref<128x128xf32, #tpu.memory_space<vmem>>) dst(%dma_wait3A_151 : memref<10240x128xf32, #tpu.memory_space<vmem_shared>>)
        tpu.yield
      }) : () -> ()
      %add3A_107 = arith.constant 2 : i32
      %add3A_108 = arith.addi %mul3A_76, %add3A_107 : i32
      %dma_wait3A_109 = arith.constant 0 : i32
      %dma_wait3A_110 = tpu.memref_slice %arg3[%add3A, %add3A_108, %dma_wait3A_109] : memref<32x80x128xi32, #tpu.memory_space<hbm>> -> memref<1x1x128xi32, #tpu.memory_space<hbm>>
      %dma_wait3A_111 = tpu.memref_squeeze %dma_wait3A_110 : memref<1x1x128xi32, #tpu.memory_space<hbm>> -> memref<1x128xi32, #tpu.memory_space<hbm>>
      %dma_wait3A_112 = arith.constant 0 : i32
      %dma_wait3A_113 = tpu.memref_slice %arg3[%add3A, %add3A_108, %dma_wait3A_112] : memref<32x80x128xi32, #tpu.memory_space<hbm>> -> memref<1x1x128xi32, #tpu.memory_space<hbm>>
      %dma_wait3A_114 = tpu.memref_squeeze %dma_wait3A_113 : memref<1x1x128xi32, #tpu.memory_space<hbm>> -> memref<1x128xi32, #tpu.memory_space<hbm>>
      tpu.wait_dma2 semaphore(%arg12 : memref<!tpu.dma_semaphore, #tpu.memory_space<semaphore_mem>>) src(%dma_wait3A_114 : memref<1x128xi32, #tpu.memory_space<hbm>>) dst(%arg6 : memref<1x128xi32, #tpu.memory_space<vmem>>)
      %dma_wait3A_115 = arith.constant 0 : i32
      %dma_wait3A_116 = arith.constant 0 : i32
      %dma_wait3A_117 = tpu.memref_slice %arg7[%dma_wait3A_115, %dma_wait3A_116] : memref<1x128xi32, #tpu.memory_space<vmem>> -> memref<1x128xi32, #tpu.memory_space<vmem>>
      %dma_wait3A_118 = tpu.memref_squeeze %dma_wait3A_117 : memref<1x128xi32, #tpu.memory_space<vmem>> -> memref<128xi32, #tpu.memory_space<vmem>>
      %dma_wait3A_119 = arith.constant 0 : i32
      %dma_wait3A_120 = arith.constant 0 : i32
      %dma_wait3A_121 = tpu.memref_slice %arg2[%dma_wait3A_119, %dma_wait3A_120] : memref<10240x128xf32, #tpu.memory_space<hbm>> -> memref<10240x128xf32, #tpu.memory_space<hbm>>
      tpu.wait_indirect_dma semaphore(%arg15 : memref<!tpu.dma_semaphore, #tpu.memory_space<semaphore_mem>>) src(%dma_wait3A_121 : memref<10240x128xf32, #tpu.memory_space<hbm>>) dst(%arg10 : memref<128x128xf32, #tpu.memory_space<vmem>>)
      %dma_start3A_122 = arith.constant 0 : i32
      %dma_start3A_123 = arith.constant 0 : i32
      %dma_start3A_124 = tpu.memref_slice %arg6[%dma_start3A_122, %dma_start3A_123] : memref<1x128xi32, #tpu.memory_space<vmem>> -> memref<1x128xi32, #tpu.memory_space<vmem>>
      %dma_start3A_125 = tpu.memref_squeeze %dma_start3A_124 : memref<1x128xi32, #tpu.memory_space<vmem>> -> memref<128xi32, #tpu.memory_space<vmem>>
      %dma_start3A_126 = arith.constant 0 : i32
      %dma_start3A_127 = arith.constant 0 : i32
      %dma_start3A_128 = tpu.memref_slice %arg2[%dma_start3A_126, %dma_start3A_127] : memref<10240x128xf32, #tpu.memory_space<hbm>> -> memref<10240x128xf32, #tpu.memory_space<hbm>>
      tpu.enqueue_indirect_dma source(%dma_start3A_128 : memref<10240x128xf32, #tpu.memory_space<hbm>>) target(%arg9 : memref<128x128xf32, #tpu.memory_space<vmem>>) offsets(%dma_start3A_125 : memref<128xi32, #tpu.memory_space<vmem>>) semaphore(%arg14 : memref<!tpu.dma_semaphore, #tpu.memory_space<semaphore_mem>>)
      %add3A_129 = arith.constant 3 : i32
      %add3A_130 = arith.addi %mul3A_76, %add3A_129 : i32
      %dma_start3A_131 = arith.constant 0 : i32
      %dma_start3A_132 = tpu.memref_slice %arg3[%add3A, %add3A_130, %dma_start3A_131] : memref<32x80x128xi32, #tpu.memory_space<hbm>> -> memref<1x1x128xi32, #tpu.memory_space<hbm>>
      %dma_start3A_133 = tpu.memref_squeeze %dma_start3A_132 : memref<1x1x128xi32, #tpu.memory_space<hbm>> -> memref<1x128xi32, #tpu.memory_space<hbm>>
      %dma_start3A_134 = arith.constant 0 : i32
      %dma_start3A_135 = tpu.memref_slice %arg3[%add3A, %add3A_130, %dma_start3A_134] : memref<32x80x128xi32, #tpu.memory_space<hbm>> -> memref<1x1x128xi32, #tpu.memory_space<hbm>>
      %dma_start3A_136 = tpu.memref_squeeze %dma_start3A_135 : memref<1x1x128xi32, #tpu.memory_space<hbm>> -> memref<1x128xi32, #tpu.memory_space<hbm>>
      tpu.enqueue_dma source(%dma_start3A_136 : memref<1x128xi32, #tpu.memory_space<hbm>>) target(%arg7 : memref<1x128xi32, #tpu.memory_space<vmem>>) target_semaphore(%arg13 : memref<!tpu.dma_semaphore, #tpu.memory_space<semaphore_mem>>)
      %add3A_137 = arith.constant 1 : i32
      %add3A_138 = arith.addi %mul3A_76, %add3A_137 : i32
      "tpu.region"() ({
        %run_scoped3A_139 = tpu.sem_alloc : memref<!tpu.dma_semaphore, #tpu.memory_space<semaphore_mem>>
        %dma_start3A_140 = arith.constant 0 : i32
        %dma_start3A_141 = tpu.memref_slice %arg8[%add3A_138, %dma_start3A_140] : memref<79x128xi32, #tpu.memory_space<vmem>> -> memref<1x128xi32, #tpu.memory_space<vmem>>
        %dma_start3A_142 = tpu.memref_squeeze %dma_start3A_141 : memref<1x128xi32, #tpu.memory_space<vmem>> -> memref<128xi32, #tpu.memory_space<vmem>>
        %dma_start3A_143 = arith.constant 0 : i32
        %dma_start3A_144 = arith.constant 0 : i32
        %dma_start3A_145 = tpu.memref_slice %arg11[%dma_start3A_143, %dma_start3A_144] : memref<10240x128xf32, #tpu.memory_space<vmem_shared>> -> memref<10240x128xf32, #tpu.memory_space<vmem_shared>>
        tpu.enqueue_indirect_dma source(%arg10 : memref<128x128xf32, #tpu.memory_space<vmem>>) target(%dma_start3A_145 : memref<10240x128xf32, #tpu.memory_space<vmem_shared>>) offsets(%dma_start3A_142 : memref<128xi32, #tpu.memory_space<vmem>>) semaphore(%run_scoped3A_139 : memref<!tpu.dma_semaphore, #tpu.memory_space<semaphore_mem>>) {add = true}
        %dma_wait3A_146 = arith.constant 0 : i32
        %dma_wait3A_147 = tpu.memref_slice %arg8[%add3A_138, %dma_wait3A_146] : memref<79x128xi32, #tpu.memory_space<vmem>> -> memref<1x128xi32, #tpu.memory_space<vmem>>
        %dma_wait3A_148 = tpu.memref_squeeze %dma_wait3A_147 : memref<1x128xi32, #tpu.memory_space<vmem>> -> memref<128xi32, #tpu.memory_space<vmem>>
        %dma_wait3A_149 = arith.constant 0 : i32
        %dma_wait3A_150 = arith.constant 0 : i32
        %dma_wait3A_151 = tpu.memref_slice %arg11[%dma_wait3A_149, %dma_wait3A_150] : memref<10240x128xf32, #tpu.memory_space<vmem_shared>> -> memref<10240x128xf32, #tpu.memory_space<vmem_shared>>
        tpu.wait_indirect_dma semaphore(%run_scoped3A_139 : memref<!tpu.dma_semaphore, #tpu.memory_space<semaphore_mem>>) src(%arg10 : memref<128x128xf32, #tpu.memory_space<vmem>>) dst(%dma_wait3A_151 : memref<10240x128xf32, #tpu.memory_space<vmem_shared>>)
        tpu.yield
      }) : () -> ()
    }
    %scan3A_38 = arith.constant 39 : i32
    %dma_wait3A = arith.constant 0 : i32
    %dma_wait3A_39 = arith.constant 0 : i32
    %dma_wait3A_40 = tpu.memref_slice %arg6[%dma_wait3A, %dma_wait3A_39] : memref<1x128xi32, #tpu.memory_space<vmem>> -> memref<1x128xi32, #tpu.memory_space<vmem>>
    %dma_wait3A_41 = tpu.memref_squeeze %dma_wait3A_40 : memref<1x128xi32, #tpu.memory_space<vmem>> -> memref<128xi32, #tpu.memory_space<vmem>>
    %dma_wait3A_42 = arith.constant 0 : i32
    %dma_wait3A_43 = arith.constant 0 : i32
    %dma_wait3A_44 = tpu.memref_slice %arg2[%dma_wait3A_42, %dma_wait3A_43] : memref<10240x128xf32, #tpu.memory_space<hbm>> -> memref<10240x128xf32, #tpu.memory_space<hbm>>
    tpu.wait_indirect_dma semaphore(%arg14 : memref<!tpu.dma_semaphore, #tpu.memory_space<semaphore_mem>>) src(%dma_wait3A_44 : memref<10240x128xf32, #tpu.memory_space<hbm>>) dst(%arg9 : memref<128x128xf32, #tpu.memory_space<vmem>>)
    %dma_wait3A_45 = arith.constant 79 : i32
    %dma_wait3A_46 = arith.constant 0 : i32
    %dma_wait3A_47 = tpu.memref_slice %arg3[%add3A, %dma_wait3A_45, %dma_wait3A_46] : memref<32x80x128xi32, #tpu.memory_space<hbm>> -> memref<1x1x128xi32, #tpu.memory_space<hbm>>
    %dma_wait3A_48 = tpu.memref_squeeze %dma_wait3A_47 : memref<1x1x128xi32, #tpu.memory_space<hbm>> -> memref<1x128xi32, #tpu.memory_space<hbm>>
    %dma_wait3A_49 = arith.constant 79 : i32
    %dma_wait3A_50 = arith.constant 0 : i32
    %dma_wait3A_51 = tpu.memref_slice %arg3[%add3A, %dma_wait3A_49, %dma_wait3A_50] : memref<32x80x128xi32, #tpu.memory_space<hbm>> -> memref<1x1x128xi32, #tpu.memory_space<hbm>>
    %dma_wait3A_52 = tpu.memref_squeeze %dma_wait3A_51 : memref<1x1x128xi32, #tpu.memory_space<hbm>> -> memref<1x128xi32, #tpu.memory_space<hbm>>
    tpu.wait_dma2 semaphore(%arg13 : memref<!tpu.dma_semaphore, #tpu.memory_space<semaphore_mem>>) src(%dma_wait3A_52 : memref<1x128xi32, #tpu.memory_space<hbm>>) dst(%arg7 : memref<1x128xi32, #tpu.memory_space<vmem>>)
    %run_scoped3A = arith.constant 78 : i32
    "tpu.region"() ({
      %run_scoped3A_74 = tpu.sem_alloc : memref<!tpu.dma_semaphore, #tpu.memory_space<semaphore_mem>>
      %dma_start3A_75 = arith.constant 0 : i32
      %dma_start3A_76 = tpu.memref_slice %arg8[%run_scoped3A, %dma_start3A_75] : memref<79x128xi32, #tpu.memory_space<vmem>> -> memref<1x128xi32, #tpu.memory_space<vmem>>
      %dma_start3A_77 = tpu.memref_squeeze %dma_start3A_76 : memref<1x128xi32, #tpu.memory_space<vmem>> -> memref<128xi32, #tpu.memory_space<vmem>>
      %dma_start3A_78 = arith.constant 0 : i32
      %dma_start3A_79 = arith.constant 0 : i32
      %dma_start3A_80 = tpu.memref_slice %arg11[%dma_start3A_78, %dma_start3A_79] : memref<10240x128xf32, #tpu.memory_space<vmem_shared>> -> memref<10240x128xf32, #tpu.memory_space<vmem_shared>>
      tpu.enqueue_indirect_dma source(%arg9 : memref<128x128xf32, #tpu.memory_space<vmem>>) target(%dma_start3A_80 : memref<10240x128xf32, #tpu.memory_space<vmem_shared>>) offsets(%dma_start3A_77 : memref<128xi32, #tpu.memory_space<vmem>>) semaphore(%run_scoped3A_74 : memref<!tpu.dma_semaphore, #tpu.memory_space<semaphore_mem>>) {add = true}
      %dma_wait3A_81 = arith.constant 0 : i32
      %dma_wait3A_82 = tpu.memref_slice %arg8[%run_scoped3A, %dma_wait3A_81] : memref<79x128xi32, #tpu.memory_space<vmem>> -> memref<1x128xi32, #tpu.memory_space<vmem>>
      %dma_wait3A_83 = tpu.memref_squeeze %dma_wait3A_82 : memref<1x128xi32, #tpu.memory_space<vmem>> -> memref<128xi32, #tpu.memory_space<vmem>>
      %dma_wait3A_84 = arith.constant 0 : i32
      %dma_wait3A_85 = arith.constant 0 : i32
      %dma_wait3A_86 = tpu.memref_slice %arg11[%dma_wait3A_84, %dma_wait3A_85] : memref<10240x128xf32, #tpu.memory_space<vmem_shared>> -> memref<10240x128xf32, #tpu.memory_space<vmem_shared>>
      tpu.wait_indirect_dma semaphore(%run_scoped3A_74 : memref<!tpu.dma_semaphore, #tpu.memory_space<semaphore_mem>>) src(%arg9 : memref<128x128xf32, #tpu.memory_space<vmem>>) dst(%dma_wait3A_86 : memref<10240x128xf32, #tpu.memory_space<vmem_shared>>)
      tpu.yield
    }) : () -> ()
    %barrier3A_53 = arith.constant 0 : index
    tpu.barrier barrier_id(%barrier3A_53)
    %add3A_54 = arith.constant 0 : i32
    %add3A_55 = arith.addi %mul3A_8, %add3A_54 : i32
    %add3A_56 = arith.constant 0 : i32
    %add3A_57 = arith.addi %mul3A_8, %add3A_56 : i32
    "tpu.region"() ({
      %run_scoped3A_74 = tpu.sem_alloc : memref<!tpu.dma_semaphore, #tpu.memory_space<semaphore_mem>>
      %dma_start3A_75 = arith.constant 0 : i32
      %dma_start3A_76 = tpu.memref_slice %arg5[%arg0, %add3A_57, %dma_start3A_75] : memref<2x10240x128xf32, #tpu.memory_space<hbm>> -> memref<1x128x128xf32, #tpu.memory_space<hbm>>
      %dma_start3A_77 = tpu.memref_squeeze %dma_start3A_76 : memref<1x128x128xf32, #tpu.memory_space<hbm>> -> memref<128x128xf32, #tpu.memory_space<hbm>>
      %dma_start3A_78 = arith.constant 0 : i32
      %dma_start3A_79 = tpu.memref_slice %arg11[%add3A_55, %dma_start3A_78] : memref<10240x128xf32, #tpu.memory_space<vmem_shared>> -> memref<128x128xf32, #tpu.memory_space<vmem_shared>>
      tpu.enqueue_dma source(%dma_start3A_79 : memref<128x128xf32, #tpu.memory_space<vmem_shared>>) target(%dma_start3A_77 : memref<128x128xf32, #tpu.memory_space<hbm>>) target_semaphore(%run_scoped3A_74 : memref<!tpu.dma_semaphore, #tpu.memory_space<semaphore_mem>>)
      %dma_wait3A_80 = arith.constant 0 : i32
      %dma_wait3A_81 = tpu.memref_slice %arg5[%arg0, %add3A_57, %dma_wait3A_80] : memref<2x10240x128xf32, #tpu.memory_space<hbm>> -> memref<1x128x128xf32, #tpu.memory_space<hbm>>
      %dma_wait3A_82 = tpu.memref_squeeze %dma_wait3A_81 : memref<1x128x128xf32, #tpu.memory_space<hbm>> -> memref<128x128xf32, #tpu.memory_space<hbm>>
      %dma_wait3A_83 = arith.constant 0 : i32
      %dma_wait3A_84 = tpu.memref_slice %arg11[%add3A_55, %dma_wait3A_83] : memref<10240x128xf32, #tpu.memory_space<vmem_shared>> -> memref<128x128xf32, #tpu.memory_space<vmem_shared>>
      tpu.wait_dma2 semaphore(%run_scoped3A_74 : memref<!tpu.dma_semaphore, #tpu.memory_space<semaphore_mem>>) src(%dma_wait3A_84 : memref<128x128xf32, #tpu.memory_space<vmem_shared>>) dst(%dma_wait3A_82 : memref<128x128xf32, #tpu.memory_space<hbm>>)
      tpu.yield
    }) : () -> ()
    %add3A_58 = arith.constant 128 : i32
    %add3A_59 = arith.addi %mul3A_8, %add3A_58 : i32
    %add3A_60 = arith.constant 128 : i32
    %add3A_61 = arith.addi %mul3A_8, %add3A_60 : i32
    "tpu.region"() ({
      %run_scoped3A_74 = tpu.sem_alloc : memref<!tpu.dma_semaphore, #tpu.memory_space<semaphore_mem>>
      %dma_start3A_75 = arith.constant 0 : i32
      %dma_start3A_76 = tpu.memref_slice %arg5[%arg0, %add3A_61, %dma_start3A_75] : memref<2x10240x128xf32, #tpu.memory_space<hbm>> -> memref<1x128x128xf32, #tpu.memory_space<hbm>>
      %dma_start3A_77 = tpu.memref_squeeze %dma_start3A_76 : memref<1x128x128xf32, #tpu.memory_space<hbm>> -> memref<128x128xf32, #tpu.memory_space<hbm>>
      %dma_start3A_78 = arith.constant 0 : i32
      %dma_start3A_79 = tpu.memref_slice %arg11[%add3A_59, %dma_start3A_78] : memref<10240x128xf32, #tpu.memory_space<vmem_shared>> -> memref<128x128xf32, #tpu.memory_space<vmem_shared>>
      tpu.enqueue_dma source(%dma_start3A_79 : memref<128x128xf32, #tpu.memory_space<vmem_shared>>) target(%dma_start3A_77 : memref<128x128xf32, #tpu.memory_space<hbm>>) target_semaphore(%run_scoped3A_74 : memref<!tpu.dma_semaphore, #tpu.memory_space<semaphore_mem>>)
      %dma_wait3A_80 = arith.constant 0 : i32
      %dma_wait3A_81 = tpu.memref_slice %arg5[%arg0, %add3A_61, %dma_wait3A_80] : memref<2x10240x128xf32, #tpu.memory_space<hbm>> -> memref<1x128x128xf32, #tpu.memory_space<hbm>>
      %dma_wait3A_82 = tpu.memref_squeeze %dma_wait3A_81 : memref<1x128x128xf32, #tpu.memory_space<hbm>> -> memref<128x128xf32, #tpu.memory_space<hbm>>
      %dma_wait3A_83 = arith.constant 0 : i32
      %dma_wait3A_84 = tpu.memref_slice %arg11[%add3A_59, %dma_wait3A_83] : memref<10240x128xf32, #tpu.memory_space<vmem_shared>> -> memref<128x128xf32, #tpu.memory_space<vmem_shared>>
      tpu.wait_dma2 semaphore(%run_scoped3A_74 : memref<!tpu.dma_semaphore, #tpu.memory_space<semaphore_mem>>) src(%dma_wait3A_84 : memref<128x128xf32, #tpu.memory_space<vmem_shared>>) dst(%dma_wait3A_82 : memref<128x128xf32, #tpu.memory_space<hbm>>)
      tpu.yield
    }) : () -> ()
    %add3A_62 = arith.constant 256 : i32
    %add3A_63 = arith.addi %mul3A_8, %add3A_62 : i32
    %add3A_64 = arith.constant 256 : i32
    %add3A_65 = arith.addi %mul3A_8, %add3A_64 : i32
    "tpu.region"() ({
      %run_scoped3A_74 = tpu.sem_alloc : memref<!tpu.dma_semaphore, #tpu.memory_space<semaphore_mem>>
      %dma_start3A_75 = arith.constant 0 : i32
      %dma_start3A_76 = tpu.memref_slice %arg5[%arg0, %add3A_65, %dma_start3A_75] : memref<2x10240x128xf32, #tpu.memory_space<hbm>> -> memref<1x128x128xf32, #tpu.memory_space<hbm>>
      %dma_start3A_77 = tpu.memref_squeeze %dma_start3A_76 : memref<1x128x128xf32, #tpu.memory_space<hbm>> -> memref<128x128xf32, #tpu.memory_space<hbm>>
      %dma_start3A_78 = arith.constant 0 : i32
      %dma_start3A_79 = tpu.memref_slice %arg11[%add3A_63, %dma_start3A_78] : memref<10240x128xf32, #tpu.memory_space<vmem_shared>> -> memref<128x128xf32, #tpu.memory_space<vmem_shared>>
      tpu.enqueue_dma source(%dma_start3A_79 : memref<128x128xf32, #tpu.memory_space<vmem_shared>>) target(%dma_start3A_77 : memref<128x128xf32, #tpu.memory_space<hbm>>) target_semaphore(%run_scoped3A_74 : memref<!tpu.dma_semaphore, #tpu.memory_space<semaphore_mem>>)
      %dma_wait3A_80 = arith.constant 0 : i32
      %dma_wait3A_81 = tpu.memref_slice %arg5[%arg0, %add3A_65, %dma_wait3A_80] : memref<2x10240x128xf32, #tpu.memory_space<hbm>> -> memref<1x128x128xf32, #tpu.memory_space<hbm>>
      %dma_wait3A_82 = tpu.memref_squeeze %dma_wait3A_81 : memref<1x128x128xf32, #tpu.memory_space<hbm>> -> memref<128x128xf32, #tpu.memory_space<hbm>>
      %dma_wait3A_83 = arith.constant 0 : i32
      %dma_wait3A_84 = tpu.memref_slice %arg11[%add3A_63, %dma_wait3A_83] : memref<10240x128xf32, #tpu.memory_space<vmem_shared>> -> memref<128x128xf32, #tpu.memory_space<vmem_shared>>
      tpu.wait_dma2 semaphore(%run_scoped3A_74 : memref<!tpu.dma_semaphore, #tpu.memory_space<semaphore_mem>>) src(%dma_wait3A_84 : memref<128x128xf32, #tpu.memory_space<vmem_shared>>) dst(%dma_wait3A_82 : memref<128x128xf32, #tpu.memory_space<hbm>>)
      tpu.yield
    }) : () -> ()
    %add3A_66 = arith.constant 384 : i32
    %add3A_67 = arith.addi %mul3A_8, %add3A_66 : i32
    %add3A_68 = arith.constant 384 : i32
    %add3A_69 = arith.addi %mul3A_8, %add3A_68 : i32
    "tpu.region"() ({
      %run_scoped3A_74 = tpu.sem_alloc : memref<!tpu.dma_semaphore, #tpu.memory_space<semaphore_mem>>
      %dma_start3A_75 = arith.constant 0 : i32
      %dma_start3A_76 = tpu.memref_slice %arg5[%arg0, %add3A_69, %dma_start3A_75] : memref<2x10240x128xf32, #tpu.memory_space<hbm>> -> memref<1x128x128xf32, #tpu.memory_space<hbm>>
      %dma_start3A_77 = tpu.memref_squeeze %dma_start3A_76 : memref<1x128x128xf32, #tpu.memory_space<hbm>> -> memref<128x128xf32, #tpu.memory_space<hbm>>
      %dma_start3A_78 = arith.constant 0 : i32
      %dma_start3A_79 = tpu.memref_slice %arg11[%add3A_67, %dma_start3A_78] : memref<10240x128xf32, #tpu.memory_space<vmem_shared>> -> memref<128x128xf32, #tpu.memory_space<vmem_shared>>
      tpu.enqueue_dma source(%dma_start3A_79 : memref<128x128xf32, #tpu.memory_space<vmem_shared>>) target(%dma_start3A_77 : memref<128x128xf32, #tpu.memory_space<hbm>>) target_semaphore(%run_scoped3A_74 : memref<!tpu.dma_semaphore, #tpu.memory_space<semaphore_mem>>)
      %dma_wait3A_80 = arith.constant 0 : i32
      %dma_wait3A_81 = tpu.memref_slice %arg5[%arg0, %add3A_69, %dma_wait3A_80] : memref<2x10240x128xf32, #tpu.memory_space<hbm>> -> memref<1x128x128xf32, #tpu.memory_space<hbm>>
      %dma_wait3A_82 = tpu.memref_squeeze %dma_wait3A_81 : memref<1x128x128xf32, #tpu.memory_space<hbm>> -> memref<128x128xf32, #tpu.memory_space<hbm>>
      %dma_wait3A_83 = arith.constant 0 : i32
      %dma_wait3A_84 = tpu.memref_slice %arg11[%add3A_67, %dma_wait3A_83] : memref<10240x128xf32, #tpu.memory_space<vmem_shared>> -> memref<128x128xf32, #tpu.memory_space<vmem_shared>>
      tpu.wait_dma2 semaphore(%run_scoped3A_74 : memref<!tpu.dma_semaphore, #tpu.memory_space<semaphore_mem>>) src(%dma_wait3A_84 : memref<128x128xf32, #tpu.memory_space<vmem_shared>>) dst(%dma_wait3A_82 : memref<128x128xf32, #tpu.memory_space<hbm>>)
      tpu.yield
    }) : () -> ()
    %add3A_70 = arith.constant 512 : i32
    %add3A_71 = arith.addi %mul3A_8, %add3A_70 : i32
    %add3A_72 = arith.constant 512 : i32
    %add3A_73 = arith.addi %mul3A_8, %add3A_72 : i32
    "tpu.region"() ({
      %run_scoped3A_74 = tpu.sem_alloc : memref<!tpu.dma_semaphore, #tpu.memory_space<semaphore_mem>>
      %dma_start3A_75 = arith.constant 0 : i32
      %dma_start3A_76 = tpu.memref_slice %arg5[%arg0, %add3A_73, %dma_start3A_75] : memref<2x10240x128xf32, #tpu.memory_space<hbm>> -> memref<1x128x128xf32, #tpu.memory_space<hbm>>
      %dma_start3A_77 = tpu.memref_squeeze %dma_start3A_76 : memref<1x128x128xf32, #tpu.memory_space<hbm>> -> memref<128x128xf32, #tpu.memory_space<hbm>>
      %dma_start3A_78 = arith.constant 0 : i32
      %dma_start3A_79 = tpu.memref_slice %arg11[%add3A_71, %dma_start3A_78] : memref<10240x128xf32, #tpu.memory_space<vmem_shared>> -> memref<128x128xf32, #tpu.memory_space<vmem_shared>>
      tpu.enqueue_dma source(%dma_start3A_79 : memref<128x128xf32, #tpu.memory_space<vmem_shared>>) target(%dma_start3A_77 : memref<128x128xf32, #tpu.memory_space<hbm>>) target_semaphore(%run_scoped3A_74 : memref<!tpu.dma_semaphore, #tpu.memory_space<semaphore_mem>>)
      %dma_wait3A_80 = arith.constant 0 : i32
      %dma_wait3A_81 = tpu.memref_slice %arg5[%arg0, %add3A_73, %dma_wait3A_80] : memref<2x10240x128xf32, #tpu.memory_space<hbm>> -> memref<1x128x128xf32, #tpu.memory_space<hbm>>
      %dma_wait3A_82 = tpu.memref_squeeze %dma_wait3A_81 : memref<1x128x128xf32, #tpu.memory_space<hbm>> -> memref<128x128xf32, #tpu.memory_space<hbm>>
      %dma_wait3A_83 = arith.constant 0 : i32
      %dma_wait3A_84 = tpu.memref_slice %arg11[%add3A_71, %dma_wait3A_83] : memref<10240x128xf32, #tpu.memory_space<vmem_shared>> -> memref<128x128xf32, #tpu.memory_space<vmem_shared>>
      tpu.wait_dma2 semaphore(%run_scoped3A_74 : memref<!tpu.dma_semaphore, #tpu.memory_space<semaphore_mem>>) src(%dma_wait3A_84 : memref<128x128xf32, #tpu.memory_space<vmem_shared>>) dst(%dma_wait3A_82 : memref<128x128xf32, #tpu.memory_space<hbm>>)
      tpu.yield
    }) : () -> ()
    return
  }
}

#map = affine_map<(d0, d1) -> (0, 0)>
#map1 = affine_map<(d0, d1) -> (0, 0, 0)>
module attributes {stable_mosaic.version = 14 : i64} {
  func.func @_scatter(%arg0: i32, %arg1: i32, %arg2: memref<10240x64xf32, #tpu.memory_space<hbm>>, %arg3: memref<32x80x128xi32, #tpu.memory_space<hbm>>, %arg4: memref<32x79x128xi32, #tpu.memory_space<hbm>>, %arg5: memref<2x10240x64xf32, #tpu.memory_space<hbm>>, %arg6: memref<1x128xi32, #tpu.memory_space<vmem>>, %arg7: memref<1x128xi32, #tpu.memory_space<vmem>>, %arg8: memref<79x128xi32, #tpu.memory_space<vmem>>, %arg9: memref<128x64xf32, #tpu.memory_space<vmem>>, %arg10: memref<128x64xf32, #tpu.memory_space<vmem>>, %arg11: memref<10240x64xf32, #tpu.memory_space<vmem_shared>>, %arg12: memref<!tpu.dma_semaphore, #tpu.memory_space<semaphore_mem>>, %arg13: memref<!tpu.dma_semaphore, #tpu.memory_space<semaphore_mem>>, %arg14: memref<!tpu.dma_semaphore, #tpu.memory_space<semaphore_mem>>, %arg15: memref<!tpu.dma_semaphore, #tpu.memory_space<semaphore_mem>>) attributes {dimension_semantics = [#tpu.dimension_semantics<core_parallel>, #tpu.dimension_semantics<subcore_parallel>], iteration_bounds = array<i64: 2, 16>, scalar_prefetch = 0 : i64, scratch_operands = 10 : i64, tpu.core_type = #tpu.core_type<sc_vector_subcore>, window_params = [{transform_indices = #map}, {transform_indices = #map1}, {transform_indices = #map1}, {transform_indices = #map1}]} {
    %mul3A = arith.constant 16 : i32
    %mul3A_0 = arith.muli %arg0, %mul3A : i32
    %add3A = arith.addi %mul3A_0, %arg1 : i32
    "tpu.region"() ({
      %run_scoped3A_74 = tpu.sem_alloc : memref<!tpu.dma_semaphore, #tpu.memory_space<semaphore_mem>>
      %dma_start3A_75 = arith.constant 0 : i32
      %dma_start3A_76 = arith.constant 0 : i32
      %dma_start3A_77 = tpu.memref_slice %arg4[%add3A, %dma_start3A_75, %dma_start3A_76] : memref<32x79x128xi32, #tpu.memory_space<hbm>> -> memref<1x79x128xi32, #tpu.memory_space<hbm>>
      %dma_start3A_78 = tpu.memref_squeeze %dma_start3A_77 : memref<1x79x128xi32, #tpu.memory_space<hbm>> -> memref<79x128xi32, #tpu.memory_space<hbm>>
      %dma_start3A_79 = arith.constant 0 : i32
      %dma_start3A_80 = arith.constant 0 : i32
      %dma_start3A_81 = tpu.memref_slice %arg4[%add3A, %dma_start3A_79, %dma_start3A_80] : memref<32x79x128xi32, #tpu.memory_space<hbm>> -> memref<1x79x128xi32, #tpu.memory_space<hbm>>
      %dma_start3A_82 = tpu.memref_squeeze %dma_start3A_81 : memref<1x79x128xi32, #tpu.memory_space<hbm>> -> memref<79x128xi32, #tpu.memory_space<hbm>>
      tpu.enqueue_dma source(%dma_start3A_82 : memref<79x128xi32, #tpu.memory_space<hbm>>) target(%arg8 : memref<79x128xi32, #tpu.memory_space<vmem>>) target_semaphore(%run_scoped3A_74 : memref<!tpu.dma_semaphore, #tpu.memory_space<semaphore_mem>>)
      %dma_wait3A_83 = arith.constant 0 : i32
      %dma_wait3A_84 = arith.constant 0 : i32
      %dma_wait3A_85 = tpu.memref_slice %arg4[%add3A, %dma_wait3A_83, %dma_wait3A_84] : memref<32x79x128xi32, #tpu.memory_space<hbm>> -> memref<1x79x128xi32, #tpu.memory_space<hbm>>
      %dma_wait3A_86 = tpu.memref_squeeze %dma_wait3A_85 : memref<1x79x128xi32, #tpu.memory_space<hbm>> -> memref<79x128xi32, #tpu.memory_space<hbm>>
      %dma_wait3A_87 = arith.constant 0 : i32
      %dma_wait3A_88 = arith.constant 0 : i32
      %dma_wait3A_89 = tpu.memref_slice %arg4[%add3A, %dma_wait3A_87, %dma_wait3A_88] : memref<32x79x128xi32, #tpu.memory_space<hbm>> -> memref<1x79x128xi32, #tpu.memory_space<hbm>>
      %dma_wait3A_90 = tpu.memref_squeeze %dma_wait3A_89 : memref<1x79x128xi32, #tpu.memory_space<hbm>> -> memref<79x128xi32, #tpu.memory_space<hbm>>
      tpu.wait_dma2 semaphore(%run_scoped3A_74 : memref<!tpu.dma_semaphore, #tpu.memory_space<semaphore_mem>>) src(%dma_wait3A_90 : memref<79x128xi32, #tpu.memory_space<hbm>>) dst(%arg8 : memref<79x128xi32, #tpu.memory_space<vmem>>)
      tpu.yield
    }) : () -> ()
    %broadcast_in_dim3A = arith.constant 0.000000e+00 : f32
    %broadcast_in_dim3A_1 = vector.broadcast %broadcast_in_dim3A : f32 to vector<16xf32>
    %scan3A = arith.constant 0 : i32
    %scan3A_2 = arith.constant 0 : i32
    %scan3A_3 = arith.constant 128 : i32
    %scan3A_4 = arith.addi %scan3A_2, %scan3A_3 : i32
    %scan3A_5 = arith.constant 1 : i32
    scf.for %scan3A_74 = %scan3A_2 to %scan3A_4 step %scan3A_5  : i32 {
      %swap3A = arith.index_cast %scan3A_74 : i32 to index
      %swap3A_75 = arith.constant 0 : index
      %swap3A_76 = tpu.vector_load %arg9[%swap3A, %swap3A_75] {strides = array<i32>} : memref<128x64xf32, #tpu.memory_space<vmem>>, vector<16xf32>,
      tpu.vector_store %arg9[%swap3A, %swap3A_75], %broadcast_in_dim3A_1 {strides = array<i32>} : memref<128x64xf32, #tpu.memory_space<vmem>>, vector<16xf32>,
      %swap3A_77 = arith.index_cast %scan3A_74 : i32 to index
      %swap3A_78 = arith.constant 16 : index
      %swap3A_79 = tpu.vector_load %arg9[%swap3A_77, %swap3A_78] {strides = array<i32>} : memref<128x64xf32, #tpu.memory_space<vmem>>, vector<16xf32>,
      tpu.vector_store %arg9[%swap3A_77, %swap3A_78], %broadcast_in_dim3A_1 {strides = array<i32>} : memref<128x64xf32, #tpu.memory_space<vmem>>, vector<16xf32>,
      %swap3A_80 = arith.index_cast %scan3A_74 : i32 to index
      %swap3A_81 = arith.constant 32 : index
      %swap3A_82 = tpu.vector_load %arg9[%swap3A_80, %swap3A_81] {strides = array<i32>} : memref<128x64xf32, #tpu.memory_space<vmem>>, vector<16xf32>,
      tpu.vector_store %arg9[%swap3A_80, %swap3A_81], %broadcast_in_dim3A_1 {strides = array<i32>} : memref<128x64xf32, #tpu.memory_space<vmem>>, vector<16xf32>,
      %swap3A_83 = arith.index_cast %scan3A_74 : i32 to index
      %swap3A_84 = arith.constant 48 : index
      %swap3A_85 = tpu.vector_load %arg9[%swap3A_83, %swap3A_84] {strides = array<i32>} : memref<128x64xf32, #tpu.memory_space<vmem>>, vector<16xf32>,
      tpu.vector_store %arg9[%swap3A_83, %swap3A_84], %broadcast_in_dim3A_1 {strides = array<i32>} : memref<128x64xf32, #tpu.memory_space<vmem>>, vector<16xf32>,
    }
    %scan3A_6 = arith.constant 128 : i32
    %mul3A_7 = arith.constant 640 : i32
    %mul3A_8 = arith.muli %arg1, %mul3A_7 : i32
    %add3A_9 = arith.constant 0 : i32
    %add3A_10 = arith.addi %mul3A_8, %add3A_9 : i32
    "tpu.region"() ({
      %run_scoped3A_74 = tpu.sem_alloc : memref<!tpu.dma_semaphore, #tpu.memory_space<semaphore_mem>>
      %dma_start3A_75 = arith.constant 0 : i32
      %dma_start3A_76 = tpu.memref_slice %arg11[%add3A_10, %dma_start3A_75] : memref<10240x64xf32, #tpu.memory_space<vmem_shared>> -> memref<128x64xf32, #tpu.memory_space<vmem_shared>>
      %dma_start3A_77 = arith.constant 0 : i32
      %dma_start3A_78 = tpu.memref_slice %arg11[%add3A_10, %dma_start3A_77] : memref<10240x64xf32, #tpu.memory_space<vmem_shared>> -> memref<128x64xf32, #tpu.memory_space<vmem_shared>>
      tpu.enqueue_dma source(%arg9 : memref<128x64xf32, #tpu.memory_space<vmem>>) target(%dma_start3A_78 : memref<128x64xf32, #tpu.memory_space<vmem_shared>>) target_semaphore(%run_scoped3A_74 : memref<!tpu.dma_semaphore, #tpu.memory_space<semaphore_mem>>)
      %dma_wait3A_79 = arith.constant 0 : i32
      %dma_wait3A_80 = tpu.memref_slice %arg11[%add3A_10, %dma_wait3A_79] : memref<10240x64xf32, #tpu.memory_space<vmem_shared>> -> memref<128x64xf32, #tpu.memory_space<vmem_shared>>
      %dma_wait3A_81 = arith.constant 0 : i32
      %dma_wait3A_82 = tpu.memref_slice %arg11[%add3A_10, %dma_wait3A_81] : memref<10240x64xf32, #tpu.memory_space<vmem_shared>> -> memref<128x64xf32, #tpu.memory_space<vmem_shared>>
      tpu.wait_dma2 semaphore(%run_scoped3A_74 : memref<!tpu.dma_semaphore, #tpu.memory_space<semaphore_mem>>) src(%arg9 : memref<128x64xf32, #tpu.memory_space<vmem>>) dst(%dma_wait3A_82 : memref<128x64xf32, #tpu.memory_space<vmem_shared>>)
      tpu.yield
    }) : () -> ()
    %add3A_11 = arith.constant 128 : i32
    %add3A_12 = arith.addi %mul3A_8, %add3A_11 : i32
    "tpu.region"() ({
      %run_scoped3A_74 = tpu.sem_alloc : memref<!tpu.dma_semaphore, #tpu.memory_space<semaphore_mem>>
      %dma_start3A_75 = arith.constant 0 : i32
      %dma_start3A_76 = tpu.memref_slice %arg11[%add3A_12, %dma_start3A_75] : memref<10240x64xf32, #tpu.memory_space<vmem_shared>> -> memref<128x64xf32, #tpu.memory_space<vmem_shared>>
      %dma_start3A_77 = arith.constant 0 : i32
      %dma_start3A_78 = tpu.memref_slice %arg11[%add3A_12, %dma_start3A_77] : memref<10240x64xf32, #tpu.memory_space<vmem_shared>> -> memref<128x64xf32, #tpu.memory_space<vmem_shared>>
      tpu.enqueue_dma source(%arg9 : memref<128x64xf32, #tpu.memory_space<vmem>>) target(%dma_start3A_78 : memref<128x64xf32, #tpu.memory_space<vmem_shared>>) target_semaphore(%run_scoped3A_74 : memref<!tpu.dma_semaphore, #tpu.memory_space<semaphore_mem>>)
      %dma_wait3A_79 = arith.constant 0 : i32
      %dma_wait3A_80 = tpu.memref_slice %arg11[%add3A_12, %dma_wait3A_79] : memref<10240x64xf32, #tpu.memory_space<vmem_shared>> -> memref<128x64xf32, #tpu.memory_space<vmem_shared>>
      %dma_wait3A_81 = arith.constant 0 : i32
      %dma_wait3A_82 = tpu.memref_slice %arg11[%add3A_12, %dma_wait3A_81] : memref<10240x64xf32, #tpu.memory_space<vmem_shared>> -> memref<128x64xf32, #tpu.memory_space<vmem_shared>>
      tpu.wait_dma2 semaphore(%run_scoped3A_74 : memref<!tpu.dma_semaphore, #tpu.memory_space<semaphore_mem>>) src(%arg9 : memref<128x64xf32, #tpu.memory_space<vmem>>) dst(%dma_wait3A_82 : memref<128x64xf32, #tpu.memory_space<vmem_shared>>)
      tpu.yield
    }) : () -> ()
    %add3A_13 = arith.constant 256 : i32
    %add3A_14 = arith.addi %mul3A_8, %add3A_13 : i32
    "tpu.region"() ({
      %run_scoped3A_74 = tpu.sem_alloc : memref<!tpu.dma_semaphore, #tpu.memory_space<semaphore_mem>>
      %dma_start3A_75 = arith.constant 0 : i32
      %dma_start3A_76 = tpu.memref_slice %arg11[%add3A_14, %dma_start3A_75] : memref<10240x64xf32, #tpu.memory_space<vmem_shared>> -> memref<128x64xf32, #tpu.memory_space<vmem_shared>>
      %dma_start3A_77 = arith.constant 0 : i32
      %dma_start3A_78 = tpu.memref_slice %arg11[%add3A_14, %dma_start3A_77] : memref<10240x64xf32, #tpu.memory_space<vmem_shared>> -> memref<128x64xf32, #tpu.memory_space<vmem_shared>>
      tpu.enqueue_dma source(%arg9 : memref<128x64xf32, #tpu.memory_space<vmem>>) target(%dma_start3A_78 : memref<128x64xf32, #tpu.memory_space<vmem_shared>>) target_semaphore(%run_scoped3A_74 : memref<!tpu.dma_semaphore, #tpu.memory_space<semaphore_mem>>)
      %dma_wait3A_79 = arith.constant 0 : i32
      %dma_wait3A_80 = tpu.memref_slice %arg11[%add3A_14, %dma_wait3A_79] : memref<10240x64xf32, #tpu.memory_space<vmem_shared>> -> memref<128x64xf32, #tpu.memory_space<vmem_shared>>
      %dma_wait3A_81 = arith.constant 0 : i32
      %dma_wait3A_82 = tpu.memref_slice %arg11[%add3A_14, %dma_wait3A_81] : memref<10240x64xf32, #tpu.memory_space<vmem_shared>> -> memref<128x64xf32, #tpu.memory_space<vmem_shared>>
      tpu.wait_dma2 semaphore(%run_scoped3A_74 : memref<!tpu.dma_semaphore, #tpu.memory_space<semaphore_mem>>) src(%arg9 : memref<128x64xf32, #tpu.memory_space<vmem>>) dst(%dma_wait3A_82 : memref<128x64xf32, #tpu.memory_space<vmem_shared>>)
      tpu.yield
    }) : () -> ()
    %add3A_15 = arith.constant 384 : i32
    %add3A_16 = arith.addi %mul3A_8, %add3A_15 : i32
    "tpu.region"() ({
      %run_scoped3A_74 = tpu.sem_alloc : memref<!tpu.dma_semaphore, #tpu.memory_space<semaphore_mem>>
      %dma_start3A_75 = arith.constant 0 : i32
      %dma_start3A_76 = tpu.memref_slice %arg11[%add3A_16, %dma_start3A_75] : memref<10240x64xf32, #tpu.memory_space<vmem_shared>> -> memref<128x64xf32, #tpu.memory_space<vmem_shared>>
      %dma_start3A_77 = arith.constant 0 : i32
      %dma_start3A_78 = tpu.memref_slice %arg11[%add3A_16, %dma_start3A_77] : memref<10240x64xf32, #tpu.memory_space<vmem_shared>> -> memref<128x64xf32, #tpu.memory_space<vmem_shared>>
      tpu.enqueue_dma source(%arg9 : memref<128x64xf32, #tpu.memory_space<vmem>>) target(%dma_start3A_78 : memref<128x64xf32, #tpu.memory_space<vmem_shared>>) target_semaphore(%run_scoped3A_74 : memref<!tpu.dma_semaphore, #tpu.memory_space<semaphore_mem>>)
      %dma_wait3A_79 = arith.constant 0 : i32
      %dma_wait3A_80 = tpu.memref_slice %arg11[%add3A_16, %dma_wait3A_79] : memref<10240x64xf32, #tpu.memory_space<vmem_shared>> -> memref<128x64xf32, #tpu.memory_space<vmem_shared>>
      %dma_wait3A_81 = arith.constant 0 : i32
      %dma_wait3A_82 = tpu.memref_slice %arg11[%add3A_16, %dma_wait3A_81] : memref<10240x64xf32, #tpu.memory_space<vmem_shared>> -> memref<128x64xf32, #tpu.memory_space<vmem_shared>>
      tpu.wait_dma2 semaphore(%run_scoped3A_74 : memref<!tpu.dma_semaphore, #tpu.memory_space<semaphore_mem>>) src(%arg9 : memref<128x64xf32, #tpu.memory_space<vmem>>) dst(%dma_wait3A_82 : memref<128x64xf32, #tpu.memory_space<vmem_shared>>)
      tpu.yield
    }) : () -> ()
    %add3A_17 = arith.constant 512 : i32
    %add3A_18 = arith.addi %mul3A_8, %add3A_17 : i32
    "tpu.region"() ({
      %run_scoped3A_74 = tpu.sem_alloc : memref<!tpu.dma_semaphore, #tpu.memory_space<semaphore_mem>>
      %dma_start3A_75 = arith.constant 0 : i32
      %dma_start3A_76 = tpu.memref_slice %arg11[%add3A_18, %dma_start3A_75] : memref<10240x64xf32, #tpu.memory_space<vmem_shared>> -> memref<128x64xf32, #tpu.memory_space<vmem_shared>>
      %dma_start3A_77 = arith.constant 0 : i32
      %dma_start3A_78 = tpu.memref_slice %arg11[%add3A_18, %dma_start3A_77] : memref<10240x64xf32, #tpu.memory_space<vmem_shared>> -> memref<128x64xf32, #tpu.memory_space<vmem_shared>>
      tpu.enqueue_dma source(%arg9 : memref<128x64xf32, #tpu.memory_space<vmem>>) target(%dma_start3A_78 : memref<128x64xf32, #tpu.memory_space<vmem_shared>>) target_semaphore(%run_scoped3A_74 : memref<!tpu.dma_semaphore, #tpu.memory_space<semaphore_mem>>)
      %dma_wait3A_79 = arith.constant 0 : i32
      %dma_wait3A_80 = tpu.memref_slice %arg11[%add3A_18, %dma_wait3A_79] : memref<10240x64xf32, #tpu.memory_space<vmem_shared>> -> memref<128x64xf32, #tpu.memory_space<vmem_shared>>
      %dma_wait3A_81 = arith.constant 0 : i32
      %dma_wait3A_82 = tpu.memref_slice %arg11[%add3A_18, %dma_wait3A_81] : memref<10240x64xf32, #tpu.memory_space<vmem_shared>> -> memref<128x64xf32, #tpu.memory_space<vmem_shared>>
      tpu.wait_dma2 semaphore(%run_scoped3A_74 : memref<!tpu.dma_semaphore, #tpu.memory_space<semaphore_mem>>) src(%arg9 : memref<128x64xf32, #tpu.memory_space<vmem>>) dst(%dma_wait3A_82 : memref<128x64xf32, #tpu.memory_space<vmem_shared>>)
      tpu.yield
    }) : () -> ()
    "tpu.region"() ({
      %run_scoped3A_74 = tpu.sem_alloc : memref<!tpu.dma_semaphore, #tpu.memory_space<semaphore_mem>>
      %dma_start3A_75 = arith.constant 0 : i32
      %dma_start3A_76 = arith.constant 0 : i32
      %dma_start3A_77 = tpu.memref_slice %arg3[%add3A, %dma_start3A_75, %dma_start3A_76] : memref<32x80x128xi32, #tpu.memory_space<hbm>> -> memref<1x1x128xi32, #tpu.memory_space<hbm>>
      %dma_start3A_78 = tpu.memref_squeeze %dma_start3A_77 : memref<1x1x128xi32, #tpu.memory_space<hbm>> -> memref<1x128xi32, #tpu.memory_space<hbm>>
      %dma_start3A_79 = arith.constant 0 : i32
      %dma_start3A_80 = arith.constant 0 : i32
      %dma_start3A_81 = tpu.memref_slice %arg3[%add3A, %dma_start3A_79, %dma_start3A_80] : memref<32x80x128xi32, #tpu.memory_space<hbm>> -> memref<1x1x128xi32, #tpu.memory_space<hbm>>
      %dma_start3A_82 = tpu.memref_squeeze %dma_start3A_81 : memref<1x1x128xi32, #tpu.memory_space<hbm>> -> memref<1x128xi32, #tpu.memory_space<hbm>>
      tpu.enqueue_dma source(%dma_start3A_82 : memref<1x128xi32, #tpu.memory_space<hbm>>) target(%arg6 : memref<1x128xi32, #tpu.memory_space<vmem>>) target_semaphore(%run_scoped3A_74 : memref<!tpu.dma_semaphore, #tpu.memory_space<semaphore_mem>>)
      %dma_wait3A_83 = arith.constant 0 : i32
      %dma_wait3A_84 = arith.constant 0 : i32
      %dma_wait3A_85 = tpu.memref_slice %arg3[%add3A, %dma_wait3A_83, %dma_wait3A_84] : memref<32x80x128xi32, #tpu.memory_space<hbm>> -> memref<1x1x128xi32, #tpu.memory_space<hbm>>
      %dma_wait3A_86 = tpu.memref_squeeze %dma_wait3A_85 : memref<1x1x128xi32, #tpu.memory_space<hbm>> -> memref<1x128xi32, #tpu.memory_space<hbm>>
      %dma_wait3A_87 = arith.constant 0 : i32
      %dma_wait3A_88 = arith.constant 0 : i32
      %dma_wait3A_89 = tpu.memref_slice %arg3[%add3A, %dma_wait3A_87, %dma_wait3A_88] : memref<32x80x128xi32, #tpu.memory_space<hbm>> -> memref<1x1x128xi32, #tpu.memory_space<hbm>>
      %dma_wait3A_90 = tpu.memref_squeeze %dma_wait3A_89 : memref<1x1x128xi32, #tpu.memory_space<hbm>> -> memref<1x128xi32, #tpu.memory_space<hbm>>
      tpu.wait_dma2 semaphore(%run_scoped3A_74 : memref<!tpu.dma_semaphore, #tpu.memory_space<semaphore_mem>>) src(%dma_wait3A_90 : memref<1x128xi32, #tpu.memory_space<hbm>>) dst(%arg6 : memref<1x128xi32, #tpu.memory_space<vmem>>)
      tpu.yield
    }) : () -> ()
    %dma_start3A = arith.constant 0 : i32
    %dma_start3A_19 = arith.constant 0 : i32
    %dma_start3A_20 = tpu.memref_slice %arg6[%dma_start3A, %dma_start3A_19] : memref<1x128xi32, #tpu.memory_space<vmem>> -> memref<1x128xi32, #tpu.memory_space<vmem>>
    %dma_start3A_21 = tpu.memref_squeeze %dma_start3A_20 : memref<1x128xi32, #tpu.memory_space<vmem>> -> memref<128xi32, #tpu.memory_space<vmem>>
    %dma_start3A_22 = arith.constant 0 : i32
    %dma_start3A_23 = arith.constant 0 : i32
    %dma_start3A_24 = tpu.memref_slice %arg2[%dma_start3A_22, %dma_start3A_23] : memref<10240x64xf32, #tpu.memory_space<hbm>> -> memref<10240x64xf32, #tpu.memory_space<hbm>>
    tpu.enqueue_indirect_dma source(%dma_start3A_24 : memref<10240x64xf32, #tpu.memory_space<hbm>>) target(%arg9 : memref<128x64xf32, #tpu.memory_space<vmem>>) offsets(%dma_start3A_21 : memref<128xi32, #tpu.memory_space<vmem>>) semaphore(%arg14 : memref<!tpu.dma_semaphore, #tpu.memory_space<semaphore_mem>>)
    %dma_start3A_25 = arith.constant 1 : i32
    %dma_start3A_26 = arith.constant 0 : i32
    %dma_start3A_27 = tpu.memref_slice %arg3[%add3A, %dma_start3A_25, %dma_start3A_26] : memref<32x80x128xi32, #tpu.memory_space<hbm>> -> memref<1x1x128xi32, #tpu.memory_space<hbm>>
    %dma_start3A_28 = tpu.memref_squeeze %dma_start3A_27 : memref<1x1x128xi32, #tpu.memory_space<hbm>> -> memref<1x128xi32, #tpu.memory_space<hbm>>
    %dma_start3A_29 = arith.constant 1 : i32
    %dma_start3A_30 = arith.constant 0 : i32
    %dma_start3A_31 = tpu.memref_slice %arg3[%add3A, %dma_start3A_29, %dma_start3A_30] : memref<32x80x128xi32, #tpu.memory_space<hbm>> -> memref<1x1x128xi32, #tpu.memory_space<hbm>>
    %dma_start3A_32 = tpu.memref_squeeze %dma_start3A_31 : memref<1x1x128xi32, #tpu.memory_space<hbm>> -> memref<1x128xi32, #tpu.memory_space<hbm>>
    tpu.enqueue_dma source(%dma_start3A_32 : memref<1x128xi32, #tpu.memory_space<hbm>>) target(%arg7 : memref<1x128xi32, #tpu.memory_space<vmem>>) target_semaphore(%arg13 : memref<!tpu.dma_semaphore, #tpu.memory_space<semaphore_mem>>)
    %barrier3A = arith.constant 0 : index
    tpu.barrier barrier_id(%barrier3A)
    %scan3A_33 = arith.constant 0 : i32
    %scan3A_34 = arith.constant 0 : i32
    %scan3A_35 = arith.constant 39 : i32
    %scan3A_36 = arith.addi %scan3A_34, %scan3A_35 : i32
    %scan3A_37 = arith.constant 1 : i32
    scf.for %scan3A_74 = %scan3A_34 to %scan3A_36 step %scan3A_37  : i32 {
      %mul3A_75 = arith.constant 2 : i32
      %mul3A_76 = arith.muli %scan3A_74, %mul3A_75 : i32
      %add3A_77 = arith.constant 1 : i32
      %add3A_78 = arith.addi %mul3A_76, %add3A_77 : i32
      %dma_wait3A_79 = arith.constant 0 : i32
      %dma_wait3A_80 = tpu.memref_slice %arg3[%add3A, %add3A_78, %dma_wait3A_79] : memref<32x80x128xi32, #tpu.memory_space<hbm>> -> memref<1x1x128xi32, #tpu.memory_space<hbm>>
      %dma_wait3A_81 = tpu.memref_squeeze %dma_wait3A_80 : memref<1x1x128xi32, #tpu.memory_space<hbm>> -> memref<1x128xi32, #tpu.memory_space<hbm>>
      %dma_wait3A_82 = arith.constant 0 : i32
      %dma_wait3A_83 = tpu.memref_slice %arg3[%add3A, %add3A_78, %dma_wait3A_82] : memref<32x80x128xi32, #tpu.memory_space<hbm>> -> memref<1x1x128xi32, #tpu.memory_space<hbm>>
      %dma_wait3A_84 = tpu.memref_squeeze %dma_wait3A_83 : memref<1x1x128xi32, #tpu.memory_space<hbm>> -> memref<1x128xi32, #tpu.memory_space<hbm>>
      tpu.wait_dma2 semaphore(%arg13 : memref<!tpu.dma_semaphore, #tpu.memory_space<semaphore_mem>>) src(%dma_wait3A_84 : memref<1x128xi32, #tpu.memory_space<hbm>>) dst(%arg7 : memref<1x128xi32, #tpu.memory_space<vmem>>)
      %dma_wait3A_85 = arith.constant 0 : i32
      %dma_wait3A_86 = arith.constant 0 : i32
      %dma_wait3A_87 = tpu.memref_slice %arg6[%dma_wait3A_85, %dma_wait3A_86] : memref<1x128xi32, #tpu.memory_space<vmem>> -> memref<1x128xi32, #tpu.memory_space<vmem>>
      %dma_wait3A_88 = tpu.memref_squeeze %dma_wait3A_87 : memref<1x128xi32, #tpu.memory_space<vmem>> -> memref<128xi32, #tpu.memory_space<vmem>>
      %dma_wait3A_89 = arith.constant 0 : i32
      %dma_wait3A_90 = arith.constant 0 : i32
      %dma_wait3A_91 = tpu.memref_slice %arg2[%dma_wait3A_89, %dma_wait3A_90] : memref<10240x64xf32, #tpu.memory_space<hbm>> -> memref<10240x64xf32, #tpu.memory_space<hbm>>
      tpu.wait_indirect_dma semaphore(%arg14 : memref<!tpu.dma_semaphore, #tpu.memory_space<semaphore_mem>>) src(%dma_wait3A_91 : memref<10240x64xf32, #tpu.memory_space<hbm>>) dst(%arg9 : memref<128x64xf32, #tpu.memory_space<vmem>>)
      %dma_start3A_92 = arith.constant 0 : i32
      %dma_start3A_93 = arith.constant 0 : i32
      %dma_start3A_94 = tpu.memref_slice %arg7[%dma_start3A_92, %dma_start3A_93] : memref<1x128xi32, #tpu.memory_space<vmem>> -> memref<1x128xi32, #tpu.memory_space<vmem>>
      %dma_start3A_95 = tpu.memref_squeeze %dma_start3A_94 : memref<1x128xi32, #tpu.memory_space<vmem>> -> memref<128xi32, #tpu.memory_space<vmem>>
      %dma_start3A_96 = arith.constant 0 : i32
      %dma_start3A_97 = arith.constant 0 : i32
      %dma_start3A_98 = tpu.memref_slice %arg2[%dma_start3A_96, %dma_start3A_97] : memref<10240x64xf32, #tpu.memory_space<hbm>> -> memref<10240x64xf32, #tpu.memory_space<hbm>>
      tpu.enqueue_indirect_dma source(%dma_start3A_98 : memref<10240x64xf32, #tpu.memory_space<hbm>>) target(%arg10 : memref<128x64xf32, #tpu.memory_space<vmem>>) offsets(%dma_start3A_95 : memref<128xi32, #tpu.memory_space<vmem>>) semaphore(%arg15 : memref<!tpu.dma_semaphore, #tpu.memory_space<semaphore_mem>>)
      %add3A_99 = arith.constant 2 : i32
      %add3A_100 = arith.addi %mul3A_76, %add3A_99 : i32
      %dma_start3A_101 = arith.constant 0 : i32
      %dma_start3A_102 = tpu.memref_slice %arg3[%add3A, %add3A_100, %dma_start3A_101] : memref<32x80x128xi32, #tpu.memory_space<hbm>> -> memref<1x1x128xi32, #tpu.memory_space<hbm>>
      %dma_start3A_103 = tpu.memref_squeeze %dma_start3A_102 : memref<1x1x128xi32, #tpu.memory_space<hbm>> -> memref<1x128xi32, #tpu.memory_space<hbm>>
      %dma_start3A_104 = arith.constant 0 : i32
      %dma_start3A_105 = tpu.memref_slice %arg3[%add3A, %add3A_100, %dma_start3A_104] : memref<32x80x128xi32, #tpu.memory_space<hbm>> -> memref<1x1x128xi32, #tpu.memory_space<hbm>>
      %dma_start3A_106 = tpu.memref_squeeze %dma_start3A_105 : memref<1x1x128xi32, #tpu.memory_space<hbm>> -> memref<1x128xi32, #tpu.memory_space<hbm>>
      tpu.enqueue_dma source(%dma_start3A_106 : memref<1x128xi32, #tpu.memory_space<hbm>>) target(%arg6 : memref<1x128xi32, #tpu.memory_space<vmem>>) target_semaphore(%arg12 : memref<!tpu.dma_semaphore, #tpu.memory_space<semaphore_mem>>)
      "tpu.region"() ({
        %run_scoped3A_139 = tpu.sem_alloc : memref<!tpu.dma_semaphore, #tpu.memory_space<semaphore_mem>>
        %dma_start3A_140 = arith.constant 0 : i32
        %dma_start3A_141 = tpu.memref_slice %arg8[%mul3A_76, %dma_start3A_140] : memref<79x128xi32, #tpu.memory_space<vmem>> -> memref<1x128xi32, #tpu.memory_space<vmem>>
        %dma_start3A_142 = tpu.memref_squeeze %dma_start3A_141 : memref<1x128xi32, #tpu.memory_space<vmem>> -> memref<128xi32, #tpu.memory_space<vmem>>
        %dma_start3A_143 = arith.constant 0 : i32
        %dma_start3A_144 = arith.constant 0 : i32
        %dma_start3A_145 = tpu.memref_slice %arg11[%dma_start3A_143, %dma_start3A_144] : memref<10240x64xf32, #tpu.memory_space<vmem_shared>> -> memref<10240x64xf32, #tpu.memory_space<vmem_shared>>
        tpu.enqueue_indirect_dma source(%arg9 : memref<128x64xf32, #tpu.memory_space<vmem>>) target(%dma_start3A_145 : memref<10240x64xf32, #tpu.memory_space<vmem_shared>>) offsets(%dma_start3A_142 : memref<128xi32, #tpu.memory_space<vmem>>) semaphore(%run_scoped3A_139 : memref<!tpu.dma_semaphore, #tpu.memory_space<semaphore_mem>>) {add = true}
        %dma_wait3A_146 = arith.constant 0 : i32
        %dma_wait3A_147 = tpu.memref_slice %arg8[%mul3A_76, %dma_wait3A_146] : memref<79x128xi32, #tpu.memory_space<vmem>> -> memref<1x128xi32, #tpu.memory_space<vmem>>
        %dma_wait3A_148 = tpu.memref_squeeze %dma_wait3A_147 : memref<1x128xi32, #tpu.memory_space<vmem>> -> memref<128xi32, #tpu.memory_space<vmem>>
        %dma_wait3A_149 = arith.constant 0 : i32
        %dma_wait3A_150 = arith.constant 0 : i32
        %dma_wait3A_151 = tpu.memref_slice %arg11[%dma_wait3A_149, %dma_wait3A_150] : memref<10240x64xf32, #tpu.memory_space<vmem_shared>> -> memref<10240x64xf32, #tpu.memory_space<vmem_shared>>
        tpu.wait_indirect_dma semaphore(%run_scoped3A_139 : memref<!tpu.dma_semaphore, #tpu.memory_space<semaphore_mem>>) src(%arg9 : memref<128x64xf32, #tpu.memory_space<vmem>>) dst(%dma_wait3A_151 : memref<10240x64xf32, #tpu.memory_space<vmem_shared>>)
        tpu.yield
      }) : () -> ()
      %add3A_107 = arith.constant 2 : i32
      %add3A_108 = arith.addi %mul3A_76, %add3A_107 : i32
      %dma_wait3A_109 = arith.constant 0 : i32
      %dma_wait3A_110 = tpu.memref_slice %arg3[%add3A, %add3A_108, %dma_wait3A_109] : memref<32x80x128xi32, #tpu.memory_space<hbm>> -> memref<1x1x128xi32, #tpu.memory_space<hbm>>
      %dma_wait3A_111 = tpu.memref_squeeze %dma_wait3A_110 : memref<1x1x128xi32, #tpu.memory_space<hbm>> -> memref<1x128xi32, #tpu.memory_space<hbm>>
      %dma_wait3A_112 = arith.constant 0 : i32
      %dma_wait3A_113 = tpu.memref_slice %arg3[%add3A, %add3A_108, %dma_wait3A_112] : memref<32x80x128xi32, #tpu.memory_space<hbm>> -> memref<1x1x128xi32, #tpu.memory_space<hbm>>
      %dma_wait3A_114 = tpu.memref_squeeze %dma_wait3A_113 : memref<1x1x128xi32, #tpu.memory_space<hbm>> -> memref<1x128xi32, #tpu.memory_space<hbm>>
      tpu.wait_dma2 semaphore(%arg12 : memref<!tpu.dma_semaphore, #tpu.memory_space<semaphore_mem>>) src(%dma_wait3A_114 : memref<1x128xi32, #tpu.memory_space<hbm>>) dst(%arg6 : memref<1x128xi32, #tpu.memory_space<vmem>>)
      %dma_wait3A_115 = arith.constant 0 : i32
      %dma_wait3A_116 = arith.constant 0 : i32
      %dma_wait3A_117 = tpu.memref_slice %arg7[%dma_wait3A_115, %dma_wait3A_116] : memref<1x128xi32, #tpu.memory_space<vmem>> -> memref<1x128xi32, #tpu.memory_space<vmem>>
      %dma_wait3A_118 = tpu.memref_squeeze %dma_wait3A_117 : memref<1x128xi32, #tpu.memory_space<vmem>> -> memref<128xi32, #tpu.memory_space<vmem>>
      %dma_wait3A_119 = arith.constant 0 : i32
      %dma_wait3A_120 = arith.constant 0 : i32
      %dma_wait3A_121 = tpu.memref_slice %arg2[%dma_wait3A_119, %dma_wait3A_120] : memref<10240x64xf32, #tpu.memory_space<hbm>> -> memref<10240x64xf32, #tpu.memory_space<hbm>>
      tpu.wait_indirect_dma semaphore(%arg15 : memref<!tpu.dma_semaphore, #tpu.memory_space<semaphore_mem>>) src(%dma_wait3A_121 : memref<10240x64xf32, #tpu.memory_space<hbm>>) dst(%arg10 : memref<128x64xf32, #tpu.memory_space<vmem>>)
      %dma_start3A_122 = arith.constant 0 : i32
      %dma_start3A_123 = arith.constant 0 : i32
      %dma_start3A_124 = tpu.memref_slice %arg6[%dma_start3A_122, %dma_start3A_123] : memref<1x128xi32, #tpu.memory_space<vmem>> -> memref<1x128xi32, #tpu.memory_space<vmem>>
      %dma_start3A_125 = tpu.memref_squeeze %dma_start3A_124 : memref<1x128xi32, #tpu.memory_space<vmem>> -> memref<128xi32, #tpu.memory_space<vmem>>
      %dma_start3A_126 = arith.constant 0 : i32
      %dma_start3A_127 = arith.constant 0 : i32
      %dma_start3A_128 = tpu.memref_slice %arg2[%dma_start3A_126, %dma_start3A_127] : memref<10240x64xf32, #tpu.memory_space<hbm>> -> memref<10240x64xf32, #tpu.memory_space<hbm>>
      tpu.enqueue_indirect_dma source(%dma_start3A_128 : memref<10240x64xf32, #tpu.memory_space<hbm>>) target(%arg9 : memref<128x64xf32, #tpu.memory_space<vmem>>) offsets(%dma_start3A_125 : memref<128xi32, #tpu.memory_space<vmem>>) semaphore(%arg14 : memref<!tpu.dma_semaphore, #tpu.memory_space<semaphore_mem>>)
      %add3A_129 = arith.constant 3 : i32
      %add3A_130 = arith.addi %mul3A_76, %add3A_129 : i32
      %dma_start3A_131 = arith.constant 0 : i32
      %dma_start3A_132 = tpu.memref_slice %arg3[%add3A, %add3A_130, %dma_start3A_131] : memref<32x80x128xi32, #tpu.memory_space<hbm>> -> memref<1x1x128xi32, #tpu.memory_space<hbm>>
      %dma_start3A_133 = tpu.memref_squeeze %dma_start3A_132 : memref<1x1x128xi32, #tpu.memory_space<hbm>> -> memref<1x128xi32, #tpu.memory_space<hbm>>
      %dma_start3A_134 = arith.constant 0 : i32
      %dma_start3A_135 = tpu.memref_slice %arg3[%add3A, %add3A_130, %dma_start3A_134] : memref<32x80x128xi32, #tpu.memory_space<hbm>> -> memref<1x1x128xi32, #tpu.memory_space<hbm>>
      %dma_start3A_136 = tpu.memref_squeeze %dma_start3A_135 : memref<1x1x128xi32, #tpu.memory_space<hbm>> -> memref<1x128xi32, #tpu.memory_space<hbm>>
      tpu.enqueue_dma source(%dma_start3A_136 : memref<1x128xi32, #tpu.memory_space<hbm>>) target(%arg7 : memref<1x128xi32, #tpu.memory_space<vmem>>) target_semaphore(%arg13 : memref<!tpu.dma_semaphore, #tpu.memory_space<semaphore_mem>>)
      %add3A_137 = arith.constant 1 : i32
      %add3A_138 = arith.addi %mul3A_76, %add3A_137 : i32
      "tpu.region"() ({
        %run_scoped3A_139 = tpu.sem_alloc : memref<!tpu.dma_semaphore, #tpu.memory_space<semaphore_mem>>
        %dma_start3A_140 = arith.constant 0 : i32
        %dma_start3A_141 = tpu.memref_slice %arg8[%add3A_138, %dma_start3A_140] : memref<79x128xi32, #tpu.memory_space<vmem>> -> memref<1x128xi32, #tpu.memory_space<vmem>>
        %dma_start3A_142 = tpu.memref_squeeze %dma_start3A_141 : memref<1x128xi32, #tpu.memory_space<vmem>> -> memref<128xi32, #tpu.memory_space<vmem>>
        %dma_start3A_143 = arith.constant 0 : i32
        %dma_start3A_144 = arith.constant 0 : i32
        %dma_start3A_145 = tpu.memref_slice %arg11[%dma_start3A_143, %dma_start3A_144] : memref<10240x64xf32, #tpu.memory_space<vmem_shared>> -> memref<10240x64xf32, #tpu.memory_space<vmem_shared>>
        tpu.enqueue_indirect_dma source(%arg10 : memref<128x64xf32, #tpu.memory_space<vmem>>) target(%dma_start3A_145 : memref<10240x64xf32, #tpu.memory_space<vmem_shared>>) offsets(%dma_start3A_142 : memref<128xi32, #tpu.memory_space<vmem>>) semaphore(%run_scoped3A_139 : memref<!tpu.dma_semaphore, #tpu.memory_space<semaphore_mem>>) {add = true}
        %dma_wait3A_146 = arith.constant 0 : i32
        %dma_wait3A_147 = tpu.memref_slice %arg8[%add3A_138, %dma_wait3A_146] : memref<79x128xi32, #tpu.memory_space<vmem>> -> memref<1x128xi32, #tpu.memory_space<vmem>>
        %dma_wait3A_148 = tpu.memref_squeeze %dma_wait3A_147 : memref<1x128xi32, #tpu.memory_space<vmem>> -> memref<128xi32, #tpu.memory_space<vmem>>
        %dma_wait3A_149 = arith.constant 0 : i32
        %dma_wait3A_150 = arith.constant 0 : i32
        %dma_wait3A_151 = tpu.memref_slice %arg11[%dma_wait3A_149, %dma_wait3A_150] : memref<10240x64xf32, #tpu.memory_space<vmem_shared>> -> memref<10240x64xf32, #tpu.memory_space<vmem_shared>>
        tpu.wait_indirect_dma semaphore(%run_scoped3A_139 : memref<!tpu.dma_semaphore, #tpu.memory_space<semaphore_mem>>) src(%arg10 : memref<128x64xf32, #tpu.memory_space<vmem>>) dst(%dma_wait3A_151 : memref<10240x64xf32, #tpu.memory_space<vmem_shared>>)
        tpu.yield
      }) : () -> ()
    }
    %scan3A_38 = arith.constant 39 : i32
    %dma_wait3A = arith.constant 0 : i32
    %dma_wait3A_39 = arith.constant 0 : i32
    %dma_wait3A_40 = tpu.memref_slice %arg6[%dma_wait3A, %dma_wait3A_39] : memref<1x128xi32, #tpu.memory_space<vmem>> -> memref<1x128xi32, #tpu.memory_space<vmem>>
    %dma_wait3A_41 = tpu.memref_squeeze %dma_wait3A_40 : memref<1x128xi32, #tpu.memory_space<vmem>> -> memref<128xi32, #tpu.memory_space<vmem>>
    %dma_wait3A_42 = arith.constant 0 : i32
    %dma_wait3A_43 = arith.constant 0 : i32
    %dma_wait3A_44 = tpu.memref_slice %arg2[%dma_wait3A_42, %dma_wait3A_43] : memref<10240x64xf32, #tpu.memory_space<hbm>> -> memref<10240x64xf32, #tpu.memory_space<hbm>>
    tpu.wait_indirect_dma semaphore(%arg14 : memref<!tpu.dma_semaphore, #tpu.memory_space<semaphore_mem>>) src(%dma_wait3A_44 : memref<10240x64xf32, #tpu.memory_space<hbm>>) dst(%arg9 : memref<128x64xf32, #tpu.memory_space<vmem>>)
    %dma_wait3A_45 = arith.constant 79 : i32
    %dma_wait3A_46 = arith.constant 0 : i32
    %dma_wait3A_47 = tpu.memref_slice %arg3[%add3A, %dma_wait3A_45, %dma_wait3A_46] : memref<32x80x128xi32, #tpu.memory_space<hbm>> -> memref<1x1x128xi32, #tpu.memory_space<hbm>>
    %dma_wait3A_48 = tpu.memref_squeeze %dma_wait3A_47 : memref<1x1x128xi32, #tpu.memory_space<hbm>> -> memref<1x128xi32, #tpu.memory_space<hbm>>
    %dma_wait3A_49 = arith.constant 79 : i32
    %dma_wait3A_50 = arith.constant 0 : i32
    %dma_wait3A_51 = tpu.memref_slice %arg3[%add3A, %dma_wait3A_49, %dma_wait3A_50] : memref<32x80x128xi32, #tpu.memory_space<hbm>> -> memref<1x1x128xi32, #tpu.memory_space<hbm>>
    %dma_wait3A_52 = tpu.memref_squeeze %dma_wait3A_51 : memref<1x1x128xi32, #tpu.memory_space<hbm>> -> memref<1x128xi32, #tpu.memory_space<hbm>>
    tpu.wait_dma2 semaphore(%arg13 : memref<!tpu.dma_semaphore, #tpu.memory_space<semaphore_mem>>) src(%dma_wait3A_52 : memref<1x128xi32, #tpu.memory_space<hbm>>) dst(%arg7 : memref<1x128xi32, #tpu.memory_space<vmem>>)
    %run_scoped3A = arith.constant 78 : i32
    "tpu.region"() ({
      %run_scoped3A_74 = tpu.sem_alloc : memref<!tpu.dma_semaphore, #tpu.memory_space<semaphore_mem>>
      %dma_start3A_75 = arith.constant 0 : i32
      %dma_start3A_76 = tpu.memref_slice %arg8[%run_scoped3A, %dma_start3A_75] : memref<79x128xi32, #tpu.memory_space<vmem>> -> memref<1x128xi32, #tpu.memory_space<vmem>>
      %dma_start3A_77 = tpu.memref_squeeze %dma_start3A_76 : memref<1x128xi32, #tpu.memory_space<vmem>> -> memref<128xi32, #tpu.memory_space<vmem>>
      %dma_start3A_78 = arith.constant 0 : i32
      %dma_start3A_79 = arith.constant 0 : i32
      %dma_start3A_80 = tpu.memref_slice %arg11[%dma_start3A_78, %dma_start3A_79] : memref<10240x64xf32, #tpu.memory_space<vmem_shared>> -> memref<10240x64xf32, #tpu.memory_space<vmem_shared>>
      tpu.enqueue_indirect_dma source(%arg9 : memref<128x64xf32, #tpu.memory_space<vmem>>) target(%dma_start3A_80 : memref<10240x64xf32, #tpu.memory_space<vmem_shared>>) offsets(%dma_start3A_77 : memref<128xi32, #tpu.memory_space<vmem>>) semaphore(%run_scoped3A_74 : memref<!tpu.dma_semaphore, #tpu.memory_space<semaphore_mem>>) {add = true}
      %dma_wait3A_81 = arith.constant 0 : i32
      %dma_wait3A_82 = tpu.memref_slice %arg8[%run_scoped3A, %dma_wait3A_81] : memref<79x128xi32, #tpu.memory_space<vmem>> -> memref<1x128xi32, #tpu.memory_space<vmem>>
      %dma_wait3A_83 = tpu.memref_squeeze %dma_wait3A_82 : memref<1x128xi32, #tpu.memory_space<vmem>> -> memref<128xi32, #tpu.memory_space<vmem>>
      %dma_wait3A_84 = arith.constant 0 : i32
      %dma_wait3A_85 = arith.constant 0 : i32
      %dma_wait3A_86 = tpu.memref_slice %arg11[%dma_wait3A_84, %dma_wait3A_85] : memref<10240x64xf32, #tpu.memory_space<vmem_shared>> -> memref<10240x64xf32, #tpu.memory_space<vmem_shared>>
      tpu.wait_indirect_dma semaphore(%run_scoped3A_74 : memref<!tpu.dma_semaphore, #tpu.memory_space<semaphore_mem>>) src(%arg9 : memref<128x64xf32, #tpu.memory_space<vmem>>) dst(%dma_wait3A_86 : memref<10240x64xf32, #tpu.memory_space<vmem_shared>>)
      tpu.yield
    }) : () -> ()
    %barrier3A_53 = arith.constant 0 : index
    tpu.barrier barrier_id(%barrier3A_53)
    %add3A_54 = arith.constant 0 : i32
    %add3A_55 = arith.addi %mul3A_8, %add3A_54 : i32
    %add3A_56 = arith.constant 0 : i32
    %add3A_57 = arith.addi %mul3A_8, %add3A_56 : i32
    "tpu.region"() ({
      %run_scoped3A_74 = tpu.sem_alloc : memref<!tpu.dma_semaphore, #tpu.memory_space<semaphore_mem>>
      %dma_start3A_75 = arith.constant 0 : i32
      %dma_start3A_76 = tpu.memref_slice %arg5[%arg0, %add3A_57, %dma_start3A_75] : memref<2x10240x64xf32, #tpu.memory_space<hbm>> -> memref<1x128x64xf32, #tpu.memory_space<hbm>>
      %dma_start3A_77 = tpu.memref_squeeze %dma_start3A_76 : memref<1x128x64xf32, #tpu.memory_space<hbm>> -> memref<128x64xf32, #tpu.memory_space<hbm>>
      %dma_start3A_78 = arith.constant 0 : i32
      %dma_start3A_79 = tpu.memref_slice %arg11[%add3A_55, %dma_start3A_78] : memref<10240x64xf32, #tpu.memory_space<vmem_shared>> -> memref<128x64xf32, #tpu.memory_space<vmem_shared>>
      tpu.enqueue_dma source(%dma_start3A_79 : memref<128x64xf32, #tpu.memory_space<vmem_shared>>) target(%dma_start3A_77 : memref<128x64xf32, #tpu.memory_space<hbm>>) target_semaphore(%run_scoped3A_74 : memref<!tpu.dma_semaphore, #tpu.memory_space<semaphore_mem>>)
      %dma_wait3A_80 = arith.constant 0 : i32
      %dma_wait3A_81 = tpu.memref_slice %arg5[%arg0, %add3A_57, %dma_wait3A_80] : memref<2x10240x64xf32, #tpu.memory_space<hbm>> -> memref<1x128x64xf32, #tpu.memory_space<hbm>>
      %dma_wait3A_82 = tpu.memref_squeeze %dma_wait3A_81 : memref<1x128x64xf32, #tpu.memory_space<hbm>> -> memref<128x64xf32, #tpu.memory_space<hbm>>
      %dma_wait3A_83 = arith.constant 0 : i32
      %dma_wait3A_84 = tpu.memref_slice %arg11[%add3A_55, %dma_wait3A_83] : memref<10240x64xf32, #tpu.memory_space<vmem_shared>> -> memref<128x64xf32, #tpu.memory_space<vmem_shared>>
      tpu.wait_dma2 semaphore(%run_scoped3A_74 : memref<!tpu.dma_semaphore, #tpu.memory_space<semaphore_mem>>) src(%dma_wait3A_84 : memref<128x64xf32, #tpu.memory_space<vmem_shared>>) dst(%dma_wait3A_82 : memref<128x64xf32, #tpu.memory_space<hbm>>)
      tpu.yield
    }) : () -> ()
    %add3A_58 = arith.constant 128 : i32
    %add3A_59 = arith.addi %mul3A_8, %add3A_58 : i32
    %add3A_60 = arith.constant 128 : i32
    %add3A_61 = arith.addi %mul3A_8, %add3A_60 : i32
    "tpu.region"() ({
      %run_scoped3A_74 = tpu.sem_alloc : memref<!tpu.dma_semaphore, #tpu.memory_space<semaphore_mem>>
      %dma_start3A_75 = arith.constant 0 : i32
      %dma_start3A_76 = tpu.memref_slice %arg5[%arg0, %add3A_61, %dma_start3A_75] : memref<2x10240x64xf32, #tpu.memory_space<hbm>> -> memref<1x128x64xf32, #tpu.memory_space<hbm>>
      %dma_start3A_77 = tpu.memref_squeeze %dma_start3A_76 : memref<1x128x64xf32, #tpu.memory_space<hbm>> -> memref<128x64xf32, #tpu.memory_space<hbm>>
      %dma_start3A_78 = arith.constant 0 : i32
      %dma_start3A_79 = tpu.memref_slice %arg11[%add3A_59, %dma_start3A_78] : memref<10240x64xf32, #tpu.memory_space<vmem_shared>> -> memref<128x64xf32, #tpu.memory_space<vmem_shared>>
      tpu.enqueue_dma source(%dma_start3A_79 : memref<128x64xf32, #tpu.memory_space<vmem_shared>>) target(%dma_start3A_77 : memref<128x64xf32, #tpu.memory_space<hbm>>) target_semaphore(%run_scoped3A_74 : memref<!tpu.dma_semaphore, #tpu.memory_space<semaphore_mem>>)
      %dma_wait3A_80 = arith.constant 0 : i32
      %dma_wait3A_81 = tpu.memref_slice %arg5[%arg0, %add3A_61, %dma_wait3A_80] : memref<2x10240x64xf32, #tpu.memory_space<hbm>> -> memref<1x128x64xf32, #tpu.memory_space<hbm>>
      %dma_wait3A_82 = tpu.memref_squeeze %dma_wait3A_81 : memref<1x128x64xf32, #tpu.memory_space<hbm>> -> memref<128x64xf32, #tpu.memory_space<hbm>>
      %dma_wait3A_83 = arith.constant 0 : i32
      %dma_wait3A_84 = tpu.memref_slice %arg11[%add3A_59, %dma_wait3A_83] : memref<10240x64xf32, #tpu.memory_space<vmem_shared>> -> memref<128x64xf32, #tpu.memory_space<vmem_shared>>
      tpu.wait_dma2 semaphore(%run_scoped3A_74 : memref<!tpu.dma_semaphore, #tpu.memory_space<semaphore_mem>>) src(%dma_wait3A_84 : memref<128x64xf32, #tpu.memory_space<vmem_shared>>) dst(%dma_wait3A_82 : memref<128x64xf32, #tpu.memory_space<hbm>>)
      tpu.yield
    }) : () -> ()
    %add3A_62 = arith.constant 256 : i32
    %add3A_63 = arith.addi %mul3A_8, %add3A_62 : i32
    %add3A_64 = arith.constant 256 : i32
    %add3A_65 = arith.addi %mul3A_8, %add3A_64 : i32
    "tpu.region"() ({
      %run_scoped3A_74 = tpu.sem_alloc : memref<!tpu.dma_semaphore, #tpu.memory_space<semaphore_mem>>
      %dma_start3A_75 = arith.constant 0 : i32
      %dma_start3A_76 = tpu.memref_slice %arg5[%arg0, %add3A_65, %dma_start3A_75] : memref<2x10240x64xf32, #tpu.memory_space<hbm>> -> memref<1x128x64xf32, #tpu.memory_space<hbm>>
      %dma_start3A_77 = tpu.memref_squeeze %dma_start3A_76 : memref<1x128x64xf32, #tpu.memory_space<hbm>> -> memref<128x64xf32, #tpu.memory_space<hbm>>
      %dma_start3A_78 = arith.constant 0 : i32
      %dma_start3A_79 = tpu.memref_slice %arg11[%add3A_63, %dma_start3A_78] : memref<10240x64xf32, #tpu.memory_space<vmem_shared>> -> memref<128x64xf32, #tpu.memory_space<vmem_shared>>
      tpu.enqueue_dma source(%dma_start3A_79 : memref<128x64xf32, #tpu.memory_space<vmem_shared>>) target(%dma_start3A_77 : memref<128x64xf32, #tpu.memory_space<hbm>>) target_semaphore(%run_scoped3A_74 : memref<!tpu.dma_semaphore, #tpu.memory_space<semaphore_mem>>)
      %dma_wait3A_80 = arith.constant 0 : i32
      %dma_wait3A_81 = tpu.memref_slice %arg5[%arg0, %add3A_65, %dma_wait3A_80] : memref<2x10240x64xf32, #tpu.memory_space<hbm>> -> memref<1x128x64xf32, #tpu.memory_space<hbm>>
      %dma_wait3A_82 = tpu.memref_squeeze %dma_wait3A_81 : memref<1x128x64xf32, #tpu.memory_space<hbm>> -> memref<128x64xf32, #tpu.memory_space<hbm>>
      %dma_wait3A_83 = arith.constant 0 : i32
      %dma_wait3A_84 = tpu.memref_slice %arg11[%add3A_63, %dma_wait3A_83] : memref<10240x64xf32, #tpu.memory_space<vmem_shared>> -> memref<128x64xf32, #tpu.memory_space<vmem_shared>>
      tpu.wait_dma2 semaphore(%run_scoped3A_74 : memref<!tpu.dma_semaphore, #tpu.memory_space<semaphore_mem>>) src(%dma_wait3A_84 : memref<128x64xf32, #tpu.memory_space<vmem_shared>>) dst(%dma_wait3A_82 : memref<128x64xf32, #tpu.memory_space<hbm>>)
      tpu.yield
    }) : () -> ()
    %add3A_66 = arith.constant 384 : i32
    %add3A_67 = arith.addi %mul3A_8, %add3A_66 : i32
    %add3A_68 = arith.constant 384 : i32
    %add3A_69 = arith.addi %mul3A_8, %add3A_68 : i32
    "tpu.region"() ({
      %run_scoped3A_74 = tpu.sem_alloc : memref<!tpu.dma_semaphore, #tpu.memory_space<semaphore_mem>>
      %dma_start3A_75 = arith.constant 0 : i32
      %dma_start3A_76 = tpu.memref_slice %arg5[%arg0, %add3A_69, %dma_start3A_75] : memref<2x10240x64xf32, #tpu.memory_space<hbm>> -> memref<1x128x64xf32, #tpu.memory_space<hbm>>
      %dma_start3A_77 = tpu.memref_squeeze %dma_start3A_76 : memref<1x128x64xf32, #tpu.memory_space<hbm>> -> memref<128x64xf32, #tpu.memory_space<hbm>>
      %dma_start3A_78 = arith.constant 0 : i32
      %dma_start3A_79 = tpu.memref_slice %arg11[%add3A_67, %dma_start3A_78] : memref<10240x64xf32, #tpu.memory_space<vmem_shared>> -> memref<128x64xf32, #tpu.memory_space<vmem_shared>>
      tpu.enqueue_dma source(%dma_start3A_79 : memref<128x64xf32, #tpu.memory_space<vmem_shared>>) target(%dma_start3A_77 : memref<128x64xf32, #tpu.memory_space<hbm>>) target_semaphore(%run_scoped3A_74 : memref<!tpu.dma_semaphore, #tpu.memory_space<semaphore_mem>>)
      %dma_wait3A_80 = arith.constant 0 : i32
      %dma_wait3A_81 = tpu.memref_slice %arg5[%arg0, %add3A_69, %dma_wait3A_80] : memref<2x10240x64xf32, #tpu.memory_space<hbm>> -> memref<1x128x64xf32, #tpu.memory_space<hbm>>
      %dma_wait3A_82 = tpu.memref_squeeze %dma_wait3A_81 : memref<1x128x64xf32, #tpu.memory_space<hbm>> -> memref<128x64xf32, #tpu.memory_space<hbm>>
      %dma_wait3A_83 = arith.constant 0 : i32
      %dma_wait3A_84 = tpu.memref_slice %arg11[%add3A_67, %dma_wait3A_83] : memref<10240x64xf32, #tpu.memory_space<vmem_shared>> -> memref<128x64xf32, #tpu.memory_space<vmem_shared>>
      tpu.wait_dma2 semaphore(%run_scoped3A_74 : memref<!tpu.dma_semaphore, #tpu.memory_space<semaphore_mem>>) src(%dma_wait3A_84 : memref<128x64xf32, #tpu.memory_space<vmem_shared>>) dst(%dma_wait3A_82 : memref<128x64xf32, #tpu.memory_space<hbm>>)
      tpu.yield
    }) : () -> ()
    %add3A_70 = arith.constant 512 : i32
    %add3A_71 = arith.addi %mul3A_8, %add3A_70 : i32
    %add3A_72 = arith.constant 512 : i32
    %add3A_73 = arith.addi %mul3A_8, %add3A_72 : i32
    "tpu.region"() ({
      %run_scoped3A_74 = tpu.sem_alloc : memref<!tpu.dma_semaphore, #tpu.memory_space<semaphore_mem>>
      %dma_start3A_75 = arith.constant 0 : i32
      %dma_start3A_76 = tpu.memref_slice %arg5[%arg0, %add3A_73, %dma_start3A_75] : memref<2x10240x64xf32, #tpu.memory_space<hbm>> -> memref<1x128x64xf32, #tpu.memory_space<hbm>>
      %dma_start3A_77 = tpu.memref_squeeze %dma_start3A_76 : memref<1x128x64xf32, #tpu.memory_space<hbm>> -> memref<128x64xf32, #tpu.memory_space<hbm>>
      %dma_start3A_78 = arith.constant 0 : i32
      %dma_start3A_79 = tpu.memref_slice %arg11[%add3A_71, %dma_start3A_78] : memref<10240x64xf32, #tpu.memory_space<vmem_shared>> -> memref<128x64xf32, #tpu.memory_space<vmem_shared>>
      tpu.enqueue_dma source(%dma_start3A_79 : memref<128x64xf32, #tpu.memory_space<vmem_shared>>) target(%dma_start3A_77 : memref<128x64xf32, #tpu.memory_space<hbm>>) target_semaphore(%run_scoped3A_74 : memref<!tpu.dma_semaphore, #tpu.memory_space<semaphore_mem>>)
      %dma_wait3A_80 = arith.constant 0 : i32
      %dma_wait3A_81 = tpu.memref_slice %arg5[%arg0, %add3A_73, %dma_wait3A_80] : memref<2x10240x64xf32, #tpu.memory_space<hbm>> -> memref<1x128x64xf32, #tpu.memory_space<hbm>>
      %dma_wait3A_82 = tpu.memref_squeeze %dma_wait3A_81 : memref<1x128x64xf32, #tpu.memory_space<hbm>> -> memref<128x64xf32, #tpu.memory_space<hbm>>
      %dma_wait3A_83 = arith.constant 0 : i32
      %dma_wait3A_84 = tpu.memref_slice %arg11[%add3A_71, %dma_wait3A_83] : memref<10240x64xf32, #tpu.memory_space<vmem_shared>> -> memref<128x64xf32, #tpu.memory_space<vmem_shared>>
      tpu.wait_dma2 semaphore(%run_scoped3A_74 : memref<!tpu.dma_semaphore, #tpu.memory_space<semaphore_mem>>) src(%dma_wait3A_84 : memref<128x64xf32, #tpu.memory_space<vmem_shared>>) dst(%dma_wait3A_82 : memref<128x64xf32, #tpu.memory_space<hbm>>)
      tpu.yield
    }) : () -> ()
    return
  }
}

#map = affine_map<(d0, d1) -> (0, 0)>
#map1 = affine_map<(d0, d1) -> (0, 0, 0)>
module attributes {stable_mosaic.version = 14 : i64} {
  func.func @_scatter(%arg0: i32, %arg1: i32, %arg2: memref<10240x128xf32, #tpu.memory_space<hbm>>, %arg3: memref<32x80x128xi32, #tpu.memory_space<hbm>>, %arg4: memref<32x79x128xi32, #tpu.memory_space<hbm>>, %arg5: memref<2x10240x128xf32, #tpu.memory_space<hbm>>, %arg6: memref<1x128xi32, #tpu.memory_space<vmem>>, %arg7: memref<1x128xi32, #tpu.memory_space<vmem>>, %arg8: memref<79x128xi32, #tpu.memory_space<vmem>>, %arg9: memref<128x128xf32, #tpu.memory_space<vmem>>, %arg10: memref<128x128xf32, #tpu.memory_space<vmem>>, %arg11: memref<10240x128xf32, #tpu.memory_space<vmem_shared>>, %arg12: memref<!tpu.dma_semaphore, #tpu.memory_space<semaphore_mem>>, %arg13: memref<!tpu.dma_semaphore, #tpu.memory_space<semaphore_mem>>, %arg14: memref<!tpu.dma_semaphore, #tpu.memory_space<semaphore_mem>>, %arg15: memref<!tpu.dma_semaphore, #tpu.memory_space<semaphore_mem>>) attributes {dimension_semantics = [#tpu.dimension_semantics<core_parallel>, #tpu.dimension_semantics<subcore_parallel>], iteration_bounds = array<i64: 2, 16>, scalar_prefetch = 0 : i64, scratch_operands = 10 : i64, tpu.core_type = #tpu.core_type<sc_vector_subcore>, window_params = [{transform_indices = #map}, {transform_indices = #map1}, {transform_indices = #map1}, {transform_indices = #map1}]} {
    %mul3A = arith.constant 16 : i32
    %mul3A_0 = arith.muli %arg0, %mul3A : i32
    %add3A = arith.addi %mul3A_0, %arg1 : i32
    "tpu.region"() ({
      %run_scoped3A_74 = tpu.sem_alloc : memref<!tpu.dma_semaphore, #tpu.memory_space<semaphore_mem>>
      %dma_start3A_75 = arith.constant 0 : i32
      %dma_start3A_76 = arith.constant 0 : i32
      %dma_start3A_77 = tpu.memref_slice %arg4[%add3A, %dma_start3A_75, %dma_start3A_76] : memref<32x79x128xi32, #tpu.memory_space<hbm>> -> memref<1x79x128xi32, #tpu.memory_space<hbm>>
      %dma_start3A_78 = tpu.memref_squeeze %dma_start3A_77 : memref<1x79x128xi32, #tpu.memory_space<hbm>> -> memref<79x128xi32, #tpu.memory_space<hbm>>
      %dma_start3A_79 = arith.constant 0 : i32
      %dma_start3A_80 = arith.constant 0 : i32
      %dma_start3A_81 = tpu.memref_slice %arg4[%add3A, %dma_start3A_79, %dma_start3A_80] : memref<32x79x128xi32, #tpu.memory_space<hbm>> -> memref<1x79x128xi32, #tpu.memory_space<hbm>>
      %dma_start3A_82 = tpu.memref_squeeze %dma_start3A_81 : memref<1x79x128xi32, #tpu.memory_space<hbm>> -> memref<79x128xi32, #tpu.memory_space<hbm>>
      tpu.enqueue_dma source(%dma_start3A_82 : memref<79x128xi32, #tpu.memory_space<hbm>>) target(%arg8 : memref<79x128xi32, #tpu.memory_space<vmem>>) target_semaphore(%run_scoped3A_74 : memref<!tpu.dma_semaphore, #tpu.memory_space<semaphore_mem>>)
      %dma_wait3A_83 = arith.constant 0 : i32
      %dma_wait3A_84 = arith.constant 0 : i32
      %dma_wait3A_85 = tpu.memref_slice %arg4[%add3A, %dma_wait3A_83, %dma_wait3A_84] : memref<32x79x128xi32, #tpu.memory_space<hbm>> -> memref<1x79x128xi32, #tpu.memory_space<hbm>>
      %dma_wait3A_86 = tpu.memref_squeeze %dma_wait3A_85 : memref<1x79x128xi32, #tpu.memory_space<hbm>> -> memref<79x128xi32, #tpu.memory_space<hbm>>
      %dma_wait3A_87 = arith.constant 0 : i32
      %dma_wait3A_88 = arith.constant 0 : i32
      %dma_wait3A_89 = tpu.memref_slice %arg4[%add3A, %dma_wait3A_87, %dma_wait3A_88] : memref<32x79x128xi32, #tpu.memory_space<hbm>> -> memref<1x79x128xi32, #tpu.memory_space<hbm>>
      %dma_wait3A_90 = tpu.memref_squeeze %dma_wait3A_89 : memref<1x79x128xi32, #tpu.memory_space<hbm>> -> memref<79x128xi32, #tpu.memory_space<hbm>>
      tpu.wait_dma2 semaphore(%run_scoped3A_74 : memref<!tpu.dma_semaphore, #tpu.memory_space<semaphore_mem>>) src(%dma_wait3A_90 : memref<79x128xi32, #tpu.memory_space<hbm>>) dst(%arg8 : memref<79x128xi32, #tpu.memory_space<vmem>>)
      tpu.yield
    }) : () -> ()
    %broadcast_in_dim3A = arith.constant 0.000000e+00 : f32
    %broadcast_in_dim3A_1 = vector.broadcast %broadcast_in_dim3A : f32 to vector<16xf32>
    %scan3A = arith.constant 0 : i32
    %scan3A_2 = arith.constant 0 : i32
    %scan3A_3 = arith.constant 128 : i32
    %scan3A_4 = arith.addi %scan3A_2, %scan3A_3 : i32
    %scan3A_5 = arith.constant 1 : i32
    scf.for %scan3A_74 = %scan3A_2 to %scan3A_4 step %scan3A_5  : i32 {
      %swap3A = arith.index_cast %scan3A_74 : i32 to index
      %swap3A_75 = arith.constant 0 : index
      %swap3A_76 = tpu.vector_load %arg9[%swap3A, %swap3A_75] {strides = array<i32>} : memref<128x128xf32, #tpu.memory_space<vmem>>, vector<16xf32>,
      tpu.vector_store %arg9[%swap3A, %swap3A_75], %broadcast_in_dim3A_1 {strides = array<i32>} : memref<128x128xf32, #tpu.memory_space<vmem>>, vector<16xf32>,
      %swap3A_77 = arith.index_cast %scan3A_74 : i32 to index
      %swap3A_78 = arith.constant 16 : index
      %swap3A_79 = tpu.vector_load %arg9[%swap3A_77, %swap3A_78] {strides = array<i32>} : memref<128x128xf32, #tpu.memory_space<vmem>>, vector<16xf32>,
      tpu.vector_store %arg9[%swap3A_77, %swap3A_78], %broadcast_in_dim3A_1 {strides = array<i32>} : memref<128x128xf32, #tpu.memory_space<vmem>>, vector<16xf32>,
      %swap3A_80 = arith.index_cast %scan3A_74 : i32 to index
      %swap3A_81 = arith.constant 32 : index
      %swap3A_82 = tpu.vector_load %arg9[%swap3A_80, %swap3A_81] {strides = array<i32>} : memref<128x128xf32, #tpu.memory_space<vmem>>, vector<16xf32>,
      tpu.vector_store %arg9[%swap3A_80, %swap3A_81], %broadcast_in_dim3A_1 {strides = array<i32>} : memref<128x128xf32, #tpu.memory_space<vmem>>, vector<16xf32>,
      %swap3A_83 = arith.index_cast %scan3A_74 : i32 to index
      %swap3A_84 = arith.constant 48 : index
      %swap3A_85 = tpu.vector_load %arg9[%swap3A_83, %swap3A_84] {strides = array<i32>} : memref<128x128xf32, #tpu.memory_space<vmem>>, vector<16xf32>,
      tpu.vector_store %arg9[%swap3A_83, %swap3A_84], %broadcast_in_dim3A_1 {strides = array<i32>} : memref<128x128xf32, #tpu.memory_space<vmem>>, vector<16xf32>,
      %swap3A_86 = arith.index_cast %scan3A_74 : i32 to index
      %swap3A_87 = arith.constant 64 : index
      %swap3A_88 = tpu.vector_load %arg9[%swap3A_86, %swap3A_87] {strides = array<i32>} : memref<128x128xf32, #tpu.memory_space<vmem>>, vector<16xf32>,
      tpu.vector_store %arg9[%swap3A_86, %swap3A_87], %broadcast_in_dim3A_1 {strides = array<i32>} : memref<128x128xf32, #tpu.memory_space<vmem>>, vector<16xf32>,
      %swap3A_89 = arith.index_cast %scan3A_74 : i32 to index
      %swap3A_90 = arith.constant 80 : index
      %swap3A_91 = tpu.vector_load %arg9[%swap3A_89, %swap3A_90] {strides = array<i32>} : memref<128x128xf32, #tpu.memory_space<vmem>>, vector<16xf32>,
      tpu.vector_store %arg9[%swap3A_89, %swap3A_90], %broadcast_in_dim3A_1 {strides = array<i32>} : memref<128x128xf32, #tpu.memory_space<vmem>>, vector<16xf32>,
      %swap3A_92 = arith.index_cast %scan3A_74 : i32 to index
      %swap3A_93 = arith.constant 96 : index
      %swap3A_94 = tpu.vector_load %arg9[%swap3A_92, %swap3A_93] {strides = array<i32>} : memref<128x128xf32, #tpu.memory_space<vmem>>, vector<16xf32>,
      tpu.vector_store %arg9[%swap3A_92, %swap3A_93], %broadcast_in_dim3A_1 {strides = array<i32>} : memref<128x128xf32, #tpu.memory_space<vmem>>, vector<16xf32>,
      %swap3A_95 = arith.index_cast %scan3A_74 : i32 to index
      %swap3A_96 = arith.constant 112 : index
      %swap3A_97 = tpu.vector_load %arg9[%swap3A_95, %swap3A_96] {strides = array<i32>} : memref<128x128xf32, #tpu.memory_space<vmem>>, vector<16xf32>,
      tpu.vector_store %arg9[%swap3A_95, %swap3A_96], %broadcast_in_dim3A_1 {strides = array<i32>} : memref<128x128xf32, #tpu.memory_space<vmem>>, vector<16xf32>,
    }
    %scan3A_6 = arith.constant 128 : i32
    %mul3A_7 = arith.constant 640 : i32
    %mul3A_8 = arith.muli %arg1, %mul3A_7 : i32
    %add3A_9 = arith.constant 0 : i32
    %add3A_10 = arith.addi %mul3A_8, %add3A_9 : i32
    "tpu.region"() ({
      %run_scoped3A_74 = tpu.sem_alloc : memref<!tpu.dma_semaphore, #tpu.memory_space<semaphore_mem>>
      %dma_start3A_75 = arith.constant 0 : i32
      %dma_start3A_76 = tpu.memref_slice %arg11[%add3A_10, %dma_start3A_75] : memref<10240x128xf32, #tpu.memory_space<vmem_shared>> -> memref<128x128xf32, #tpu.memory_space<vmem_shared>>
      %dma_start3A_77 = arith.constant 0 : i32
      %dma_start3A_78 = tpu.memref_slice %arg11[%add3A_10, %dma_start3A_77] : memref<10240x128xf32, #tpu.memory_space<vmem_shared>> -> memref<128x128xf32, #tpu.memory_space<vmem_shared>>
      tpu.enqueue_dma source(%arg9 : memref<128x128xf32, #tpu.memory_space<vmem>>) target(%dma_start3A_78 : memref<128x128xf32, #tpu.memory_space<vmem_shared>>) target_semaphore(%run_scoped3A_74 : memref<!tpu.dma_semaphore, #tpu.memory_space<semaphore_mem>>)
      %dma_wait3A_79 = arith.constant 0 : i32
      %dma_wait3A_80 = tpu.memref_slice %arg11[%add3A_10, %dma_wait3A_79] : memref<10240x128xf32, #tpu.memory_space<vmem_shared>> -> memref<128x128xf32, #tpu.memory_space<vmem_shared>>
      %dma_wait3A_81 = arith.constant 0 : i32
      %dma_wait3A_82 = tpu.memref_slice %arg11[%add3A_10, %dma_wait3A_81] : memref<10240x128xf32, #tpu.memory_space<vmem_shared>> -> memref<128x128xf32, #tpu.memory_space<vmem_shared>>
      tpu.wait_dma2 semaphore(%run_scoped3A_74 : memref<!tpu.dma_semaphore, #tpu.memory_space<semaphore_mem>>) src(%arg9 : memref<128x128xf32, #tpu.memory_space<vmem>>) dst(%dma_wait3A_82 : memref<128x128xf32, #tpu.memory_space<vmem_shared>>)
      tpu.yield
    }) : () -> ()
    %add3A_11 = arith.constant 128 : i32
    %add3A_12 = arith.addi %mul3A_8, %add3A_11 : i32
    "tpu.region"() ({
      %run_scoped3A_74 = tpu.sem_alloc : memref<!tpu.dma_semaphore, #tpu.memory_space<semaphore_mem>>
      %dma_start3A_75 = arith.constant 0 : i32
      %dma_start3A_76 = tpu.memref_slice %arg11[%add3A_12, %dma_start3A_75] : memref<10240x128xf32, #tpu.memory_space<vmem_shared>> -> memref<128x128xf32, #tpu.memory_space<vmem_shared>>
      %dma_start3A_77 = arith.constant 0 : i32
      %dma_start3A_78 = tpu.memref_slice %arg11[%add3A_12, %dma_start3A_77] : memref<10240x128xf32, #tpu.memory_space<vmem_shared>> -> memref<128x128xf32, #tpu.memory_space<vmem_shared>>
      tpu.enqueue_dma source(%arg9 : memref<128x128xf32, #tpu.memory_space<vmem>>) target(%dma_start3A_78 : memref<128x128xf32, #tpu.memory_space<vmem_shared>>) target_semaphore(%run_scoped3A_74 : memref<!tpu.dma_semaphore, #tpu.memory_space<semaphore_mem>>)
      %dma_wait3A_79 = arith.constant 0 : i32
      %dma_wait3A_80 = tpu.memref_slice %arg11[%add3A_12, %dma_wait3A_79] : memref<10240x128xf32, #tpu.memory_space<vmem_shared>> -> memref<128x128xf32, #tpu.memory_space<vmem_shared>>
      %dma_wait3A_81 = arith.constant 0 : i32
      %dma_wait3A_82 = tpu.memref_slice %arg11[%add3A_12, %dma_wait3A_81] : memref<10240x128xf32, #tpu.memory_space<vmem_shared>> -> memref<128x128xf32, #tpu.memory_space<vmem_shared>>
      tpu.wait_dma2 semaphore(%run_scoped3A_74 : memref<!tpu.dma_semaphore, #tpu.memory_space<semaphore_mem>>) src(%arg9 : memref<128x128xf32, #tpu.memory_space<vmem>>) dst(%dma_wait3A_82 : memref<128x128xf32, #tpu.memory_space<vmem_shared>>)
      tpu.yield
    }) : () -> ()
    %add3A_13 = arith.constant 256 : i32
    %add3A_14 = arith.addi %mul3A_8, %add3A_13 : i32
    "tpu.region"() ({
      %run_scoped3A_74 = tpu.sem_alloc : memref<!tpu.dma_semaphore, #tpu.memory_space<semaphore_mem>>
      %dma_start3A_75 = arith.constant 0 : i32
      %dma_start3A_76 = tpu.memref_slice %arg11[%add3A_14, %dma_start3A_75] : memref<10240x128xf32, #tpu.memory_space<vmem_shared>> -> memref<128x128xf32, #tpu.memory_space<vmem_shared>>
      %dma_start3A_77 = arith.constant 0 : i32
      %dma_start3A_78 = tpu.memref_slice %arg11[%add3A_14, %dma_start3A_77] : memref<10240x128xf32, #tpu.memory_space<vmem_shared>> -> memref<128x128xf32, #tpu.memory_space<vmem_shared>>
      tpu.enqueue_dma source(%arg9 : memref<128x128xf32, #tpu.memory_space<vmem>>) target(%dma_start3A_78 : memref<128x128xf32, #tpu.memory_space<vmem_shared>>) target_semaphore(%run_scoped3A_74 : memref<!tpu.dma_semaphore, #tpu.memory_space<semaphore_mem>>)
      %dma_wait3A_79 = arith.constant 0 : i32
      %dma_wait3A_80 = tpu.memref_slice %arg11[%add3A_14, %dma_wait3A_79] : memref<10240x128xf32, #tpu.memory_space<vmem_shared>> -> memref<128x128xf32, #tpu.memory_space<vmem_shared>>
      %dma_wait3A_81 = arith.constant 0 : i32
      %dma_wait3A_82 = tpu.memref_slice %arg11[%add3A_14, %dma_wait3A_81] : memref<10240x128xf32, #tpu.memory_space<vmem_shared>> -> memref<128x128xf32, #tpu.memory_space<vmem_shared>>
      tpu.wait_dma2 semaphore(%run_scoped3A_74 : memref<!tpu.dma_semaphore, #tpu.memory_space<semaphore_mem>>) src(%arg9 : memref<128x128xf32, #tpu.memory_space<vmem>>) dst(%dma_wait3A_82 : memref<128x128xf32, #tpu.memory_space<vmem_shared>>)
      tpu.yield
    }) : () -> ()
    %add3A_15 = arith.constant 384 : i32
    %add3A_16 = arith.addi %mul3A_8, %add3A_15 : i32
    "tpu.region"() ({
      %run_scoped3A_74 = tpu.sem_alloc : memref<!tpu.dma_semaphore, #tpu.memory_space<semaphore_mem>>
      %dma_start3A_75 = arith.constant 0 : i32
      %dma_start3A_76 = tpu.memref_slice %arg11[%add3A_16, %dma_start3A_75] : memref<10240x128xf32, #tpu.memory_space<vmem_shared>> -> memref<128x128xf32, #tpu.memory_space<vmem_shared>>
      %dma_start3A_77 = arith.constant 0 : i32
      %dma_start3A_78 = tpu.memref_slice %arg11[%add3A_16, %dma_start3A_77] : memref<10240x128xf32, #tpu.memory_space<vmem_shared>> -> memref<128x128xf32, #tpu.memory_space<vmem_shared>>
      tpu.enqueue_dma source(%arg9 : memref<128x128xf32, #tpu.memory_space<vmem>>) target(%dma_start3A_78 : memref<128x128xf32, #tpu.memory_space<vmem_shared>>) target_semaphore(%run_scoped3A_74 : memref<!tpu.dma_semaphore, #tpu.memory_space<semaphore_mem>>)
      %dma_wait3A_79 = arith.constant 0 : i32
      %dma_wait3A_80 = tpu.memref_slice %arg11[%add3A_16, %dma_wait3A_79] : memref<10240x128xf32, #tpu.memory_space<vmem_shared>> -> memref<128x128xf32, #tpu.memory_space<vmem_shared>>
      %dma_wait3A_81 = arith.constant 0 : i32
      %dma_wait3A_82 = tpu.memref_slice %arg11[%add3A_16, %dma_wait3A_81] : memref<10240x128xf32, #tpu.memory_space<vmem_shared>> -> memref<128x128xf32, #tpu.memory_space<vmem_shared>>
      tpu.wait_dma2 semaphore(%run_scoped3A_74 : memref<!tpu.dma_semaphore, #tpu.memory_space<semaphore_mem>>) src(%arg9 : memref<128x128xf32, #tpu.memory_space<vmem>>) dst(%dma_wait3A_82 : memref<128x128xf32, #tpu.memory_space<vmem_shared>>)
      tpu.yield
    }) : () -> ()
    %add3A_17 = arith.constant 512 : i32
    %add3A_18 = arith.addi %mul3A_8, %add3A_17 : i32
    "tpu.region"() ({
      %run_scoped3A_74 = tpu.sem_alloc : memref<!tpu.dma_semaphore, #tpu.memory_space<semaphore_mem>>
      %dma_start3A_75 = arith.constant 0 : i32
      %dma_start3A_76 = tpu.memref_slice %arg11[%add3A_18, %dma_start3A_75] : memref<10240x128xf32, #tpu.memory_space<vmem_shared>> -> memref<128x128xf32, #tpu.memory_space<vmem_shared>>
      %dma_start3A_77 = arith.constant 0 : i32
      %dma_start3A_78 = tpu.memref_slice %arg11[%add3A_18, %dma_start3A_77] : memref<10240x128xf32, #tpu.memory_space<vmem_shared>> -> memref<128x128xf32, #tpu.memory_space<vmem_shared>>
      tpu.enqueue_dma source(%arg9 : memref<128x128xf32, #tpu.memory_space<vmem>>) target(%dma_start3A_78 : memref<128x128xf32, #tpu.memory_space<vmem_shared>>) target_semaphore(%run_scoped3A_74 : memref<!tpu.dma_semaphore, #tpu.memory_space<semaphore_mem>>)
      %dma_wait3A_79 = arith.constant 0 : i32
      %dma_wait3A_80 = tpu.memref_slice %arg11[%add3A_18, %dma_wait3A_79] : memref<10240x128xf32, #tpu.memory_space<vmem_shared>> -> memref<128x128xf32, #tpu.memory_space<vmem_shared>>
      %dma_wait3A_81 = arith.constant 0 : i32
      %dma_wait3A_82 = tpu.memref_slice %arg11[%add3A_18, %dma_wait3A_81] : memref<10240x128xf32, #tpu.memory_space<vmem_shared>> -> memref<128x128xf32, #tpu.memory_space<vmem_shared>>
      tpu.wait_dma2 semaphore(%run_scoped3A_74 : memref<!tpu.dma_semaphore, #tpu.memory_space<semaphore_mem>>) src(%arg9 : memref<128x128xf32, #tpu.memory_space<vmem>>) dst(%dma_wait3A_82 : memref<128x128xf32, #tpu.memory_space<vmem_shared>>)
      tpu.yield
    }) : () -> ()
    "tpu.region"() ({
      %run_scoped3A_74 = tpu.sem_alloc : memref<!tpu.dma_semaphore, #tpu.memory_space<semaphore_mem>>
      %dma_start3A_75 = arith.constant 0 : i32
      %dma_start3A_76 = arith.constant 0 : i32
      %dma_start3A_77 = tpu.memref_slice %arg3[%add3A, %dma_start3A_75, %dma_start3A_76] : memref<32x80x128xi32, #tpu.memory_space<hbm>> -> memref<1x1x128xi32, #tpu.memory_space<hbm>>
      %dma_start3A_78 = tpu.memref_squeeze %dma_start3A_77 : memref<1x1x128xi32, #tpu.memory_space<hbm>> -> memref<1x128xi32, #tpu.memory_space<hbm>>
      %dma_start3A_79 = arith.constant 0 : i32
      %dma_start3A_80 = arith.constant 0 : i32
      %dma_start3A_81 = tpu.memref_slice %arg3[%add3A, %dma_start3A_79, %dma_start3A_80] : memref<32x80x128xi32, #tpu.memory_space<hbm>> -> memref<1x1x128xi32, #tpu.memory_space<hbm>>
      %dma_start3A_82 = tpu.memref_squeeze %dma_start3A_81 : memref<1x1x128xi32, #tpu.memory_space<hbm>> -> memref<1x128xi32, #tpu.memory_space<hbm>>
      tpu.enqueue_dma source(%dma_start3A_82 : memref<1x128xi32, #tpu.memory_space<hbm>>) target(%arg6 : memref<1x128xi32, #tpu.memory_space<vmem>>) target_semaphore(%run_scoped3A_74 : memref<!tpu.dma_semaphore, #tpu.memory_space<semaphore_mem>>)
      %dma_wait3A_83 = arith.constant 0 : i32
      %dma_wait3A_84 = arith.constant 0 : i32
      %dma_wait3A_85 = tpu.memref_slice %arg3[%add3A, %dma_wait3A_83, %dma_wait3A_84] : memref<32x80x128xi32, #tpu.memory_space<hbm>> -> memref<1x1x128xi32, #tpu.memory_space<hbm>>
      %dma_wait3A_86 = tpu.memref_squeeze %dma_wait3A_85 : memref<1x1x128xi32, #tpu.memory_space<hbm>> -> memref<1x128xi32, #tpu.memory_space<hbm>>
      %dma_wait3A_87 = arith.constant 0 : i32
      %dma_wait3A_88 = arith.constant 0 : i32
      %dma_wait3A_89 = tpu.memref_slice %arg3[%add3A, %dma_wait3A_87, %dma_wait3A_88] : memref<32x80x128xi32, #tpu.memory_space<hbm>> -> memref<1x1x128xi32, #tpu.memory_space<hbm>>
      %dma_wait3A_90 = tpu.memref_squeeze %dma_wait3A_89 : memref<1x1x128xi32, #tpu.memory_space<hbm>> -> memref<1x128xi32, #tpu.memory_space<hbm>>
      tpu.wait_dma2 semaphore(%run_scoped3A_74 : memref<!tpu.dma_semaphore, #tpu.memory_space<semaphore_mem>>) src(%dma_wait3A_90 : memref<1x128xi32, #tpu.memory_space<hbm>>) dst(%arg6 : memref<1x128xi32, #tpu.memory_space<vmem>>)
      tpu.yield
    }) : () -> ()
    %dma_start3A = arith.constant 0 : i32
    %dma_start3A_19 = arith.constant 0 : i32
    %dma_start3A_20 = tpu.memref_slice %arg6[%dma_start3A, %dma_start3A_19] : memref<1x128xi32, #tpu.memory_space<vmem>> -> memref<1x128xi32, #tpu.memory_space<vmem>>
    %dma_start3A_21 = tpu.memref_squeeze %dma_start3A_20 : memref<1x128xi32, #tpu.memory_space<vmem>> -> memref<128xi32, #tpu.memory_space<vmem>>
    %dma_start3A_22 = arith.constant 0 : i32
    %dma_start3A_23 = arith.constant 0 : i32
    %dma_start3A_24 = tpu.memref_slice %arg2[%dma_start3A_22, %dma_start3A_23] : memref<10240x128xf32, #tpu.memory_space<hbm>> -> memref<10240x128xf32, #tpu.memory_space<hbm>>
    tpu.enqueue_indirect_dma source(%dma_start3A_24 : memref<10240x128xf32, #tpu.memory_space<hbm>>) target(%arg9 : memref<128x128xf32, #tpu.memory_space<vmem>>) offsets(%dma_start3A_21 : memref<128xi32, #tpu.memory_space<vmem>>) semaphore(%arg14 : memref<!tpu.dma_semaphore, #tpu.memory_space<semaphore_mem>>)
    %dma_start3A_25 = arith.constant 1 : i32
    %dma_start3A_26 = arith.constant 0 : i32
    %dma_start3A_27 = tpu.memref_slice %arg3[%add3A, %dma_start3A_25, %dma_start3A_26] : memref<32x80x128xi32, #tpu.memory_space<hbm>> -> memref<1x1x128xi32, #tpu.memory_space<hbm>>
    %dma_start3A_28 = tpu.memref_squeeze %dma_start3A_27 : memref<1x1x128xi32, #tpu.memory_space<hbm>> -> memref<1x128xi32, #tpu.memory_space<hbm>>
    %dma_start3A_29 = arith.constant 1 : i32
    %dma_start3A_30 = arith.constant 0 : i32
    %dma_start3A_31 = tpu.memref_slice %arg3[%add3A, %dma_start3A_29, %dma_start3A_30] : memref<32x80x128xi32, #tpu.memory_space<hbm>> -> memref<1x1x128xi32, #tpu.memory_space<hbm>>
    %dma_start3A_32 = tpu.memref_squeeze %dma_start3A_31 : memref<1x1x128xi32, #tpu.memory_space<hbm>> -> memref<1x128xi32, #tpu.memory_space<hbm>>
    tpu.enqueue_dma source(%dma_start3A_32 : memref<1x128xi32, #tpu.memory_space<hbm>>) target(%arg7 : memref<1x128xi32, #tpu.memory_space<vmem>>) target_semaphore(%arg13 : memref<!tpu.dma_semaphore, #tpu.memory_space<semaphore_mem>>)
    %barrier3A = arith.constant 0 : index
    tpu.barrier barrier_id(%barrier3A)
    %scan3A_33 = arith.constant 0 : i32
    %scan3A_34 = arith.constant 0 : i32
    %scan3A_35 = arith.constant 39 : i32
    %scan3A_36 = arith.addi %scan3A_34, %scan3A_35 : i32
    %scan3A_37 = arith.constant 1 : i32
    scf.for %scan3A_74 = %scan3A_34 to %scan3A_36 step %scan3A_37  : i32 {
      %mul3A_75 = arith.constant 2 : i32
      %mul3A_76 = arith.muli %scan3A_74, %mul3A_75 : i32
      %add3A_77 = arith.constant 1 : i32
      %add3A_78 = arith.addi %mul3A_76, %add3A_77 : i32
      %dma_wait3A_79 = arith.constant 0 : i32
      %dma_wait3A_80 = tpu.memref_slice %arg3[%add3A, %add3A_78, %dma_wait3A_79] : memref<32x80x128xi32, #tpu.memory_space<hbm>> -> memref<1x1x128xi32, #tpu.memory_space<hbm>>
      %dma_wait3A_81 = tpu.memref_squeeze %dma_wait3A_80 : memref<1x1x128xi32, #tpu.memory_space<hbm>> -> memref<1x128xi32, #tpu.memory_space<hbm>>
      %dma_wait3A_82 = arith.constant 0 : i32
      %dma_wait3A_83 = tpu.memref_slice %arg3[%add3A, %add3A_78, %dma_wait3A_82] : memref<32x80x128xi32, #tpu.memory_space<hbm>> -> memref<1x1x128xi32, #tpu.memory_space<hbm>>
      %dma_wait3A_84 = tpu.memref_squeeze %dma_wait3A_83 : memref<1x1x128xi32, #tpu.memory_space<hbm>> -> memref<1x128xi32, #tpu.memory_space<hbm>>
      tpu.wait_dma2 semaphore(%arg13 : memref<!tpu.dma_semaphore, #tpu.memory_space<semaphore_mem>>) src(%dma_wait3A_84 : memref<1x128xi32, #tpu.memory_space<hbm>>) dst(%arg7 : memref<1x128xi32, #tpu.memory_space<vmem>>)
      %dma_wait3A_85 = arith.constant 0 : i32
      %dma_wait3A_86 = arith.constant 0 : i32
      %dma_wait3A_87 = tpu.memref_slice %arg6[%dma_wait3A_85, %dma_wait3A_86] : memref<1x128xi32, #tpu.memory_space<vmem>> -> memref<1x128xi32, #tpu.memory_space<vmem>>
      %dma_wait3A_88 = tpu.memref_squeeze %dma_wait3A_87 : memref<1x128xi32, #tpu.memory_space<vmem>> -> memref<128xi32, #tpu.memory_space<vmem>>
      %dma_wait3A_89 = arith.constant 0 : i32
      %dma_wait3A_90 = arith.constant 0 : i32
      %dma_wait3A_91 = tpu.memref_slice %arg2[%dma_wait3A_89, %dma_wait3A_90] : memref<10240x128xf32, #tpu.memory_space<hbm>> -> memref<10240x128xf32, #tpu.memory_space<hbm>>
      tpu.wait_indirect_dma semaphore(%arg14 : memref<!tpu.dma_semaphore, #tpu.memory_space<semaphore_mem>>) src(%dma_wait3A_91 : memref<10240x128xf32, #tpu.memory_space<hbm>>) dst(%arg9 : memref<128x128xf32, #tpu.memory_space<vmem>>)
      %dma_start3A_92 = arith.constant 0 : i32
      %dma_start3A_93 = arith.constant 0 : i32
      %dma_start3A_94 = tpu.memref_slice %arg7[%dma_start3A_92, %dma_start3A_93] : memref<1x128xi32, #tpu.memory_space<vmem>> -> memref<1x128xi32, #tpu.memory_space<vmem>>
      %dma_start3A_95 = tpu.memref_squeeze %dma_start3A_94 : memref<1x128xi32, #tpu.memory_space<vmem>> -> memref<128xi32, #tpu.memory_space<vmem>>
      %dma_start3A_96 = arith.constant 0 : i32
      %dma_start3A_97 = arith.constant 0 : i32
      %dma_start3A_98 = tpu.memref_slice %arg2[%dma_start3A_96, %dma_start3A_97] : memref<10240x128xf32, #tpu.memory_space<hbm>> -> memref<10240x128xf32, #tpu.memory_space<hbm>>
      tpu.enqueue_indirect_dma source(%dma_start3A_98 : memref<10240x128xf32, #tpu.memory_space<hbm>>) target(%arg10 : memref<128x128xf32, #tpu.memory_space<vmem>>) offsets(%dma_start3A_95 : memref<128xi32, #tpu.memory_space<vmem>>) semaphore(%arg15 : memref<!tpu.dma_semaphore, #tpu.memory_space<semaphore_mem>>)
      %add3A_99 = arith.constant 2 : i32
      %add3A_100 = arith.addi %mul3A_76, %add3A_99 : i32
      %dma_start3A_101 = arith.constant 0 : i32
      %dma_start3A_102 = tpu.memref_slice %arg3[%add3A, %add3A_100, %dma_start3A_101] : memref<32x80x128xi32, #tpu.memory_space<hbm>> -> memref<1x1x128xi32, #tpu.memory_space<hbm>>
      %dma_start3A_103 = tpu.memref_squeeze %dma_start3A_102 : memref<1x1x128xi32, #tpu.memory_space<hbm>> -> memref<1x128xi32, #tpu.memory_space<hbm>>
      %dma_start3A_104 = arith.constant 0 : i32
      %dma_start3A_105 = tpu.memref_slice %arg3[%add3A, %add3A_100, %dma_start3A_104] : memref<32x80x128xi32, #tpu.memory_space<hbm>> -> memref<1x1x128xi32, #tpu.memory_space<hbm>>
      %dma_start3A_106 = tpu.memref_squeeze %dma_start3A_105 : memref<1x1x128xi32, #tpu.memory_space<hbm>> -> memref<1x128xi32, #tpu.memory_space<hbm>>
      tpu.enqueue_dma source(%dma_start3A_106 : memref<1x128xi32, #tpu.memory_space<hbm>>) target(%arg6 : memref<1x128xi32, #tpu.memory_space<vmem>>) target_semaphore(%arg12 : memref<!tpu.dma_semaphore, #tpu.memory_space<semaphore_mem>>)
      "tpu.region"() ({
        %run_scoped3A_139 = tpu.sem_alloc : memref<!tpu.dma_semaphore, #tpu.memory_space<semaphore_mem>>
        %dma_start3A_140 = arith.constant 0 : i32
        %dma_start3A_141 = tpu.memref_slice %arg8[%mul3A_76, %dma_start3A_140] : memref<79x128xi32, #tpu.memory_space<vmem>> -> memref<1x128xi32, #tpu.memory_space<vmem>>
        %dma_start3A_142 = tpu.memref_squeeze %dma_start3A_141 : memref<1x128xi32, #tpu.memory_space<vmem>> -> memref<128xi32, #tpu.memory_space<vmem>>
        %dma_start3A_143 = arith.constant 0 : i32
        %dma_start3A_144 = arith.constant 0 : i32
        %dma_start3A_145 = tpu.memref_slice %arg11[%dma_start3A_143, %dma_start3A_144] : memref<10240x128xf32, #tpu.memory_space<vmem_shared>> -> memref<10240x128xf32, #tpu.memory_space<vmem_shared>>
        tpu.enqueue_indirect_dma source(%arg9 : memref<128x128xf32, #tpu.memory_space<vmem>>) target(%dma_start3A_145 : memref<10240x128xf32, #tpu.memory_space<vmem_shared>>) offsets(%dma_start3A_142 : memref<128xi32, #tpu.memory_space<vmem>>) semaphore(%run_scoped3A_139 : memref<!tpu.dma_semaphore, #tpu.memory_space<semaphore_mem>>) {add = true}
        %dma_wait3A_146 = arith.constant 0 : i32
        %dma_wait3A_147 = tpu.memref_slice %arg8[%mul3A_76, %dma_wait3A_146] : memref<79x128xi32, #tpu.memory_space<vmem>> -> memref<1x128xi32, #tpu.memory_space<vmem>>
        %dma_wait3A_148 = tpu.memref_squeeze %dma_wait3A_147 : memref<1x128xi32, #tpu.memory_space<vmem>> -> memref<128xi32, #tpu.memory_space<vmem>>
        %dma_wait3A_149 = arith.constant 0 : i32
        %dma_wait3A_150 = arith.constant 0 : i32
        %dma_wait3A_151 = tpu.memref_slice %arg11[%dma_wait3A_149, %dma_wait3A_150] : memref<10240x128xf32, #tpu.memory_space<vmem_shared>> -> memref<10240x128xf32, #tpu.memory_space<vmem_shared>>
        tpu.wait_indirect_dma semaphore(%run_scoped3A_139 : memref<!tpu.dma_semaphore, #tpu.memory_space<semaphore_mem>>) src(%arg9 : memref<128x128xf32, #tpu.memory_space<vmem>>) dst(%dma_wait3A_151 : memref<10240x128xf32, #tpu.memory_space<vmem_shared>>)
        tpu.yield
      }) : () -> ()
      %add3A_107 = arith.constant 2 : i32
      %add3A_108 = arith.addi %mul3A_76, %add3A_107 : i32
      %dma_wait3A_109 = arith.constant 0 : i32
      %dma_wait3A_110 = tpu.memref_slice %arg3[%add3A, %add3A_108, %dma_wait3A_109] : memref<32x80x128xi32, #tpu.memory_space<hbm>> -> memref<1x1x128xi32, #tpu.memory_space<hbm>>
      %dma_wait3A_111 = tpu.memref_squeeze %dma_wait3A_110 : memref<1x1x128xi32, #tpu.memory_space<hbm>> -> memref<1x128xi32, #tpu.memory_space<hbm>>
      %dma_wait3A_112 = arith.constant 0 : i32
      %dma_wait3A_113 = tpu.memref_slice %arg3[%add3A, %add3A_108, %dma_wait3A_112] : memref<32x80x128xi32, #tpu.memory_space<hbm>> -> memref<1x1x128xi32, #tpu.memory_space<hbm>>
      %dma_wait3A_114 = tpu.memref_squeeze %dma_wait3A_113 : memref<1x1x128xi32, #tpu.memory_space<hbm>> -> memref<1x128xi32, #tpu.memory_space<hbm>>
      tpu.wait_dma2 semaphore(%arg12 : memref<!tpu.dma_semaphore, #tpu.memory_space<semaphore_mem>>) src(%dma_wait3A_114 : memref<1x128xi32, #tpu.memory_space<hbm>>) dst(%arg6 : memref<1x128xi32, #tpu.memory_space<vmem>>)
      %dma_wait3A_115 = arith.constant 0 : i32
      %dma_wait3A_116 = arith.constant 0 : i32
      %dma_wait3A_117 = tpu.memref_slice %arg7[%dma_wait3A_115, %dma_wait3A_116] : memref<1x128xi32, #tpu.memory_space<vmem>> -> memref<1x128xi32, #tpu.memory_space<vmem>>
      %dma_wait3A_118 = tpu.memref_squeeze %dma_wait3A_117 : memref<1x128xi32, #tpu.memory_space<vmem>> -> memref<128xi32, #tpu.memory_space<vmem>>
      %dma_wait3A_119 = arith.constant 0 : i32
      %dma_wait3A_120 = arith.constant 0 : i32
      %dma_wait3A_121 = tpu.memref_slice %arg2[%dma_wait3A_119, %dma_wait3A_120] : memref<10240x128xf32, #tpu.memory_space<hbm>> -> memref<10240x128xf32, #tpu.memory_space<hbm>>
      tpu.wait_indirect_dma semaphore(%arg15 : memref<!tpu.dma_semaphore, #tpu.memory_space<semaphore_mem>>) src(%dma_wait3A_121 : memref<10240x128xf32, #tpu.memory_space<hbm>>) dst(%arg10 : memref<128x128xf32, #tpu.memory_space<vmem>>)
      %dma_start3A_122 = arith.constant 0 : i32
      %dma_start3A_123 = arith.constant 0 : i32
      %dma_start3A_124 = tpu.memref_slice %arg6[%dma_start3A_122, %dma_start3A_123] : memref<1x128xi32, #tpu.memory_space<vmem>> -> memref<1x128xi32, #tpu.memory_space<vmem>>
      %dma_start3A_125 = tpu.memref_squeeze %dma_start3A_124 : memref<1x128xi32, #tpu.memory_space<vmem>> -> memref<128xi32, #tpu.memory_space<vmem>>
      %dma_start3A_126 = arith.constant 0 : i32
      %dma_start3A_127 = arith.constant 0 : i32
      %dma_start3A_128 = tpu.memref_slice %arg2[%dma_start3A_126, %dma_start3A_127] : memref<10240x128xf32, #tpu.memory_space<hbm>> -> memref<10240x128xf32, #tpu.memory_space<hbm>>
      tpu.enqueue_indirect_dma source(%dma_start3A_128 : memref<10240x128xf32, #tpu.memory_space<hbm>>) target(%arg9 : memref<128x128xf32, #tpu.memory_space<vmem>>) offsets(%dma_start3A_125 : memref<128xi32, #tpu.memory_space<vmem>>) semaphore(%arg14 : memref<!tpu.dma_semaphore, #tpu.memory_space<semaphore_mem>>)
      %add3A_129 = arith.constant 3 : i32
      %add3A_130 = arith.addi %mul3A_76, %add3A_129 : i32
      %dma_start3A_131 = arith.constant 0 : i32
      %dma_start3A_132 = tpu.memref_slice %arg3[%add3A, %add3A_130, %dma_start3A_131] : memref<32x80x128xi32, #tpu.memory_space<hbm>> -> memref<1x1x128xi32, #tpu.memory_space<hbm>>
      %dma_start3A_133 = tpu.memref_squeeze %dma_start3A_132 : memref<1x1x128xi32, #tpu.memory_space<hbm>> -> memref<1x128xi32, #tpu.memory_space<hbm>>
      %dma_start3A_134 = arith.constant 0 : i32
      %dma_start3A_135 = tpu.memref_slice %arg3[%add3A, %add3A_130, %dma_start3A_134] : memref<32x80x128xi32, #tpu.memory_space<hbm>> -> memref<1x1x128xi32, #tpu.memory_space<hbm>>
      %dma_start3A_136 = tpu.memref_squeeze %dma_start3A_135 : memref<1x1x128xi32, #tpu.memory_space<hbm>> -> memref<1x128xi32, #tpu.memory_space<hbm>>
      tpu.enqueue_dma source(%dma_start3A_136 : memref<1x128xi32, #tpu.memory_space<hbm>>) target(%arg7 : memref<1x128xi32, #tpu.memory_space<vmem>>) target_semaphore(%arg13 : memref<!tpu.dma_semaphore, #tpu.memory_space<semaphore_mem>>)
      %add3A_137 = arith.constant 1 : i32
      %add3A_138 = arith.addi %mul3A_76, %add3A_137 : i32
      "tpu.region"() ({
        %run_scoped3A_139 = tpu.sem_alloc : memref<!tpu.dma_semaphore, #tpu.memory_space<semaphore_mem>>
        %dma_start3A_140 = arith.constant 0 : i32
        %dma_start3A_141 = tpu.memref_slice %arg8[%add3A_138, %dma_start3A_140] : memref<79x128xi32, #tpu.memory_space<vmem>> -> memref<1x128xi32, #tpu.memory_space<vmem>>
        %dma_start3A_142 = tpu.memref_squeeze %dma_start3A_141 : memref<1x128xi32, #tpu.memory_space<vmem>> -> memref<128xi32, #tpu.memory_space<vmem>>
        %dma_start3A_143 = arith.constant 0 : i32
        %dma_start3A_144 = arith.constant 0 : i32
        %dma_start3A_145 = tpu.memref_slice %arg11[%dma_start3A_143, %dma_start3A_144] : memref<10240x128xf32, #tpu.memory_space<vmem_shared>> -> memref<10240x128xf32, #tpu.memory_space<vmem_shared>>
        tpu.enqueue_indirect_dma source(%arg10 : memref<128x128xf32, #tpu.memory_space<vmem>>) target(%dma_start3A_145 : memref<10240x128xf32, #tpu.memory_space<vmem_shared>>) offsets(%dma_start3A_142 : memref<128xi32, #tpu.memory_space<vmem>>) semaphore(%run_scoped3A_139 : memref<!tpu.dma_semaphore, #tpu.memory_space<semaphore_mem>>) {add = true}
        %dma_wait3A_146 = arith.constant 0 : i32
        %dma_wait3A_147 = tpu.memref_slice %arg8[%add3A_138, %dma_wait3A_146] : memref<79x128xi32, #tpu.memory_space<vmem>> -> memref<1x128xi32, #tpu.memory_space<vmem>>
        %dma_wait3A_148 = tpu.memref_squeeze %dma_wait3A_147 : memref<1x128xi32, #tpu.memory_space<vmem>> -> memref<128xi32, #tpu.memory_space<vmem>>
        %dma_wait3A_149 = arith.constant 0 : i32
        %dma_wait3A_150 = arith.constant 0 : i32
        %dma_wait3A_151 = tpu.memref_slice %arg11[%dma_wait3A_149, %dma_wait3A_150] : memref<10240x128xf32, #tpu.memory_space<vmem_shared>> -> memref<10240x128xf32, #tpu.memory_space<vmem_shared>>
        tpu.wait_indirect_dma semaphore(%run_scoped3A_139 : memref<!tpu.dma_semaphore, #tpu.memory_space<semaphore_mem>>) src(%arg10 : memref<128x128xf32, #tpu.memory_space<vmem>>) dst(%dma_wait3A_151 : memref<10240x128xf32, #tpu.memory_space<vmem_shared>>)
        tpu.yield
      }) : () -> ()
    }
    %scan3A_38 = arith.constant 39 : i32
    %dma_wait3A = arith.constant 0 : i32
    %dma_wait3A_39 = arith.constant 0 : i32
    %dma_wait3A_40 = tpu.memref_slice %arg6[%dma_wait3A, %dma_wait3A_39] : memref<1x128xi32, #tpu.memory_space<vmem>> -> memref<1x128xi32, #tpu.memory_space<vmem>>
    %dma_wait3A_41 = tpu.memref_squeeze %dma_wait3A_40 : memref<1x128xi32, #tpu.memory_space<vmem>> -> memref<128xi32, #tpu.memory_space<vmem>>
    %dma_wait3A_42 = arith.constant 0 : i32
    %dma_wait3A_43 = arith.constant 0 : i32
    %dma_wait3A_44 = tpu.memref_slice %arg2[%dma_wait3A_42, %dma_wait3A_43] : memref<10240x128xf32, #tpu.memory_space<hbm>> -> memref<10240x128xf32, #tpu.memory_space<hbm>>
    tpu.wait_indirect_dma semaphore(%arg14 : memref<!tpu.dma_semaphore, #tpu.memory_space<semaphore_mem>>) src(%dma_wait3A_44 : memref<10240x128xf32, #tpu.memory_space<hbm>>) dst(%arg9 : memref<128x128xf32, #tpu.memory_space<vmem>>)
    %dma_wait3A_45 = arith.constant 79 : i32
    %dma_wait3A_46 = arith.constant 0 : i32
    %dma_wait3A_47 = tpu.memref_slice %arg3[%add3A, %dma_wait3A_45, %dma_wait3A_46] : memref<32x80x128xi32, #tpu.memory_space<hbm>> -> memref<1x1x128xi32, #tpu.memory_space<hbm>>
    %dma_wait3A_48 = tpu.memref_squeeze %dma_wait3A_47 : memref<1x1x128xi32, #tpu.memory_space<hbm>> -> memref<1x128xi32, #tpu.memory_space<hbm>>
    %dma_wait3A_49 = arith.constant 79 : i32
    %dma_wait3A_50 = arith.constant 0 : i32
    %dma_wait3A_51 = tpu.memref_slice %arg3[%add3A, %dma_wait3A_49, %dma_wait3A_50] : memref<32x80x128xi32, #tpu.memory_space<hbm>> -> memref<1x1x128xi32, #tpu.memory_space<hbm>>
    %dma_wait3A_52 = tpu.memref_squeeze %dma_wait3A_51 : memref<1x1x128xi32, #tpu.memory_space<hbm>> -> memref<1x128xi32, #tpu.memory_space<hbm>>
    tpu.wait_dma2 semaphore(%arg13 : memref<!tpu.dma_semaphore, #tpu.memory_space<semaphore_mem>>) src(%dma_wait3A_52 : memref<1x128xi32, #tpu.memory_space<hbm>>) dst(%arg7 : memref<1x128xi32, #tpu.memory_space<vmem>>)
    %run_scoped3A = arith.constant 78 : i32
    "tpu.region"() ({
      %run_scoped3A_74 = tpu.sem_alloc : memref<!tpu.dma_semaphore, #tpu.memory_space<semaphore_mem>>
      %dma_start3A_75 = arith.constant 0 : i32
      %dma_start3A_76 = tpu.memref_slice %arg8[%run_scoped3A, %dma_start3A_75] : memref<79x128xi32, #tpu.memory_space<vmem>> -> memref<1x128xi32, #tpu.memory_space<vmem>>
      %dma_start3A_77 = tpu.memref_squeeze %dma_start3A_76 : memref<1x128xi32, #tpu.memory_space<vmem>> -> memref<128xi32, #tpu.memory_space<vmem>>
      %dma_start3A_78 = arith.constant 0 : i32
      %dma_start3A_79 = arith.constant 0 : i32
      %dma_start3A_80 = tpu.memref_slice %arg11[%dma_start3A_78, %dma_start3A_79] : memref<10240x128xf32, #tpu.memory_space<vmem_shared>> -> memref<10240x128xf32, #tpu.memory_space<vmem_shared>>
      tpu.enqueue_indirect_dma source(%arg9 : memref<128x128xf32, #tpu.memory_space<vmem>>) target(%dma_start3A_80 : memref<10240x128xf32, #tpu.memory_space<vmem_shared>>) offsets(%dma_start3A_77 : memref<128xi32, #tpu.memory_space<vmem>>) semaphore(%run_scoped3A_74 : memref<!tpu.dma_semaphore, #tpu.memory_space<semaphore_mem>>) {add = true}
      %dma_wait3A_81 = arith.constant 0 : i32
      %dma_wait3A_82 = tpu.memref_slice %arg8[%run_scoped3A, %dma_wait3A_81] : memref<79x128xi32, #tpu.memory_space<vmem>> -> memref<1x128xi32, #tpu.memory_space<vmem>>
      %dma_wait3A_83 = tpu.memref_squeeze %dma_wait3A_82 : memref<1x128xi32, #tpu.memory_space<vmem>> -> memref<128xi32, #tpu.memory_space<vmem>>
      %dma_wait3A_84 = arith.constant 0 : i32
      %dma_wait3A_85 = arith.constant 0 : i32
      %dma_wait3A_86 = tpu.memref_slice %arg11[%dma_wait3A_84, %dma_wait3A_85] : memref<10240x128xf32, #tpu.memory_space<vmem_shared>> -> memref<10240x128xf32, #tpu.memory_space<vmem_shared>>
      tpu.wait_indirect_dma semaphore(%run_scoped3A_74 : memref<!tpu.dma_semaphore, #tpu.memory_space<semaphore_mem>>) src(%arg9 : memref<128x128xf32, #tpu.memory_space<vmem>>) dst(%dma_wait3A_86 : memref<10240x128xf32, #tpu.memory_space<vmem_shared>>)
      tpu.yield
    }) : () -> ()
    %barrier3A_53 = arith.constant 0 : index
    tpu.barrier barrier_id(%barrier3A_53)
    %add3A_54 = arith.constant 0 : i32
    %add3A_55 = arith.addi %mul3A_8, %add3A_54 : i32
    %add3A_56 = arith.constant 0 : i32
    %add3A_57 = arith.addi %mul3A_8, %add3A_56 : i32
    "tpu.region"() ({
      %run_scoped3A_74 = tpu.sem_alloc : memref<!tpu.dma_semaphore, #tpu.memory_space<semaphore_mem>>
      %dma_start3A_75 = arith.constant 0 : i32
      %dma_start3A_76 = tpu.memref_slice %arg5[%arg0, %add3A_57, %dma_start3A_75] : memref<2x10240x128xf32, #tpu.memory_space<hbm>> -> memref<1x128x128xf32, #tpu.memory_space<hbm>>
      %dma_start3A_77 = tpu.memref_squeeze %dma_start3A_76 : memref<1x128x128xf32, #tpu.memory_space<hbm>> -> memref<128x128xf32, #tpu.memory_space<hbm>>
      %dma_start3A_78 = arith.constant 0 : i32
      %dma_start3A_79 = tpu.memref_slice %arg11[%add3A_55, %dma_start3A_78] : memref<10240x128xf32, #tpu.memory_space<vmem_shared>> -> memref<128x128xf32, #tpu.memory_space<vmem_shared>>
      tpu.enqueue_dma source(%dma_start3A_79 : memref<128x128xf32, #tpu.memory_space<vmem_shared>>) target(%dma_start3A_77 : memref<128x128xf32, #tpu.memory_space<hbm>>) target_semaphore(%run_scoped3A_74 : memref<!tpu.dma_semaphore, #tpu.memory_space<semaphore_mem>>)
      %dma_wait3A_80 = arith.constant 0 : i32
      %dma_wait3A_81 = tpu.memref_slice %arg5[%arg0, %add3A_57, %dma_wait3A_80] : memref<2x10240x128xf32, #tpu.memory_space<hbm>> -> memref<1x128x128xf32, #tpu.memory_space<hbm>>
      %dma_wait3A_82 = tpu.memref_squeeze %dma_wait3A_81 : memref<1x128x128xf32, #tpu.memory_space<hbm>> -> memref<128x128xf32, #tpu.memory_space<hbm>>
      %dma_wait3A_83 = arith.constant 0 : i32
      %dma_wait3A_84 = tpu.memref_slice %arg11[%add3A_55, %dma_wait3A_83] : memref<10240x128xf32, #tpu.memory_space<vmem_shared>> -> memref<128x128xf32, #tpu.memory_space<vmem_shared>>
      tpu.wait_dma2 semaphore(%run_scoped3A_74 : memref<!tpu.dma_semaphore, #tpu.memory_space<semaphore_mem>>) src(%dma_wait3A_84 : memref<128x128xf32, #tpu.memory_space<vmem_shared>>) dst(%dma_wait3A_82 : memref<128x128xf32, #tpu.memory_space<hbm>>)
      tpu.yield
    }) : () -> ()
    %add3A_58 = arith.constant 128 : i32
    %add3A_59 = arith.addi %mul3A_8, %add3A_58 : i32
    %add3A_60 = arith.constant 128 : i32
    %add3A_61 = arith.addi %mul3A_8, %add3A_60 : i32
    "tpu.region"() ({
      %run_scoped3A_74 = tpu.sem_alloc : memref<!tpu.dma_semaphore, #tpu.memory_space<semaphore_mem>>
      %dma_start3A_75 = arith.constant 0 : i32
      %dma_start3A_76 = tpu.memref_slice %arg5[%arg0, %add3A_61, %dma_start3A_75] : memref<2x10240x128xf32, #tpu.memory_space<hbm>> -> memref<1x128x128xf32, #tpu.memory_space<hbm>>
      %dma_start3A_77 = tpu.memref_squeeze %dma_start3A_76 : memref<1x128x128xf32, #tpu.memory_space<hbm>> -> memref<128x128xf32, #tpu.memory_space<hbm>>
      %dma_start3A_78 = arith.constant 0 : i32
      %dma_start3A_79 = tpu.memref_slice %arg11[%add3A_59, %dma_start3A_78] : memref<10240x128xf32, #tpu.memory_space<vmem_shared>> -> memref<128x128xf32, #tpu.memory_space<vmem_shared>>
      tpu.enqueue_dma source(%dma_start3A_79 : memref<128x128xf32, #tpu.memory_space<vmem_shared>>) target(%dma_start3A_77 : memref<128x128xf32, #tpu.memory_space<hbm>>) target_semaphore(%run_scoped3A_74 : memref<!tpu.dma_semaphore, #tpu.memory_space<semaphore_mem>>)
      %dma_wait3A_80 = arith.constant 0 : i32
      %dma_wait3A_81 = tpu.memref_slice %arg5[%arg0, %add3A_61, %dma_wait3A_80] : memref<2x10240x128xf32, #tpu.memory_space<hbm>> -> memref<1x128x128xf32, #tpu.memory_space<hbm>>
      %dma_wait3A_82 = tpu.memref_squeeze %dma_wait3A_81 : memref<1x128x128xf32, #tpu.memory_space<hbm>> -> memref<128x128xf32, #tpu.memory_space<hbm>>
      %dma_wait3A_83 = arith.constant 0 : i32
      %dma_wait3A_84 = tpu.memref_slice %arg11[%add3A_59, %dma_wait3A_83] : memref<10240x128xf32, #tpu.memory_space<vmem_shared>> -> memref<128x128xf32, #tpu.memory_space<vmem_shared>>
      tpu.wait_dma2 semaphore(%run_scoped3A_74 : memref<!tpu.dma_semaphore, #tpu.memory_space<semaphore_mem>>) src(%dma_wait3A_84 : memref<128x128xf32, #tpu.memory_space<vmem_shared>>) dst(%dma_wait3A_82 : memref<128x128xf32, #tpu.memory_space<hbm>>)
      tpu.yield
    }) : () -> ()
    %add3A_62 = arith.constant 256 : i32
    %add3A_63 = arith.addi %mul3A_8, %add3A_62 : i32
    %add3A_64 = arith.constant 256 : i32
    %add3A_65 = arith.addi %mul3A_8, %add3A_64 : i32
    "tpu.region"() ({
      %run_scoped3A_74 = tpu.sem_alloc : memref<!tpu.dma_semaphore, #tpu.memory_space<semaphore_mem>>
      %dma_start3A_75 = arith.constant 0 : i32
      %dma_start3A_76 = tpu.memref_slice %arg5[%arg0, %add3A_65, %dma_start3A_75] : memref<2x10240x128xf32, #tpu.memory_space<hbm>> -> memref<1x128x128xf32, #tpu.memory_space<hbm>>
      %dma_start3A_77 = tpu.memref_squeeze %dma_start3A_76 : memref<1x128x128xf32, #tpu.memory_space<hbm>> -> memref<128x128xf32, #tpu.memory_space<hbm>>
      %dma_start3A_78 = arith.constant 0 : i32
      %dma_start3A_79 = tpu.memref_slice %arg11[%add3A_63, %dma_start3A_78] : memref<10240x128xf32, #tpu.memory_space<vmem_shared>> -> memref<128x128xf32, #tpu.memory_space<vmem_shared>>
      tpu.enqueue_dma source(%dma_start3A_79 : memref<128x128xf32, #tpu.memory_space<vmem_shared>>) target(%dma_start3A_77 : memref<128x128xf32, #tpu.memory_space<hbm>>) target_semaphore(%run_scoped3A_74 : memref<!tpu.dma_semaphore, #tpu.memory_space<semaphore_mem>>)
      %dma_wait3A_80 = arith.constant 0 : i32
      %dma_wait3A_81 = tpu.memref_slice %arg5[%arg0, %add3A_65, %dma_wait3A_80] : memref<2x10240x128xf32, #tpu.memory_space<hbm>> -> memref<1x128x128xf32, #tpu.memory_space<hbm>>
      %dma_wait3A_82 = tpu.memref_squeeze %dma_wait3A_81 : memref<1x128x128xf32, #tpu.memory_space<hbm>> -> memref<128x128xf32, #tpu.memory_space<hbm>>
      %dma_wait3A_83 = arith.constant 0 : i32
      %dma_wait3A_84 = tpu.memref_slice %arg11[%add3A_63, %dma_wait3A_83] : memref<10240x128xf32, #tpu.memory_space<vmem_shared>> -> memref<128x128xf32, #tpu.memory_space<vmem_shared>>
      tpu.wait_dma2 semaphore(%run_scoped3A_74 : memref<!tpu.dma_semaphore, #tpu.memory_space<semaphore_mem>>) src(%dma_wait3A_84 : memref<128x128xf32, #tpu.memory_space<vmem_shared>>) dst(%dma_wait3A_82 : memref<128x128xf32, #tpu.memory_space<hbm>>)
      tpu.yield
    }) : () -> ()
    %add3A_66 = arith.constant 384 : i32
    %add3A_67 = arith.addi %mul3A_8, %add3A_66 : i32
    %add3A_68 = arith.constant 384 : i32
    %add3A_69 = arith.addi %mul3A_8, %add3A_68 : i32
    "tpu.region"() ({
      %run_scoped3A_74 = tpu.sem_alloc : memref<!tpu.dma_semaphore, #tpu.memory_space<semaphore_mem>>
      %dma_start3A_75 = arith.constant 0 : i32
      %dma_start3A_76 = tpu.memref_slice %arg5[%arg0, %add3A_69, %dma_start3A_75] : memref<2x10240x128xf32, #tpu.memory_space<hbm>> -> memref<1x128x128xf32, #tpu.memory_space<hbm>>
      %dma_start3A_77 = tpu.memref_squeeze %dma_start3A_76 : memref<1x128x128xf32, #tpu.memory_space<hbm>> -> memref<128x128xf32, #tpu.memory_space<hbm>>
      %dma_start3A_78 = arith.constant 0 : i32
      %dma_start3A_79 = tpu.memref_slice %arg11[%add3A_67, %dma_start3A_78] : memref<10240x128xf32, #tpu.memory_space<vmem_shared>> -> memref<128x128xf32, #tpu.memory_space<vmem_shared>>
      tpu.enqueue_dma source(%dma_start3A_79 : memref<128x128xf32, #tpu.memory_space<vmem_shared>>) target(%dma_start3A_77 : memref<128x128xf32, #tpu.memory_space<hbm>>) target_semaphore(%run_scoped3A_74 : memref<!tpu.dma_semaphore, #tpu.memory_space<semaphore_mem>>)
      %dma_wait3A_80 = arith.constant 0 : i32
      %dma_wait3A_81 = tpu.memref_slice %arg5[%arg0, %add3A_69, %dma_wait3A_80] : memref<2x10240x128xf32, #tpu.memory_space<hbm>> -> memref<1x128x128xf32, #tpu.memory_space<hbm>>
      %dma_wait3A_82 = tpu.memref_squeeze %dma_wait3A_81 : memref<1x128x128xf32, #tpu.memory_space<hbm>> -> memref<128x128xf32, #tpu.memory_space<hbm>>
      %dma_wait3A_83 = arith.constant 0 : i32
      %dma_wait3A_84 = tpu.memref_slice %arg11[%add3A_67, %dma_wait3A_83] : memref<10240x128xf32, #tpu.memory_space<vmem_shared>> -> memref<128x128xf32, #tpu.memory_space<vmem_shared>>
      tpu.wait_dma2 semaphore(%run_scoped3A_74 : memref<!tpu.dma_semaphore, #tpu.memory_space<semaphore_mem>>) src(%dma_wait3A_84 : memref<128x128xf32, #tpu.memory_space<vmem_shared>>) dst(%dma_wait3A_82 : memref<128x128xf32, #tpu.memory_space<hbm>>)
      tpu.yield
    }) : () -> ()
    %add3A_70 = arith.constant 512 : i32
    %add3A_71 = arith.addi %mul3A_8, %add3A_70 : i32
    %add3A_72 = arith.constant 512 : i32
    %add3A_73 = arith.addi %mul3A_8, %add3A_72 : i32
    "tpu.region"() ({
      %run_scoped3A_74 = tpu.sem_alloc : memref<!tpu.dma_semaphore, #tpu.memory_space<semaphore_mem>>
      %dma_start3A_75 = arith.constant 0 : i32
      %dma_start3A_76 = tpu.memref_slice %arg5[%arg0, %add3A_73, %dma_start3A_75] : memref<2x10240x128xf32, #tpu.memory_space<hbm>> -> memref<1x128x128xf32, #tpu.memory_space<hbm>>
      %dma_start3A_77 = tpu.memref_squeeze %dma_start3A_76 : memref<1x128x128xf32, #tpu.memory_space<hbm>> -> memref<128x128xf32, #tpu.memory_space<hbm>>
      %dma_start3A_78 = arith.constant 0 : i32
      %dma_start3A_79 = tpu.memref_slice %arg11[%add3A_71, %dma_start3A_78] : memref<10240x128xf32, #tpu.memory_space<vmem_shared>> -> memref<128x128xf32, #tpu.memory_space<vmem_shared>>
      tpu.enqueue_dma source(%dma_start3A_79 : memref<128x128xf32, #tpu.memory_space<vmem_shared>>) target(%dma_start3A_77 : memref<128x128xf32, #tpu.memory_space<hbm>>) target_semaphore(%run_scoped3A_74 : memref<!tpu.dma_semaphore, #tpu.memory_space<semaphore_mem>>)
      %dma_wait3A_80 = arith.constant 0 : i32
      %dma_wait3A_81 = tpu.memref_slice %arg5[%arg0, %add3A_73, %dma_wait3A_80] : memref<2x10240x128xf32, #tpu.memory_space<hbm>> -> memref<1x128x128xf32, #tpu.memory_space<hbm>>
      %dma_wait3A_82 = tpu.memref_squeeze %dma_wait3A_81 : memref<1x128x128xf32, #tpu.memory_space<hbm>> -> memref<128x128xf32, #tpu.memory_space<hbm>>
      %dma_wait3A_83 = arith.constant 0 : i32
      %dma_wait3A_84 = tpu.memref_slice %arg11[%add3A_71, %dma_wait3A_83] : memref<10240x128xf32, #tpu.memory_space<vmem_shared>> -> memref<128x128xf32, #tpu.memory_space<vmem_shared>>
      tpu.wait_dma2 semaphore(%run_scoped3A_74 : memref<!tpu.dma_semaphore, #tpu.memory_space<semaphore_mem>>) src(%dma_wait3A_84 : memref<128x128xf32, #tpu.memory_space<vmem_shared>>) dst(%dma_wait3A_82 : memref<128x128xf32, #tpu.memory_space<hbm>>)
      tpu.yield
    }) : () -> ()
    return
  }
}

module attributes {stable_mosaic.version = 14 : i64} {
  func.func @_tc1_body(%arg0: i32, %arg1: memref<1024x128xf32, #tpu.memory_space<vmem>>, %arg2: memref<32x8x128xf32, #tpu.memory_space<vmem>>, %arg3: memref<128x128xf32, #tpu.memory_space<vmem>>, %arg4: memref<1024x128xf32, #tpu.memory_space<vmem>>) attributes {dimension_semantics = [#tpu.dimension_semantics<arbitrary>], iteration_bounds = array<i64: 10>, scalar_prefetch = 0 : i64, scratch_operands = 0 : i64, tpu.core_type = #tpu.core_type<tc>, window_params = [{transform_indices = @transform_0, window_bounds = array<i64: 1024, 128>}, {transform_indices = @transform_1, window_bounds = array<i64: 32, 8, 128>}, {pipeline_mode = #tpu.pipeline_mode<synchronous>, transform_indices = @transform_2, window_bounds = array<i64: 128, 128>}, {transform_indices = @transform_3, window_bounds = array<i64: 1024, 128>}]} {
    %get3A = arith.constant 0 : index
    %get3A_0 = arith.constant 0 : index
    %get3A_1 = arith.constant 0 : index
    %get3A_2 = vector.load %arg2[%get3A, %get3A_0, %get3A_1] : memref<32x8x128xf32, #tpu.memory_space<vmem>>, vector<32x8x128xf32>
    %reduce_sum3A = arith.constant dense<0.000000e+00> : vector<8x128xf32>
    %reduce_sum3A_3 = vector.multi_reduction <add>, %get3A_2, %reduce_sum3A [0] : vector<32x8x128xf32> to vector<8x128xf32>
    %add3A = arith.constant 1.000000e+00 : f32
    %add3A_4 = vector.broadcast %add3A : f32 to vector<8x128xf32>
    %add3A_5 = arith.addf %reduce_sum3A_3, %add3A_4 : vector<8x128xf32>
    %rsqrt3A = math.rsqrt %add3A_5 : vector<8x128xf32>
    %get3A_6 = arith.constant 0 : index
    %get3A_7 = arith.constant 0 : index
    %get3A_8 = vector.load %arg1[%get3A_6, %get3A_7] : memref<1024x128xf32, #tpu.memory_space<vmem>>, vector<1024x128xf32>
    %get3A_9 = arith.constant 0 : index
    %get3A_10 = arith.constant 0 : index
    %get3A_11 = vector.load %arg3[%get3A_9, %get3A_10] : memref<128x128xf32, #tpu.memory_space<vmem>>, vector<128x128xf32>
    %dot_general3A = arith.constant dense<0.000000e+00> : vector<1024x128xf32>
    %dot_general3A_12 = tpu.matmul %get3A_8, %get3A_11, %dot_general3A {dimension_numbers = #tpu.dot_dimension_numbers<[1], [0], [0], [1], [0, 0, 1, 1], [], []>, transpose_lhs_hint = false} : vector<1024x128xf32>, vector<128x128xf32>, vector<1024x128xf32> -> vector<1024x128xf32>
    %reshape3A = vector.shape_cast %dot_general3A_12 : vector<1024x128xf32> to vector<8x128x128xf32>
    %broadcast_in_dim3A = vector.shape_cast %rsqrt3A : vector<8x128xf32> to vector<8x128x1xf32>
    %mul3A = vector.broadcast %broadcast_in_dim3A : vector<8x128x1xf32> to vector<8x128x128xf32>
    %mul3A_13 = arith.mulf %reshape3A, %mul3A : vector<8x128x128xf32>
    %reshape3A_14 = vector.shape_cast %mul3A_13 : vector<8x128x128xf32> to vector<1024x128xf32>
    %swap3A = arith.constant 0 : index
    %swap3A_15 = arith.constant 0 : index
    %swap3A_16 = vector.load %arg4[%swap3A, %swap3A_15] : memref<1024x128xf32, #tpu.memory_space<vmem>>, vector<1024x128xf32>
    tpu.vector_store %arg4[%swap3A, %swap3A_15], %reshape3A_14 {strides = array<i32>} : memref<1024x128xf32, #tpu.memory_space<vmem>>, vector<1024x128xf32>,
    return
  }
  func.func @transform_0(%arg0: i32) -> (i32, i32) {
    %c0_i32 = arith.constant 0 : i32
    %c0_i32_0 = arith.constant 0 : i32
    return %arg0, %c0_i32 : i32, i32
  }
  func.func @transform_1(%arg0: i32) -> (i32, i32, i32) {
    %c0_i32 = arith.constant 0 : i32
    %c0_i32_0 = arith.constant 0 : i32
    %c0_i32_1 = arith.constant 0 : i32
    return %c0_i32, %arg0, %c0_i32_0 : i32, i32, i32
  }
  func.func @transform_2(%arg0: i32) -> (i32, i32) {
    %c0_i32 = arith.constant 0 : i32
    %c0_i32_0 = arith.constant 0 : i32
    %c0_i32_1 = arith.constant 0 : i32
    return %c0_i32, %c0_i32_0 : i32, i32
  }
  func.func @transform_3(%arg0: i32) -> (i32, i32) {
    %c0_i32 = arith.constant 0 : i32
    %c0_i32_0 = arith.constant 0 : i32
    return %arg0, %c0_i32 : i32, i32
  }
}

module attributes {stable_mosaic.version = 14 : i64} {
  func.func @_tc_mid_body(%arg0: i32, %arg1: memref<2x1024x128xf32, #tpu.memory_space<vmem>>, %arg2: memref<1024x128xf32, #tpu.memory_space<vmem>>, %arg3: memref<32x8x128xf32, #tpu.memory_space<vmem>>, %arg4: memref<1x128xf32, #tpu.memory_space<vmem>>, %arg5: memref<128x128xf32, #tpu.memory_space<vmem>>, %arg6: memref<1024x128xf32, #tpu.memory_space<vmem>>) attributes {dimension_semantics = [#tpu.dimension_semantics<arbitrary>], iteration_bounds = array<i64: 10>, scalar_prefetch = 0 : i64, scratch_operands = 0 : i64, tpu.core_type = #tpu.core_type<tc>, window_params = [{transform_indices = @transform_0, window_bounds = array<i64: 2, 1024, 128>}, {transform_indices = @transform_1, window_bounds = array<i64: 1024, 128>}, {transform_indices = @transform_2, window_bounds = array<i64: 32, 8, 128>}, {pipeline_mode = #tpu.pipeline_mode<synchronous>, transform_indices = @transform_3, window_bounds = array<i64: 1, 128>}, {pipeline_mode = #tpu.pipeline_mode<synchronous>, transform_indices = @transform_4, window_bounds = array<i64: 128, 128>}, {transform_indices = @transform_5, window_bounds = array<i64: 1024, 128>}]} {
    %get3A = arith.constant 0 : index
    %get3A_0 = arith.constant 0 : index
    %get3A_1 = arith.constant 0 : index
    %get3A_2 = vector.load %arg3[%get3A, %get3A_0, %get3A_1] : memref<32x8x128xf32, #tpu.memory_space<vmem>>, vector<32x8x128xf32>
    %reduce_sum3A = arith.constant dense<0.000000e+00> : vector<8x128xf32>
    %reduce_sum3A_3 = vector.multi_reduction <add>, %get3A_2, %reduce_sum3A [0] : vector<32x8x128xf32> to vector<8x128xf32>
    %add3A = arith.constant 1.000000e+00 : f32
    %add3A_4 = vector.broadcast %add3A : f32 to vector<8x128xf32>
    %add3A_5 = arith.addf %reduce_sum3A_3, %add3A_4 : vector<8x128xf32>
    %rsqrt3A = math.rsqrt %add3A_5 : vector<8x128xf32>
    %get3A_6 = arith.constant 0 : index
    %get3A_7 = arith.constant 0 : index
    %get3A_8 = arith.constant 0 : index
    %get3A_9 = vector.load %arg1[%get3A_6, %get3A_7, %get3A_8] : memref<2x1024x128xf32, #tpu.memory_space<vmem>>, vector<1x1024x128xf32>
    %get3A_10 = vector.shape_cast %get3A_9 : vector<1x1024x128xf32> to vector<1024x128xf32>
    %get3A_11 = arith.constant 1 : index
    %get3A_12 = arith.constant 0 : index
    %get3A_13 = arith.constant 0 : index
    %get3A_14 = vector.load %arg1[%get3A_11, %get3A_12, %get3A_13] : memref<2x1024x128xf32, #tpu.memory_space<vmem>>, vector<1x1024x128xf32>
    %get3A_15 = vector.shape_cast %get3A_14 : vector<1x1024x128xf32> to vector<1024x128xf32>
    %add3A_16 = arith.addf %get3A_10, %get3A_15 : vector<1024x128xf32>
    %get3A_17 = arith.constant 0 : index
    %get3A_18 = arith.constant 0 : index
    %get3A_19 = vector.load %arg2[%get3A_17, %get3A_18] : memref<1024x128xf32, #tpu.memory_space<vmem>>, vector<1024x128xf32>
    %add3A_20 = arith.addf %add3A_16, %get3A_19 : vector<1024x128xf32>
    %reshape3A = vector.shape_cast %add3A_20 : vector<1024x128xf32> to vector<8x128x128xf32>
    %broadcast_in_dim3A = vector.shape_cast %rsqrt3A : vector<8x128xf32> to vector<8x128x1xf32>
    %mul3A = vector.broadcast %broadcast_in_dim3A : vector<8x128x1xf32> to vector<8x128x128xf32>
    %mul3A_21 = arith.mulf %reshape3A, %mul3A : vector<8x128x128xf32>
    %reshape3A_22 = vector.shape_cast %mul3A_21 : vector<8x128x128xf32> to vector<1024x128xf32>
    %get3A_23 = arith.constant 0 : index
    %get3A_24 = arith.constant 0 : index
    %get3A_25 = vector.load %arg4[%get3A_23, %get3A_24] : memref<1x128xf32, #tpu.memory_space<vmem>>, vector<1x128xf32>
    %add3A_26 = vector.broadcast %get3A_25 : vector<1x128xf32> to vector<1024x128xf32>
    %add3A_27 = arith.addf %reshape3A_22, %add3A_26 : vector<1024x128xf32>
    %max3A = arith.constant 0.000000e+00 : f32
    %max3A_28 = vector.broadcast %max3A : f32 to vector<1024x128xf32>
    %max3A_29 = arith.maximumf %add3A_27, %max3A_28 : vector<1024x128xf32>
    %get3A_30 = arith.constant 0 : index
    %get3A_31 = arith.constant 0 : index
    %get3A_32 = vector.load %arg5[%get3A_30, %get3A_31] : memref<128x128xf32, #tpu.memory_space<vmem>>, vector<128x128xf32>
    %dot_general3A = arith.constant dense<0.000000e+00> : vector<1024x128xf32>
    %dot_general3A_33 = tpu.matmul %max3A_29, %get3A_32, %dot_general3A {dimension_numbers = #tpu.dot_dimension_numbers<[1], [0], [0], [1], [0, 0, 1, 1], [], []>, transpose_lhs_hint = false} : vector<1024x128xf32>, vector<128x128xf32>, vector<1024x128xf32> -> vector<1024x128xf32>
    %reshape3A_34 = vector.shape_cast %dot_general3A_33 : vector<1024x128xf32> to vector<8x128x128xf32>
    %broadcast_in_dim3A_35 = vector.shape_cast %rsqrt3A : vector<8x128xf32> to vector<8x128x1xf32>
    %mul3A_36 = vector.broadcast %broadcast_in_dim3A_35 : vector<8x128x1xf32> to vector<8x128x128xf32>
    %mul3A_37 = arith.mulf %reshape3A_34, %mul3A_36 : vector<8x128x128xf32>
    %reshape3A_38 = vector.shape_cast %mul3A_37 : vector<8x128x128xf32> to vector<1024x128xf32>
    %swap3A = arith.constant 0 : index
    %swap3A_39 = arith.constant 0 : index
    %swap3A_40 = vector.load %arg6[%swap3A, %swap3A_39] : memref<1024x128xf32, #tpu.memory_space<vmem>>, vector<1024x128xf32>
    tpu.vector_store %arg6[%swap3A, %swap3A_39], %reshape3A_38 {strides = array<i32>} : memref<1024x128xf32, #tpu.memory_space<vmem>>, vector<1024x128xf32>,
    return
  }
  func.func @transform_0(%arg0: i32) -> (i32, i32, i32) {
    %c0_i32 = arith.constant 0 : i32
    %c0_i32_0 = arith.constant 0 : i32
    %c0_i32_1 = arith.constant 0 : i32
    return %c0_i32, %arg0, %c0_i32_0 : i32, i32, i32
  }
  func.func @transform_1(%arg0: i32) -> (i32, i32) {
    %c0_i32 = arith.constant 0 : i32
    %c0_i32_0 = arith.constant 0 : i32
    return %arg0, %c0_i32 : i32, i32
  }
  func.func @transform_2(%arg0: i32) -> (i32, i32, i32) {
    %c0_i32 = arith.constant 0 : i32
    %c0_i32_0 = arith.constant 0 : i32
    %c0_i32_1 = arith.constant 0 : i32
    return %c0_i32, %arg0, %c0_i32_0 : i32, i32, i32
  }
  func.func @transform_3(%arg0: i32) -> (i32, i32) {
    %c0_i32 = arith.constant 0 : i32
    %c0_i32_0 = arith.constant 0 : i32
    %c0_i32_1 = arith.constant 0 : i32
    return %c0_i32, %c0_i32_0 : i32, i32
  }
  func.func @transform_4(%arg0: i32) -> (i32, i32) {
    %c0_i32 = arith.constant 0 : i32
    %c0_i32_0 = arith.constant 0 : i32
    %c0_i32_1 = arith.constant 0 : i32
    return %c0_i32, %c0_i32_0 : i32, i32
  }
  func.func @transform_5(%arg0: i32) -> (i32, i32) {
    %c0_i32 = arith.constant 0 : i32
    %c0_i32_0 = arith.constant 0 : i32
    return %arg0, %c0_i32 : i32, i32
  }
}

module attributes {stable_mosaic.version = 14 : i64} {
  func.func @_tc_mid_body(%arg0: i32, %arg1: memref<2x1024x128xf32, #tpu.memory_space<vmem>>, %arg2: memref<1024x128xf32, #tpu.memory_space<vmem>>, %arg3: memref<32x8x128xf32, #tpu.memory_space<vmem>>, %arg4: memref<1x128xf32, #tpu.memory_space<vmem>>, %arg5: memref<128x64xf32, #tpu.memory_space<vmem>>, %arg6: memref<1024x64xf32, #tpu.memory_space<vmem>>) attributes {dimension_semantics = [#tpu.dimension_semantics<arbitrary>], iteration_bounds = array<i64: 10>, scalar_prefetch = 0 : i64, scratch_operands = 0 : i64, tpu.core_type = #tpu.core_type<tc>, window_params = [{transform_indices = @transform_0, window_bounds = array<i64: 2, 1024, 128>}, {transform_indices = @transform_1, window_bounds = array<i64: 1024, 128>}, {transform_indices = @transform_2, window_bounds = array<i64: 32, 8, 128>}, {pipeline_mode = #tpu.pipeline_mode<synchronous>, transform_indices = @transform_3, window_bounds = array<i64: 1, 128>}, {pipeline_mode = #tpu.pipeline_mode<synchronous>, transform_indices = @transform_4, window_bounds = array<i64: 128, 64>}, {transform_indices = @transform_5, window_bounds = array<i64: 1024, 64>}]} {
    %get3A = arith.constant 0 : index
    %get3A_0 = arith.constant 0 : index
    %get3A_1 = arith.constant 0 : index
    %get3A_2 = vector.load %arg3[%get3A, %get3A_0, %get3A_1] : memref<32x8x128xf32, #tpu.memory_space<vmem>>, vector<32x8x128xf32>
    %reduce_sum3A = arith.constant dense<0.000000e+00> : vector<8x128xf32>
    %reduce_sum3A_3 = vector.multi_reduction <add>, %get3A_2, %reduce_sum3A [0] : vector<32x8x128xf32> to vector<8x128xf32>
    %add3A = arith.constant 1.000000e+00 : f32
    %add3A_4 = vector.broadcast %add3A : f32 to vector<8x128xf32>
    %add3A_5 = arith.addf %reduce_sum3A_3, %add3A_4 : vector<8x128xf32>
    %rsqrt3A = math.rsqrt %add3A_5 : vector<8x128xf32>
    %get3A_6 = arith.constant 0 : index
    %get3A_7 = arith.constant 0 : index
    %get3A_8 = arith.constant 0 : index
    %get3A_9 = vector.load %arg1[%get3A_6, %get3A_7, %get3A_8] : memref<2x1024x128xf32, #tpu.memory_space<vmem>>, vector<1x1024x128xf32>
    %get3A_10 = vector.shape_cast %get3A_9 : vector<1x1024x128xf32> to vector<1024x128xf32>
    %get3A_11 = arith.constant 1 : index
    %get3A_12 = arith.constant 0 : index
    %get3A_13 = arith.constant 0 : index
    %get3A_14 = vector.load %arg1[%get3A_11, %get3A_12, %get3A_13] : memref<2x1024x128xf32, #tpu.memory_space<vmem>>, vector<1x1024x128xf32>
    %get3A_15 = vector.shape_cast %get3A_14 : vector<1x1024x128xf32> to vector<1024x128xf32>
    %add3A_16 = arith.addf %get3A_10, %get3A_15 : vector<1024x128xf32>
    %get3A_17 = arith.constant 0 : index
    %get3A_18 = arith.constant 0 : index
    %get3A_19 = vector.load %arg2[%get3A_17, %get3A_18] : memref<1024x128xf32, #tpu.memory_space<vmem>>, vector<1024x128xf32>
    %add3A_20 = arith.addf %add3A_16, %get3A_19 : vector<1024x128xf32>
    %reshape3A = vector.shape_cast %add3A_20 : vector<1024x128xf32> to vector<8x128x128xf32>
    %broadcast_in_dim3A = vector.shape_cast %rsqrt3A : vector<8x128xf32> to vector<8x128x1xf32>
    %mul3A = vector.broadcast %broadcast_in_dim3A : vector<8x128x1xf32> to vector<8x128x128xf32>
    %mul3A_21 = arith.mulf %reshape3A, %mul3A : vector<8x128x128xf32>
    %reshape3A_22 = vector.shape_cast %mul3A_21 : vector<8x128x128xf32> to vector<1024x128xf32>
    %get3A_23 = arith.constant 0 : index
    %get3A_24 = arith.constant 0 : index
    %get3A_25 = vector.load %arg4[%get3A_23, %get3A_24] : memref<1x128xf32, #tpu.memory_space<vmem>>, vector<1x128xf32>
    %add3A_26 = vector.broadcast %get3A_25 : vector<1x128xf32> to vector<1024x128xf32>
    %add3A_27 = arith.addf %reshape3A_22, %add3A_26 : vector<1024x128xf32>
    %max3A = arith.constant 0.000000e+00 : f32
    %max3A_28 = vector.broadcast %max3A : f32 to vector<1024x128xf32>
    %max3A_29 = arith.maximumf %add3A_27, %max3A_28 : vector<1024x128xf32>
    %get3A_30 = arith.constant 0 : index
    %get3A_31 = arith.constant 0 : index
    %get3A_32 = vector.load %arg5[%get3A_30, %get3A_31] : memref<128x64xf32, #tpu.memory_space<vmem>>, vector<128x64xf32>
    %dot_general3A = arith.constant dense<0.000000e+00> : vector<1024x64xf32>
    %dot_general3A_33 = tpu.matmul %max3A_29, %get3A_32, %dot_general3A {dimension_numbers = #tpu.dot_dimension_numbers<[1], [0], [0], [1], [0, 0, 1, 1], [], []>, transpose_lhs_hint = false} : vector<1024x128xf32>, vector<128x64xf32>, vector<1024x64xf32> -> vector<1024x64xf32>
    %reshape3A_34 = vector.shape_cast %dot_general3A_33 : vector<1024x64xf32> to vector<8x128x64xf32>
    %broadcast_in_dim3A_35 = vector.shape_cast %rsqrt3A : vector<8x128xf32> to vector<8x128x1xf32>
    %mul3A_36 = vector.broadcast %broadcast_in_dim3A_35 : vector<8x128x1xf32> to vector<8x128x64xf32>
    %mul3A_37 = arith.mulf %reshape3A_34, %mul3A_36 : vector<8x128x64xf32>
    %reshape3A_38 = vector.shape_cast %mul3A_37 : vector<8x128x64xf32> to vector<1024x64xf32>
    %swap3A = arith.constant 0 : index
    %swap3A_39 = arith.constant 0 : index
    %swap3A_40 = vector.load %arg6[%swap3A, %swap3A_39] : memref<1024x64xf32, #tpu.memory_space<vmem>>, vector<1024x64xf32>
    tpu.vector_store %arg6[%swap3A, %swap3A_39], %reshape3A_38 {strides = array<i32>} : memref<1024x64xf32, #tpu.memory_space<vmem>>, vector<1024x64xf32>,
    return
  }
  func.func @transform_0(%arg0: i32) -> (i32, i32, i32) {
    %c0_i32 = arith.constant 0 : i32
    %c0_i32_0 = arith.constant 0 : i32
    %c0_i32_1 = arith.constant 0 : i32
    return %c0_i32, %arg0, %c0_i32_0 : i32, i32, i32
  }
  func.func @transform_1(%arg0: i32) -> (i32, i32) {
    %c0_i32 = arith.constant 0 : i32
    %c0_i32_0 = arith.constant 0 : i32
    return %arg0, %c0_i32 : i32, i32
  }
  func.func @transform_2(%arg0: i32) -> (i32, i32, i32) {
    %c0_i32 = arith.constant 0 : i32
    %c0_i32_0 = arith.constant 0 : i32
    %c0_i32_1 = arith.constant 0 : i32
    return %c0_i32, %arg0, %c0_i32_0 : i32, i32, i32
  }
  func.func @transform_3(%arg0: i32) -> (i32, i32) {
    %c0_i32 = arith.constant 0 : i32
    %c0_i32_0 = arith.constant 0 : i32
    %c0_i32_1 = arith.constant 0 : i32
    return %c0_i32, %c0_i32_0 : i32, i32
  }
  func.func @transform_4(%arg0: i32) -> (i32, i32) {
    %c0_i32 = arith.constant 0 : i32
    %c0_i32_0 = arith.constant 0 : i32
    %c0_i32_1 = arith.constant 0 : i32
    return %c0_i32, %c0_i32_0 : i32, i32
  }
  func.func @transform_5(%arg0: i32) -> (i32, i32) {
    %c0_i32 = arith.constant 0 : i32
    %c0_i32_0 = arith.constant 0 : i32
    return %arg0, %c0_i32 : i32, i32
  }
}

module attributes {stable_mosaic.version = 14 : i64} {
  func.func @_tc4_body(%arg0: i32, %arg1: memref<2x1024x64xf32, #tpu.memory_space<vmem>>, %arg2: memref<1024x64xf32, #tpu.memory_space<vmem>>, %arg3: memref<32x8x128xf32, #tpu.memory_space<vmem>>, %arg4: memref<1x64xf32, #tpu.memory_space<vmem>>, %arg5: memref<1024x64xf32, #tpu.memory_space<vmem>>) attributes {dimension_semantics = [#tpu.dimension_semantics<arbitrary>], iteration_bounds = array<i64: 10>, scalar_prefetch = 0 : i64, scratch_operands = 0 : i64, tpu.core_type = #tpu.core_type<tc>, window_params = [{transform_indices = @transform_0, window_bounds = array<i64: 2, 1024, 64>}, {transform_indices = @transform_1, window_bounds = array<i64: 1024, 64>}, {transform_indices = @transform_2, window_bounds = array<i64: 32, 8, 128>}, {pipeline_mode = #tpu.pipeline_mode<synchronous>, transform_indices = @transform_3, window_bounds = array<i64: 1, 64>}, {transform_indices = @transform_4, window_bounds = array<i64: 1024, 64>}]} {
    %get3A = arith.constant 0 : index
    %get3A_0 = arith.constant 0 : index
    %get3A_1 = arith.constant 0 : index
    %get3A_2 = vector.load %arg3[%get3A, %get3A_0, %get3A_1] : memref<32x8x128xf32, #tpu.memory_space<vmem>>, vector<32x8x128xf32>
    %reduce_sum3A = arith.constant dense<0.000000e+00> : vector<8x128xf32>
    %reduce_sum3A_3 = vector.multi_reduction <add>, %get3A_2, %reduce_sum3A [0] : vector<32x8x128xf32> to vector<8x128xf32>
    %add3A = arith.constant 1.000000e+00 : f32
    %add3A_4 = vector.broadcast %add3A : f32 to vector<8x128xf32>
    %add3A_5 = arith.addf %reduce_sum3A_3, %add3A_4 : vector<8x128xf32>
    %rsqrt3A = math.rsqrt %add3A_5 : vector<8x128xf32>
    %get3A_6 = arith.constant 0 : index
    %get3A_7 = arith.constant 0 : index
    %get3A_8 = arith.constant 0 : index
    %get3A_9 = vector.load %arg1[%get3A_6, %get3A_7, %get3A_8] : memref<2x1024x64xf32, #tpu.memory_space<vmem>>, vector<1x1024x64xf32>
    %get3A_10 = vector.shape_cast %get3A_9 : vector<1x1024x64xf32> to vector<1024x64xf32>
    %get3A_11 = arith.constant 1 : index
    %get3A_12 = arith.constant 0 : index
    %get3A_13 = arith.constant 0 : index
    %get3A_14 = vector.load %arg1[%get3A_11, %get3A_12, %get3A_13] : memref<2x1024x64xf32, #tpu.memory_space<vmem>>, vector<1x1024x64xf32>
    %get3A_15 = vector.shape_cast %get3A_14 : vector<1x1024x64xf32> to vector<1024x64xf32>
    %add3A_16 = arith.addf %get3A_10, %get3A_15 : vector<1024x64xf32>
    %get3A_17 = arith.constant 0 : index
    %get3A_18 = arith.constant 0 : index
    %get3A_19 = vector.load %arg2[%get3A_17, %get3A_18] : memref<1024x64xf32, #tpu.memory_space<vmem>>, vector<1024x64xf32>
    %add3A_20 = arith.addf %add3A_16, %get3A_19 : vector<1024x64xf32>
    %reshape3A = vector.shape_cast %add3A_20 : vector<1024x64xf32> to vector<8x128x64xf32>
    %broadcast_in_dim3A = vector.shape_cast %rsqrt3A : vector<8x128xf32> to vector<8x128x1xf32>
    %mul3A = vector.broadcast %broadcast_in_dim3A : vector<8x128x1xf32> to vector<8x128x64xf32>
    %mul3A_21 = arith.mulf %reshape3A, %mul3A : vector<8x128x64xf32>
    %reshape3A_22 = vector.shape_cast %mul3A_21 : vector<8x128x64xf32> to vector<1024x64xf32>
    %get3A_23 = arith.constant 0 : index
    %get3A_24 = arith.constant 0 : index
    %get3A_25 = vector.load %arg4[%get3A_23, %get3A_24] : memref<1x64xf32, #tpu.memory_space<vmem>>, vector<1x64xf32>
    %add3A_26 = vector.broadcast %get3A_25 : vector<1x64xf32> to vector<1024x64xf32>
    %add3A_27 = arith.addf %reshape3A_22, %add3A_26 : vector<1024x64xf32>
    %max3A = arith.constant 0.000000e+00 : f32
    %max3A_28 = vector.broadcast %max3A : f32 to vector<1024x64xf32>
    %max3A_29 = arith.maximumf %add3A_27, %max3A_28 : vector<1024x64xf32>
    %swap3A = arith.constant 0 : index
    %swap3A_30 = arith.constant 0 : index
    %swap3A_31 = vector.load %arg5[%swap3A, %swap3A_30] : memref<1024x64xf32, #tpu.memory_space<vmem>>, vector<1024x64xf32>
    tpu.vector_store %arg5[%swap3A, %swap3A_30], %max3A_29 {strides = array<i32>} : memref<1024x64xf32, #tpu.memory_space<vmem>>, vector<1024x64xf32>,
    return
  }
  func.func @transform_0(%arg0: i32) -> (i32, i32, i32) {
    %c0_i32 = arith.constant 0 : i32
    %c0_i32_0 = arith.constant 0 : i32
    %c0_i32_1 = arith.constant 0 : i32
    return %c0_i32, %arg0, %c0_i32_0 : i32, i32, i32
  }
  func.func @transform_1(%arg0: i32) -> (i32, i32) {
    %c0_i32 = arith.constant 0 : i32
    %c0_i32_0 = arith.constant 0 : i32
    return %arg0, %c0_i32 : i32, i32
  }
  func.func @transform_2(%arg0: i32) -> (i32, i32, i32) {
    %c0_i32 = arith.constant 0 : i32
    %c0_i32_0 = arith.constant 0 : i32
    %c0_i32_1 = arith.constant 0 : i32
    return %c0_i32, %arg0, %c0_i32_0 : i32, i32, i32
  }
  func.func @transform_3(%arg0: i32) -> (i32, i32) {
    %c0_i32 = arith.constant 0 : i32
    %c0_i32_0 = arith.constant 0 : i32
    %c0_i32_1 = arith.constant 0 : i32
    return %c0_i32, %c0_i32_0 : i32, i32
  }
  func.func @transform_4(%arg0: i32) -> (i32, i32) {
    %c0_i32 = arith.constant 0 : i32
    %c0_i32_0 = arith.constant 0 : i32
    return %arg0, %c0_i32 : i32, i32
  }
}

</mosaic_0001>

<sc_bundles>
// kernel: kernel.10.cloned.1.call-start
scs
__scs_entry_jumppad:
0x0: {  	(pc) =	sbr.rel $0x88, $3  }
0x1: {  	(tag) =	ssettag $0x0;
	lr =	simm.s32 $0x1  }
0x2: {  	[smem:$0x3F99] =	sst lr;
	_ =	strace $0xD0000000  }
0x3: {  	_ = 	snop  }
0x4: {  	_ = 	snop  }
0x5: {  	_ = 	snop  }
0x6: {  	_ = 	snop  }
0x7: {  	_ = 	snop  }
__scs_overlays_trampoline_lowered:
0x8: {  	[smem:$0x3FA8] =	sst s0  }
0x9: {  	[smem:$0x3FA9] =	sst s1  }
0xa: {  	[smem:$0x3FAA] =	sst s2  }
0xb: {  	[smem:$0x3FAB] =	sst s3  }
0xc: {  	[smem:$0x3FAC] =	sst s4  }
0xd: {  	[smem:$0x3FAD] =	sst s5  }
0xe: {  	[smem:$0x3FAE] =	sst s6  }
0xf: {  	[smem:$0x3FAF] =	sst s7  }
0x10: {  	[smem:$0x3FB0] =	sst s8  }
0x11: {  	[smem:$0x3FB1] =	sst s9;
	s0 =	simm.s32 @!p0 $0x0  }
0x12: {  	s1 =	sld [smem:$0x3F97];
	s0 =	simm.s32 @p0 $0x1  }
0x13: {  	[smem:$0x3FB2] =	sst s0;
	s0 =	simm.s32 @!p1 $0x0  }
0x14: {  	s2 =	sld [smem:$0x3F96];
	s0 =	simm.s32 @p1 $0x1  }
0x15: {  	[smem:$0x3FB3] =	sst s0;
	s0 =	simm.s32 @!p2 $0x0  }
0x16: {  	s3 =	sld [smem:$0x3FDB];
	s0 =	simm.s32 @p2 $0x1  }
0x17: {  	s4 =	simm.s32 $0x1BF5;
	[smem:$0x3FB5] =	sst s0  }
0x18: {  	s0 =	sld [smem:$0x3F98];
	_ =	swait.ge [sflag:s4], $0x0  }
0x19: {  	s7 =	sld [smem:$0x3F99]  }
0x1a: {  	s8 =	sadd.s32 $0xFFFFE003, lr  }
0x1b: {  	s9 =	sadd.s32 $0xFFFFFEF7, lr;
	s5 =	simm.s32 $0xFFFFFFFF;
	p2 =	slt.u32 s8, $0xFFFFF086  }
0x1c: {  	p1 =	slt.u32 s9, $0xF7A;
	s5 =	simm.s32 @!p2 $0x0  }
0x1d: {  	s5 =	simm.s32 @p1 $0x1;
	p0 =	seq.s32 s7, s2  }
0x1e: {  	s7 =	smul.u32 @!p0 $0xF7A, s2;
	p2 =	seq.s32 @!p0 s5, $0x0  }
0x1f: {  	s9 =	smul.u32 $0xF7A, s1;
	s8 =	simm.s32 @!p0 $0x1BF5;
	p2 =	por !p2, p0  }
0x20: {  	[sflag:s8] =	ssyncset.s32 @!p0 $0xFFFFF086;
	s6 =	sadd.s32 @!p0 s3, s7;
	s7 =	simm.s32 @!p0 $0x108  }
0x21: {  	s3 =	sadd.s32 s3, s9;
	s6 =	sadd.s32 @!p0 $0x88, s6;
	s7 =	simm.s32 @p2 $0x1082  }
0x22: {  	[simem:s7], [sflag:s8] =	dma.local @!p0 [hbm:s6], $0xF7A  }
0x23: {  	s9 =	sor.u32 $0xD0000000, s2;
	s6 =	simm.s32 $0x108;
	_ =	swait.ge @!p0 [sflag:s8], $0x0  }
0x24: {  	s3 =	sadd.s32 $0x88, s3;
	s6 =	simm.s32 @!p1 $0x1082;
	[sflag:s4] =	ssyncset.s32 $0xFFFFF086  }
0x25: {  	[simem:s6], [sflag:s4] =	dma.local [hbm:s3], $0xF7A  }
0x26: {  	[smem:$0x3F99] =	sst s1;
	(tag) =	ssettag s2;
	_ =	strace s9  }
0x27: {  	s1 =	sld [smem:$0x3FA9]  }
0x28: {  	s2 =	sld [smem:$0x3FAA]  }
0x29: {  	s4 =	sld [smem:$0x3FAC]  }
0x2a: {  	p0 =	seq.s32 s5, $0x0;
	s5 =	sld [smem:$0x3FAD]  }
0x2b: {  	s6 =	sld [smem:$0x3FAE]  }
0x2c: {  	s7 =	sld [smem:$0x3FAF]  }
0x2d: {  	s3 =	simm.s32 $0x108;
	s8 =	sld [smem:$0x3FB0]  }
0x2e: {  	s3 =	simm.s32 @!p0 $0x1082;
	s9 =	sld [smem:$0x3FB1]  }
0x2f: {  	lr =	sadd.s32 s0, s3;
	s0 =	sld [smem:$0x3FA8]  }
0x30: {  	s3 =	sld [smem:$0x3FAB]  }
0x31: {  	[smem:$0x3FB4] =	sst s10  }
0x32: {  	s10 =	sld [smem:$0x3FB2];
	_ =	sdelay $0x3  }
0x33: {  	p0 =	seq.s32 s10, $0x1;
	s10 =	sld [smem:$0x3FB4];
	_ =	sdelay $0x3  }
0x34: {  	[smem:$0x3FB4] =	sst s10  }
0x35: {  	s10 =	sld [smem:$0x3FB3];
	_ =	sdelay $0x3  }
0x36: {  	p1 =	seq.s32 s10, $0x1;
	s10 =	sld [smem:$0x3FB4];
	_ =	sdelay $0x3  }
0x37: {  	[smem:$0x3FB4] =	sst s10  }
0x38: {  	s10 =	sld [smem:$0x3FB5]  }
0x39: {  	_ = 	snop;
	(pc) =	sbr.ind lr, $3  }
0x3a: {  	_ = 	snop  }
0x3b: {  	_ = 	snop  }
0x3c: {  	p2 =	seq.s32 s10, $0x1;
	s10 =	sld [smem:$0x3FB4]  }
0x3d: {  	_ =	shalt  }
0x3e: {  	_ =	shalt  }
0x3f: {  	_ =	shalt  }
0x40: {  	_ =	shalt  }
0x41: {  	_ =	shalt  }
0x42: {  	_ =	shalt  }
0x43: {  	_ =	shalt  }
0x44: {  	_ =	shalt  }
0x45: {  	_ =	shalt  }
0x46: {  	_ =	shalt  }
0x47: {  	_ =	shalt  }
0x48: {  	_ =	shalt  }
0x49: {  	_ =	shalt  }
0x4a: {  	_ =	shalt  }
0x4b: {  	_ =	shalt  }
0x4c: {  	_ =	shalt  }
0x4d: {  	_ =	shalt  }
0x4e: {  	_ =	shalt  }
0x4f: {  	_ =	shalt  }
0x50: {  	_ =	shalt  }
0x51: {  	_ =	shalt  }
0x52: {  	_ =	shalt  }
0x53: {  	_ =	shalt  }
0x54: {  	_ =	shalt  }
0x55: {  	_ =	shalt  }
0x56: {  	_ =	shalt  }
0x57: {  	_ =	shalt  }
0x58: {  	_ =	shalt  }
0x59: {  	_ =	shalt  }
0x5a: {  	_ =	shalt  }
0x5b: {  	_ =	shalt  }
0x5c: {  	_ =	shalt  }
0x5d: {  	_ =	shalt  }
0x5e: {  	_ =	shalt  }
0x5f: {  	_ =	shalt  }
0x60: {  	_ =	shalt  }
0x61: {  	_ =	shalt  }
0x62: {  	_ =	shalt  }
0x63: {  	_ =	shalt  }
0x64: {  	_ =	shalt  }
0x65: {  	_ =	shalt  }
0x66: {  	_ =	shalt  }
0x67: {  	_ =	shalt  }
0x68: {  	_ =	shalt  }
0x69: {  	_ =	shalt  }
0x6a: {  	_ =	shalt  }
0x6b: {  	_ =	shalt  }
0x6c: {  	_ =	shalt  }
0x6d: {  	_ =	shalt  }
0x6e: {  	_ =	shalt  }
0x6f: {  	_ =	shalt  }
0x70: {  	_ =	shalt  }
0x71: {  	_ =	shalt  }
0x72: {  	_ =	shalt  }
0x73: {  	_ =	shalt  }
0x74: {  	_ =	shalt  }
0x75: {  	_ =	shalt  }
0x76: {  	_ =	shalt  }
0x77: {  	_ =	shalt  }
0x78: {  	_ =	shalt  }
0x79: {  	_ =	shalt  }
0x7a: {  	_ =	shalt  }
0x7b: {  	_ =	shalt  }
0x7c: {  	_ =	shalt  }
0x7d: {  	_ =	shalt  }
0x7e: {  	_ =	shalt  }
0x7f: {  	_ =	shalt  }
0x80: {  	_ =	shalt  }
0x81: {  	_ =	shalt  }
0x82: {  	_ =	shalt  }
0x83: {  	_ =	shalt  }
0x84: {  	_ =	shalt  }
0x85: {  	_ =	shalt  }
0x86: {  	_ =	shalt  }
0x87: {  	_ =	shalt  }
.Lfunc_end0:
.L_simem_size_0:
called_computation_lowered:
.L_overlay_start_0:
0x88: {  	s2 =	sld [smem:$0x3FD9]  }
0x89: {  	s3 =	sld [smem:$0x3FFE];
	_ =	sdelay $0x1  }
0x8a: {  	s1 =	srdreg.scid  }
0x8b: {  	s0 =	sand.u32 $0x1, s1  }
0x8c: {  	s16 =	sshll.u32 s0, $0xA;
	s2 =	sadd.s32 s3, s2  }
0x8d: {  	s2 =	sadd.s32 s2, s16  }
0x8e: {  	[smem:$0x3FC0] =	sst s2  }
0x8f: {  	_ = 	snop  }
0x90: {  	(tm) =	ssettm $0x1  }
0x91: {  	s17 =	sld [smem:$0x3FFB];
	_ =	sdelay $0x3  }
0x92: {  	_ =	strace s17  }
0x93: {  	s2 =	sld [smem:$0x3FFC];
	_ =	sdelay $0x3  }
0x94: {  	_ =	strace s2  }
0x95: {  	s2 =	sld [smem:$0x3FFD];
	_ =	sdelay $0x3  }
0x96: {  	_ =	strace s2  }
0x97: {  	_ =	strace $0x8FFFFFFF  }
0x98: {  	s18 =	sld [smem:$0x3FDB];
	_ =	sdelay $0x1  }
0x99: {  	s19 =	simm.s32 $_scs_section_size  }
0x9a: {  	s4 =	simm.s32 $_size__tile_overlayer_lowered;
	s5 =	simm.s32 $_tile_overlayer_lowered  }
0x9b: {  	s22 =	simm.s32 $0x1BFF;
	s21 =	sshll.u32 s5, $0x1;
	s2 =	sadd.s32 s19, s18  }
0x9c: {  	s6 =	simm.s32 $0x0;
	s20 =	sshll.u32 s4, $0x1;
	s4 =	sadd.s32 s21, s2  }
0x9d: {  	[timem:s6], [sflag:s22] =	dma.local [hbm:s4], s20  }
0x9e: {  	_ =	swait.ge [sflag:s22], s20  }
0x9f: {  	s3 =	ssub.s32 $0x0, s20;
	[sflag:s22] =	ssyncset.done $0x0  }
0xa0: {  	[sflag:s22] =	ssyncadd.s32 s3;
	_ =	sdelay $0x1  }
0xa1: {  	s23 =	simm.s32 $0x1B8B  }
0xa2: {  	_ =	swait.ge [sflag:s23], $0x1  }
0xa3: {  	[sflag:s23] =	ssyncset.done $0x0  }
0xa4: {  	s25 =	simm.s32 $0x1B8E;
	s24 =	sld [smem:$0x3FFE];
	[sflag:s23] =	ssyncadd.s32 $0xFFFFFFFF  }
0xa5: {  	s26 =	simm.s32 $execute0_lowered;
	[smem:$0x3FD2] =	sst s25  }
0xa6: {  	s4 =	sshll.u32 s26, $0x1;
	_ =	strace $0x80000046;
	[dreg:$0x1] =	wrdreg $0xFFFFFFFF  }
0xa7: {  	s28 =	simm.s32 $_size_execute0_lowered;
	s2 =	sadd.s32 s2, s4;
	[dreg:$0x0] =	wrdreg $0x0  }
0xa8: {  	s4 =	sshll.u32 s28, $0x1;
	[dreg:$0x2] =	wrdreg s2  }
0xa9: {  	[dreg:$0x3] =	wrdreg s4  }
0xaa: {  	[dreg:$0x4] =	wrdreg $0xC0  }
0xab: {  	_ =	task [dreg:s6], $0x5FFFF  }
0xac: {  	[dreg:$0x1] =	wrdreg $0xFFFFFFFF  }
0xad: {  	[dreg:$0x0] =	wrdreg $0x60  }
0xae: {  	[dreg:$0x2] =	wrdreg s24  }
0xaf: {  	[dreg:$0x3] =	wrdreg $0x9  }
0xb0: {  	_ =	task.clear_ibuf [dreg:s6], $0x4FFFF;
	_ =	strace $0x90000046  }
0xb1: {  	s29 =	simm.s32 $0x9;
	_ =	strace $0x80000048  }
0xb2: {  	_ =	swait.ge [sflag:s29], $0x1  }
0xb3: {  	[sflag:s29] =	ssyncadd.s32 $0xFFFFFFFF  }
0xb4: {  	_ =	strace $0x90000048  }
0xb5: {  	_ =	sfence  }
0xb6: {  	s30 =	sld [smem:$0x0];
	_ =	sdelay $0x2  }
0xb7: {  	s31 =	sshll.u32 s1, $0xD;
	s1 =	sshrl.u32 s1, $0x2  }
0xb8: {  	s3 =	sand.u32 $0x4000, s31;
	s1 =	sadd.s32 s1, s30  }
0xb9: {  	s0 =	sor.u32 s3, s0;
	s1 =	sshll.u32 s1, $0x11  }
0xba: {  	s0 =	sor.u32 s1, s0  }
0xbb: {  	s0 =	sadd.s32 $0x8F2B, s0  }
0xbc: {  	[sflag:s0] =	ssyncadd.remote.s32 $0x1  }
0xbd: {  	_ =	sfence.sel $0xFFFF  }
0xbe: {  	[dreg:$0x0] =	wrdreg $0xFFFFFFFF;
	(pc) =	sbr.abs _section_cstart, $3  }
0xbf: {  	[dreg:$0x1] =	wrdreg $0xFFFFFFFF  }
0xc0: {  	_ =	task.clear_ibuf [dreg:s6], $0x2FFFF;
	_ =	strace $0x9FFFFFFF  }
0xc1: {  	(tm) =	ssettm $0x7FFFFFFF  }
tec
execute0_lowered:
.L_overlay_start_1:
0x0: {  	(tag) =	ssettag $0x1  }
0x1: {  	s0 =	srdreg.scid  }
0x2: {  	s3 =	sand.u32 $0x1, s0  }
0x3: {  	s4 =	rddreg [dreg:$0x0];
	s0 =	stileid.u32;
	s1 =	sshll.u32 s3, $0x4  }
0x4: {  	s2 =	simm.s32 $0x0;
	s8 =	simm.s32 $0x1;
	s1 =	sor.u32 s0, s1  }
0x5: {  	s9 =	simm.s32 $0x2780;
	s10 =	simm.s32 $0x0;
	s5 =	sshrl.u32 s1, $0x3  }
0x6: {  	[smem:$0x7FF] =	sst s2;
	s7 =	sshll.u32 s0, $0x7;
	s6 =	smul.u32 $0x13C00, s5  }
0x7: {  	s3 =	ssub.s32 $0x2, s3;
	s7 =	sand.u32 $0x380, s7;
	s5 =	smul.u32 $0x14000, s5  }
0x8: {  	s31 =	sshrl.u32 s3, $0x1;
	s1 =	rddreg [dreg:$0x1];
	s6 =	sor.u32 s7, s6  }
0x9: {  	_ =	strace $0x80000047;
	s5 =	sor.u32 s7, s5;
	s6 =	sshrl.u32 s6, $0x3  }
0xa: {  	s7 =	simm.s32 $0x400;
	s5 =	sshrl.u32 s5, $0x3;
	s6 =	sadd.s32 s6, s4  }
0xb: {  	s4 =	sadd.s32 s5, s4;
	s5 =	ssub.s32 s3, s31;
	s3 =	sadd.s32 $0x2600, s6  }
0xc: {  	v0 =	vimm.f32 $0.0e+00;
	v1 =	vimm.f32 $1.000000000e+00;
	s4 =	sadd.s32 $0xC400, s4;
	s5 =	smax.u32 s5, $0x1;
	s6 =	simm.s32 $0x80  }
.LBB2_1:
0xd: {  	[tilespmem:s2], [sflag:$0x1] =	stream.strided.gather [hbm4b:s3+s6], $0x2780, s7, s6, $0x38;
	[tilespmem:$0x4F80] =	vst v63  }
0xe: {  	_ =	swait.ge [sflag:s8], $0x2780  }
0xf: {  	[sflag:s8] =	ssyncset.done $0x0  }
0x10: {  	s11 =	simm.s32 $0x0;
	[sflag:s8] =	ssyncadd.s32 $0xFFFFD880  }
.LBB2_2:
0x11: {  	p0 =	sne.s32 s11, $0x9FC0  }
.Ltmp0:
0x12: {  	_ = 	snop;
	(pc) =	sbr.rel @p0 .LBB2_2-.Ltmp0, $3  }
0x13: {  	_ =	sdelay $0x1  }
0x14: {  	s12 =	sshra.s32 s11, $0x2  }
0x15: {  	s11 =	sadd.s32 $0x40, s11;
	[tilespmem:s12+$0x2780] =	vst v0  }
0x16: {  	s12 =	simm.s32 $0x0;
	s11 =	simm.s32 $0x40  }
.LBB2_4:
0x17: {  	p0 =	sne.s32 s11, $0x9DC0;
	v2 =	vld [tilespmem:s12+$0x0];
	_ =	sdelay $0x3  }
.Ltmp1:
0x18: {  	(pc) =	sbr.rel @p0 .LBB2_4-.Ltmp1, $2  }
0x19: {  	_ =	sdelay $0x2  }
0x1a: {  	s12 =	sshra.s32 s11, $0x2;
	s11 =	sadd.s32 $0x40, s11;
	[tilespmem:v2+s9+$0x0] =	vst.idx.add.f32.msk $0xffff, v1  }
0x1b: {  	v2 =	vld [tilespmem:s12+$0x0];
	_ =	sdelay $0x5  }
0x1c: {  	s10 =	sadd.s32 $0x1, s10  }
0x1d: {  	p0 =	sne.s32 s10, s5  }
.Ltmp2:
0x1e: {  	[tilespmem:v2+s9+$0x0] =	vst.idx.add.f32.msk $0xffff, v1;
	(pc) =	sbr.rel @p0 .LBB2_1-.Ltmp2, $4  }
0x1f: {  	[hbm4b:s4+s6] =	stream.strided.scatter [tilespmem:s9], [sflag:$0x1], $0x2800, s7, s6, $0x38;
	[tilespmem:$0x4F80] =	vst v63  }
0x20: {  	_ =	swait.ge [sflag:s8], $0x2800  }
0x21: {  	[sflag:s8] =	ssyncset.done $0x0  }
0x22: {  	[sflag:s8] =	ssyncadd.s32 $0xFFFFD800  }
0x23: {  	_ =	sfence.sel $0x180000  }
0x24: {  	[bflag:$0x0] =	sbarrier.arrive $0xFFFF  }
0x25: {  	p0 =	sne.s32 s0, $0x0;
	_ =	strace $0x90000047  }
0x26: {  	s0 =	sadd.s32 @!p0 $0x100000, s1;
	[bflag:$0x2] =	sbarrier.arrive $0xFFFF  }
0x27: {  	[sflag:s0] =	ssyncadd.tile.s32 @!p0 $0x1;
	_ =	shalt  }
.Lfunc_end2:
_tile_overlayer_lowered:
.L_overlay_start_2:
0x28: {  	(tag) =	ssettag $0x2  }
0x29: {  	s0 =	rddreg [dreg:$0x0];
	s2 =	stileid.u32  }
0x2a: {  	s1 =	rddreg [dreg:$0x1];
	p0 =	sne.s32 s2, $0x0  }
0x2b: {  	s3 =	rddreg [dreg:$0x2];
	[bflag:$0x3] =	sbarrier.arrive $0xFFFF;
	s2 =	simm.s32 @!p0 $0x1C01  }
0x2c: {  	[timem:s3], [sflag:s2] =	dma.local @!p0 [hbm:s0], s1  }
0x2d: {  	s0 =	simm.s32 @!p0 $0x1  }
0x2e: {  	_ =	swait.ge @!p0 [sflag:s0], s1  }
0x2f: {  	s1 =	ssub.s32 @!p0 $0x0, s1;
	[sflag:s0] =	ssyncset.done @!p0 $0x0  }
0x30: {  	[sflag:s0] =	ssyncadd.s32 @!p0 s1  }
0x31: {  	[bflag:$0x3] =	sbarrier.arrive $0xFFFF  }
0x32: {  	_ =	shalt  }

// kernel: kernel.13.cloned.1.call-start
scs
__scs_entry_jumppad:
0x0: {  	(pc) =	sbr.rel $0x88, $3  }
0x1: {  	(tag) =	ssettag $0x0;
	lr =	simm.s32 $0x1  }
0x2: {  	[smem:$0x3F99] =	sst lr;
	_ =	strace $0xD0000000  }
0x3: {  	_ = 	snop  }
0x4: {  	_ = 	snop  }
0x5: {  	_ = 	snop  }
0x6: {  	_ = 	snop  }
0x7: {  	_ = 	snop  }
__scs_overlays_trampoline_lowered:
0x8: {  	[smem:$0x3FA8] =	sst s0  }
0x9: {  	[smem:$0x3FA9] =	sst s1  }
0xa: {  	[smem:$0x3FAA] =	sst s2  }
0xb: {  	[smem:$0x3FAB] =	sst s3  }
0xc: {  	[smem:$0x3FAC] =	sst s4  }
0xd: {  	[smem:$0x3FAD] =	sst s5  }
0xe: {  	[smem:$0x3FAE] =	sst s6  }
0xf: {  	[smem:$0x3FAF] =	sst s7  }
0x10: {  	[smem:$0x3FB0] =	sst s8  }
0x11: {  	[smem:$0x3FB1] =	sst s9;
	s0 =	simm.s32 @!p0 $0x0  }
0x12: {  	s1 =	sld [smem:$0x3F97];
	s0 =	simm.s32 @p0 $0x1  }
0x13: {  	[smem:$0x3FB2] =	sst s0;
	s0 =	simm.s32 @!p1 $0x0  }
0x14: {  	s2 =	sld [smem:$0x3F96];
	s0 =	simm.s32 @p1 $0x1  }
0x15: {  	[smem:$0x3FB3] =	sst s0;
	s0 =	simm.s32 @!p2 $0x0  }
0x16: {  	s3 =	sld [smem:$0x3FDB];
	s0 =	simm.s32 @p2 $0x1  }
0x17: {  	s4 =	simm.s32 $0x1BF5;
	[smem:$0x3FB5] =	sst s0  }
0x18: {  	s0 =	sld [smem:$0x3F98];
	_ =	swait.ge [sflag:s4], $0x0  }
0x19: {  	s7 =	sld [smem:$0x3F99]  }
0x1a: {  	s8 =	sadd.s32 $0xFFFFE003, lr  }
0x1b: {  	s9 =	sadd.s32 $0xFFFFFEF7, lr;
	s5 =	simm.s32 $0xFFFFFFFF;
	p2 =	slt.u32 s8, $0xFFFFF086  }
0x1c: {  	p1 =	slt.u32 s9, $0xF7A;
	s5 =	simm.s32 @!p2 $0x0  }
0x1d: {  	s5 =	simm.s32 @p1 $0x1;
	p0 =	seq.s32 s7, s2  }
0x1e: {  	s7 =	smul.u32 @!p0 $0xF7A, s2;
	p2 =	seq.s32 @!p0 s5, $0x0  }
0x1f: {  	s9 =	smul.u32 $0xF7A, s1;
	s8 =	simm.s32 @!p0 $0x1BF5;
	p2 =	por !p2, p0  }
0x20: {  	[sflag:s8] =	ssyncset.s32 @!p0 $0xFFFFF086;
	s6 =	sadd.s32 @!p0 s3, s7;
	s7 =	simm.s32 @!p0 $0x108  }
0x21: {  	s3 =	sadd.s32 s3, s9;
	s6 =	sadd.s32 @!p0 $0x88, s6;
	s7 =	simm.s32 @p2 $0x1082  }
0x22: {  	[simem:s7], [sflag:s8] =	dma.local @!p0 [hbm:s6], $0xF7A  }
0x23: {  	s9 =	sor.u32 $0xD0000000, s2;
	s6 =	simm.s32 $0x108;
	_ =	swait.ge @!p0 [sflag:s8], $0x0  }
0x24: {  	s3 =	sadd.s32 $0x88, s3;
	s6 =	simm.s32 @!p1 $0x1082;
	[sflag:s4] =	ssyncset.s32 $0xFFFFF086  }
0x25: {  	[simem:s6], [sflag:s4] =	dma.local [hbm:s3], $0xF7A  }
0x26: {  	[smem:$0x3F99] =	sst s1;
	(tag) =	ssettag s2;
	_ =	strace s9  }
0x27: {  	s1 =	sld [smem:$0x3FA9]  }
0x28: {  	s2 =	sld [smem:$0x3FAA]  }
0x29: {  	s4 =	sld [smem:$0x3FAC]  }
0x2a: {  	p0 =	seq.s32 s5, $0x0;
	s5 =	sld [smem:$0x3FAD]  }
0x2b: {  	s6 =	sld [smem:$0x3FAE]  }
0x2c: {  	s7 =	sld [smem:$0x3FAF]  }
0x2d: {  	s3 =	simm.s32 $0x108;
	s8 =	sld [smem:$0x3FB0]  }
0x2e: {  	s3 =	simm.s32 @!p0 $0x1082;
	s9 =	sld [smem:$0x3FB1]  }
0x2f: {  	lr =	sadd.s32 s0, s3;
	s0 =	sld [smem:$0x3FA8]  }
0x30: {  	s3 =	sld [smem:$0x3FAB]  }
0x31: {  	[smem:$0x3FB4] =	sst s10  }
0x32: {  	s10 =	sld [smem:$0x3FB2];
	_ =	sdelay $0x3  }
0x33: {  	p0 =	seq.s32 s10, $0x1;
	s10 =	sld [smem:$0x3FB4];
	_ =	sdelay $0x3  }
0x34: {  	[smem:$0x3FB4] =	sst s10  }
0x35: {  	s10 =	sld [smem:$0x3FB3];
	_ =	sdelay $0x3  }
0x36: {  	p1 =	seq.s32 s10, $0x1;
	s10 =	sld [smem:$0x3FB4];
	_ =	sdelay $0x3  }
0x37: {  	[smem:$0x3FB4] =	sst s10  }
0x38: {  	s10 =	sld [smem:$0x3FB5]  }
0x39: {  	_ = 	snop;
	(pc) =	sbr.ind lr, $3  }
0x3a: {  	_ = 	snop  }
0x3b: {  	_ = 	snop  }
0x3c: {  	p2 =	seq.s32 s10, $0x1;
	s10 =	sld [smem:$0x3FB4]  }
0x3d: {  	_ =	shalt  }
0x3e: {  	_ =	shalt  }
0x3f: {  	_ =	shalt  }
0x40: {  	_ =	shalt  }
0x41: {  	_ =	shalt  }
0x42: {  	_ =	shalt  }
0x43: {  	_ =	shalt  }
0x44: {  	_ =	shalt  }
0x45: {  	_ =	shalt  }
0x46: {  	_ =	shalt  }
0x47: {  	_ =	shalt  }
0x48: {  	_ =	shalt  }
0x49: {  	_ =	shalt  }
0x4a: {  	_ =	shalt  }
0x4b: {  	_ =	shalt  }
0x4c: {  	_ =	shalt  }
0x4d: {  	_ =	shalt  }
0x4e: {  	_ =	shalt  }
0x4f: {  	_ =	shalt  }
0x50: {  	_ =	shalt  }
0x51: {  	_ =	shalt  }
0x52: {  	_ =	shalt  }
0x53: {  	_ =	shalt  }
0x54: {  	_ =	shalt  }
0x55: {  	_ =	shalt  }
0x56: {  	_ =	shalt  }
0x57: {  	_ =	shalt  }
0x58: {  	_ =	shalt  }
0x59: {  	_ =	shalt  }
0x5a: {  	_ =	shalt  }
0x5b: {  	_ =	shalt  }
0x5c: {  	_ =	shalt  }
0x5d: {  	_ =	shalt  }
0x5e: {  	_ =	shalt  }
0x5f: {  	_ =	shalt  }
0x60: {  	_ =	shalt  }
0x61: {  	_ =	shalt  }
0x62: {  	_ =	shalt  }
0x63: {  	_ =	shalt  }
0x64: {  	_ =	shalt  }
0x65: {  	_ =	shalt  }
0x66: {  	_ =	shalt  }
0x67: {  	_ =	shalt  }
0x68: {  	_ =	shalt  }
0x69: {  	_ =	shalt  }
0x6a: {  	_ =	shalt  }
0x6b: {  	_ =	shalt  }
0x6c: {  	_ =	shalt  }
0x6d: {  	_ =	shalt  }
0x6e: {  	_ =	shalt  }
0x6f: {  	_ =	shalt  }
0x70: {  	_ =	shalt  }
0x71: {  	_ =	shalt  }
0x72: {  	_ =	shalt  }
0x73: {  	_ =	shalt  }
0x74: {  	_ =	shalt  }
0x75: {  	_ =	shalt  }
0x76: {  	_ =	shalt  }
0x77: {  	_ =	shalt  }
0x78: {  	_ =	shalt  }
0x79: {  	_ =	shalt  }
0x7a: {  	_ =	shalt  }
0x7b: {  	_ =	shalt  }
0x7c: {  	_ =	shalt  }
0x7d: {  	_ =	shalt  }
0x7e: {  	_ =	shalt  }
0x7f: {  	_ =	shalt  }
0x80: {  	_ =	shalt  }
0x81: {  	_ =	shalt  }
0x82: {  	_ =	shalt  }
0x83: {  	_ =	shalt  }
0x84: {  	_ =	shalt  }
0x85: {  	_ =	shalt  }
0x86: {  	_ =	shalt  }
0x87: {  	_ =	shalt  }
.Lfunc_end0:
.L_simem_size_0:
called_computation.1_lowered:
.L_overlay_start_0:
0x88: {  	s2 =	sld [smem:$0x3FD9]  }
0x89: {  	s3 =	sld [smem:$0x3FFE];
	_ =	sdelay $0x1  }
0x8a: {  	s1 =	srdreg.scid  }
0x8b: {  	s0 =	sand.u32 $0x1, s1  }
0x8c: {  	s17 =	sshll.u32 s0, $0xA;
	s2 =	sadd.s32 s3, s2  }
0x8d: {  	s2 =	sadd.s32 s2, s17  }
0x8e: {  	[smem:$0x3FC0] =	sst s2  }
0x8f: {  	_ = 	snop  }
0x90: {  	s2 =	sld [smem:$0x3FD0];
	(tm) =	ssettm $0x1  }
0x91: {  	s18 =	sld [smem:$0x3FFB];
	_ =	sdelay $0x3  }
0x92: {  	_ =	strace s18  }
0x93: {  	s3 =	sld [smem:$0x3FFC];
	_ =	sdelay $0x3  }
0x94: {  	_ =	strace s3  }
0x95: {  	s3 =	sld [smem:$0x3FFD];
	_ =	sdelay $0x3  }
0x96: {  	_ =	strace s3  }
0x97: {  	_ =	strace $0x8FFFFFFF  }
0x98: {  	s19 =	sld [smem:$0x3FDB];
	_ =	sdelay $0x1  }
0x99: {  	s4 =	simm.s32 $_scs_section_size  }
0x9a: {  	s5 =	simm.s32 $_size__tile_overlayer_lowered;
	s6 =	simm.s32 $_tile_overlayer_lowered  }
0x9b: {  	s22 =	simm.s32 $0x1BFF;
	s21 =	sshll.u32 s6, $0x1;
	s3 =	sadd.s32 s4, s19  }
0x9c: {  	s7 =	simm.s32 $0x0;
	s20 =	sshll.u32 s5, $0x1;
	s5 =	sadd.s32 s21, s3  }
0x9d: {  	[timem:s7], [sflag:s22] =	dma.local [hbm:s5], s20  }
0x9e: {  	_ =	swait.ge [sflag:s22], s20  }
0x9f: {  	s4 =	ssub.s32 $0x0, s20;
	[sflag:s22] =	ssyncset.done $0x0  }
0xa0: {  	[sflag:s22] =	ssyncadd.s32 s4;
	_ =	sdelay $0x1  }
0xa1: {  	s23 =	simm.s32 $0x1B8B  }
0xa2: {  	_ =	swait.ge [sflag:s23], $0x1  }
0xa3: {  	[sflag:s23] =	ssyncset.done $0x0  }
0xa4: {  	s25 =	simm.s32 $0x1B8E;
	s24 =	sld [smem:$0x3FFE];
	[sflag:s23] =	ssyncadd.s32 $0xFFFFFFFF  }
0xa5: {  	s26 =	simm.s32 $execute0_lowered;
	[smem:$0x3FD2] =	sst s25  }
0xa6: {  	s5 =	sshll.u32 s26, $0x1;
	_ =	strace $0x80000049;
	[dreg:$0x1] =	wrdreg $0xFFFFFFFF  }
0xa7: {  	s28 =	simm.s32 $_size_execute0_lowered;
	s3 =	sadd.s32 s3, s5;
	[dreg:$0x0] =	wrdreg $0x0  }
0xa8: {  	s5 =	sshll.u32 s28, $0x1;
	[dreg:$0x2] =	wrdreg s3  }
0xa9: {  	[dreg:$0x3] =	wrdreg s5  }
0xaa: {  	[dreg:$0x4] =	wrdreg $0xC0  }
0xab: {  	_ =	task [dreg:s7], $0x5FFFF  }
0xac: {  	[dreg:$0x1] =	wrdreg $0xFFFFFFFF  }
0xad: {  	[dreg:$0x0] =	wrdreg $0x60  }
0xae: {  	[dreg:$0x2] =	wrdreg s24  }
0xaf: {  	[dreg:$0x3] =	wrdreg s2  }
0xb0: {  	[dreg:$0x4] =	wrdreg $0xA9000  }
0xb1: {  	[dreg:$0x5] =	wrdreg $0x9  }
0xb2: {  	_ =	task.clear_ibuf [dreg:s7], $0x6FFFF;
	_ =	strace $0x90000049  }
0xb3: {  	s29 =	simm.s32 $0x9;
	_ =	strace $0x8000004B  }
0xb4: {  	_ =	swait.ge [sflag:s29], $0x1  }
0xb5: {  	[sflag:s29] =	ssyncadd.s32 $0xFFFFFFFF  }
0xb6: {  	_ =	strace $0x9000004B  }
0xb7: {  	_ =	sfence  }
0xb8: {  	s30 =	sld [smem:$0x0];
	_ =	sdelay $0x2  }
0xb9: {  	s31 =	sshll.u32 s1, $0xD;
	s1 =	sshrl.u32 s1, $0x2  }
0xba: {  	s3 =	sand.u32 $0x4000, s31;
	s1 =	sadd.s32 s1, s30  }
0xbb: {  	s0 =	sor.u32 s3, s0;
	s1 =	sshll.u32 s1, $0x11  }
0xbc: {  	s0 =	sor.u32 s1, s0  }
0xbd: {  	s0 =	sadd.s32 $0x8F2B, s0  }
0xbe: {  	[sflag:s0] =	ssyncadd.remote.s32 $0x1  }
0xbf: {  	_ =	sfence.sel $0xFFFF  }
0xc0: {  	[dreg:$0x0] =	wrdreg $0xFFFFFFFF;
	(pc) =	sbr.abs _section_cstart, $3  }
0xc1: {  	[dreg:$0x1] =	wrdreg $0xFFFFFFFF  }
0xc2: {  	_ =	task.clear_ibuf [dreg:s7], $0x2FFFF;
	_ =	strace $0x9FFFFFFF  }
0xc3: {  	(tm) =	ssettm $0x7FFFFFFF  }
tec
execute0_lowered:
.L_overlay_start_1:
0x0: {  	(tag) =	ssettag $0x1  }
0x1: {  	s0 =	rddreg [dreg:$0x0]  }
0x2: {  	s1 =	srdreg.scid;
	s2 =	rddreg [dreg:$0x1]  }
0x3: {  	s3 =	rddreg [dreg:$0x2];
	s9 =	stileid.u32  }
0x4: {  	s4 =	simm.s32 $0x0;
	s22 =	simm.s32 $0x5;
	s23 =	simm.s32 $0x2900  }
0x5: {  	s28 =	simm.s32 $0x6900;
	s29 =	simm.s32 $0x1;
	s30 =	simm.s32 $0x4  }
0x6: {  	s1 =	sand.u32 $0x1, s1;
	[smem:$0x7FF] =	sst s4;
	s7 =	smul.u32 $0x50000, s9  }
0x7: {  	s6 =	sadd.s32 $0x20400, s0;
	s14 =	smul.u32 $0x14000, s9;
	s5 =	sshll.u32 s1, $0x4  }
0x8: {  	_ =	strace $0x8000004A;
	s8 =	ssub.s32 $0x2, s1;
	s1 =	smul.u32 $0x140000, s1  }
0x9: {  	s5 =	sor.u32 s9, s5;
	s10 =	sshrl.u32 s8, $0x1;
	s25 =	sshrl.u32 s7, $0x2  }
0xa: {  	s15 =	sadd.s32 $0x4000, s14;
	s17 =	sadd.s32 $0x8000, s14;
	s18 =	sadd.s32 $0xC000, s14  }
0xb: {  	s19 =	sadd.s32 $0x10000, s14;
	s5 =	smul.u32 $0x2800, s5;
	s20 =	ssub.s32 s8, s10  }
0xc: {  	s8 =	sadd.s32 s25, s3;
	s9 =	sadd.s32 s15, s3;
	s10 =	sadd.s32 s17, s3  }
0xd: {  	s11 =	sadd.s32 s18, s3;
	s12 =	sadd.s32 s19, s3;
	s14 =	sadd.s32 s14, s1  }
0xe: {  	s15 =	sadd.s32 s1, s15;
	s17 =	sadd.s32 s1, s17;
	s18 =	sadd.s32 s1, s18  }
0xf: {  	s1 =	sadd.s32 s1, s19;
	s25 =	simm.s32 $0x2;
	s16 =	sshrl.u32 s14, $0x3  }
0x10: {  	s21 =	sshrl.u32 s15, $0x3;
	s17 =	sshrl.u32 s17, $0x3;
	s18 =	sshrl.u32 s18, $0x3  }
0x11: {  	s1 =	sshrl.u32 s1, $0x3;
	s20 =	smax.u32 s20, $0x1;
	s13 =	sshrl.u32 s5, $0x3  }
0x12: {  	s24 =	sadd.s32 s13, s0;
	s0 =	sadd.s32 $0x48400, s0;
	s13 =	sadd.s32 s2, s13  }
0x13: {  	s26 =	sadd.s32 $0x16400, s24;
	s31 =	sadd.s32 $0x10, s13;
	s15 =	sadd.s32 s0, s16  }
0x14: {  	s16 =	sadd.s32 s0, s21;
	s17 =	sadd.s32 s0, s17;
	s18 =	sadd.s32 s0, s18  }
0x15: {  	s19 =	sadd.s32 s0, s1;
	s24 =	simm.s32 $0x80;
	[dreg:$0x4] =	wrdreg s26  }
0x16: {  	v0 =	vimm.f32 $0.0e+00;
	s0 =	simm.s32 $0x0;
	[dreg:$0x5] =	wrdreg s31;
	s26 =	simm.s32 $0x3  }
.LBB2_1:
0x17: {  	s1 =	rddreg [dreg:$0x4];
	s7 =	simm.s32 $0x100  }
0x18: {  	[tilespmem:s7], [sflag:$0x5] =	stream.linear.gather [hbm4b:s1+s4], $0x2780, $0x38;
	[tilespmem:$0x1E900] =	vst v63  }
0x19: {  	_ =	swait.ge [sflag:s22], $0x2780  }
0x1a: {  	[sflag:s22] =	ssyncset.done $0x0  }
0x1b: {  	s21 =	simm.s32 $0x200;
	s1 =	simm.s32 $0x0;
	[sflag:s22] =	ssyncadd.s32 $0xFFFFD880  }
.LBB2_2:
0x1c: {  	p0 =	sne.s32 s21, $0xFE00;
	[tilespmem:s1+$0x2970] =	vst v0  }
0x1d: {  	[tilespmem:s1+$0x2900] =	vst v0  }
0x1e: {  	[tilespmem:s1+$0x2910] =	vst v0  }
.Ltmp0:
0x1f: {  	[tilespmem:s1+$0x2920] =	vst v0;
	(pc) =	sbr.rel @p0 .LBB2_2-.Ltmp0, $4  }
0x20: {  	[tilespmem:s1+$0x2930] =	vst v0  }
0x21: {  	[tilespmem:s1+$0x2940] =	vst v0  }
0x22: {  	[tilespmem:s1+$0x2950] =	vst v0  }
0x23: {  	[tilespmem:s1+$0x2960] =	vst v0;
	s1 =	sshra.s32 s21, $0x2;
	s21 =	sadd.s32 $0x200, s21  }
0x24: {  	[tilespmem:s1+$0x2970] =	vst v0  }
0x25: {  	[tilespmem:s1+$0x2900] =	vst v0  }
0x26: {  	[tilespmem:s1+$0x2910] =	vst v0  }
0x27: {  	[tilespmem:s1+$0x2920] =	vst v0  }
0x28: {  	[tilespmem:s1+$0x2930] =	vst v0  }
0x29: {  	[tilespmem:s1+$0x2940] =	vst v0  }
0x2a: {  	[tilespmem:s1+$0x2950] =	vst v0  }
0x2b: {  	[tilespmem:s1+$0x2960] =	vst v0  }
0x2c: {  	[spmem:s8] =	stream.linear.scatter [tilespmem:s23], [sflag:$0x5], $0x4000, $0x38;
	[tilespmem:$0x1E900] =	vst v63  }
0x2d: {  	_ =	swait.ge [sflag:s22], $0x4000  }
0x2e: {  	[sflag:s22] =	ssyncset.done $0x0  }
0x2f: {  	[sflag:s22] =	ssyncadd.s32 $0xFFFFC000  }
0x30: {  	[spmem:s9] =	stream.linear.scatter [tilespmem:s23], [sflag:$0x5], $0x4000, $0x38;
	[tilespmem:$0x1E900] =	vst v63  }
0x31: {  	_ =	swait.ge [sflag:s22], $0x4000  }
0x32: {  	[sflag:s22] =	ssyncset.done $0x0  }
0x33: {  	[sflag:s22] =	ssyncadd.s32 $0xFFFFC000  }
0x34: {  	[spmem:s10] =	stream.linear.scatter [tilespmem:s23], [sflag:$0x5], $0x4000, $0x38;
	[tilespmem:$0x1E900] =	vst v63  }
0x35: {  	_ =	swait.ge [sflag:s22], $0x4000  }
0x36: {  	[sflag:s22] =	ssyncset.done $0x0  }
0x37: {  	[sflag:s22] =	ssyncadd.s32 $0xFFFFC000  }
0x38: {  	[spmem:s11] =	stream.linear.scatter [tilespmem:s23], [sflag:$0x5], $0x4000, $0x38;
	[tilespmem:$0x1E900] =	vst v63  }
0x39: {  	_ =	swait.ge [sflag:s22], $0x4000  }
0x3a: {  	[sflag:s22] =	ssyncset.done $0x0  }
0x3b: {  	[sflag:s22] =	ssyncadd.s32 $0xFFFFC000  }
0x3c: {  	[spmem:s12] =	stream.linear.scatter [tilespmem:s23], [sflag:$0x5], $0x4000, $0x38;
	[tilespmem:$0x1E900] =	vst v63  }
0x3d: {  	_ =	swait.ge [sflag:s22], $0x4000  }
0x3e: {  	[sflag:s22] =	ssyncset.done $0x0  }
0x3f: {  	[sflag:s22] =	ssyncadd.s32 $0xFFFFC000  }
0x40: {  	[tilespmem:s4], [sflag:$0x5] =	stream.linear.gather [hbm4b:s13+s4], $0x80, $0x38;
	[tilespmem:$0x1E900] =	vst v63  }
0x41: {  	_ =	swait.ge [sflag:s22], $0x80  }
0x42: {  	[sflag:s22] =	ssyncset.done $0x0  }
0x43: {  	[sflag:s22] =	ssyncadd.s32 $0xFFFFFF80  }
0x44: {  	[tilespmem:s23], [sflag:$0x3] =	stream.indirect.gather [hbm4b:s6+s24], $0x80, s4, s24, $0xb8;
	[tilespmem:$0x1E900] =	vst v63  }
0x45: {  	s7 =	rddreg [dreg:$0x5]  }
0x46: {  	[tilespmem:s24], [sflag:$0x2] =	stream.linear.gather [hbm4b:s7+s4], $0x80, $0x38;
	[tilespmem:$0x1E900] =	vst v63  }
0x47: {  	[bflag:$0x0] =	sbarrier.arrive $0xFFFF  }
0x48: {  	_ =	swait.ge [sflag:s25], $0x80  }
0x49: {  	s14 =	simm.s32 $0x100;
	[sflag:s25] =	ssyncset.done $0x0  }
0x4a: {  	s21 =	sand.u32 $0x7C00, s14;
	[sflag:s25] =	ssyncadd.s32 $0xFFFFFF80  }
0x4b: {  	s1 =	sand.u32 $0x300, s14;
	s21 =	sadd.s32 s5, s21;
	_ =	swait.ge [sflag:s26], $0x4000  }
0x4c: {  	s1 =	sor.u32 s1, s21;
	[sflag:s26] =	ssyncset.done $0x0  }
0x4d: {  	s1 =	sshrl.u32 s1, $0x3;
	[sflag:s26] =	ssyncadd.s32 $0xFFFFC000  }
0x4e: {  	[tilespmem:s28], [sflag:$0x4] =	stream.indirect.gather [hbm4b:s6+s24], $0x80, s24, s24, $0xb8;
	[tilespmem:$0x1E900] =	vst v63  }
0x4f: {  	s1 =	sadd.s32 s2, s1  }
0x50: {  	[tilespmem:s4], [sflag:$0x1] =	stream.linear.gather [hbm4b:s1+s4], $0x80, $0x38;
	[tilespmem:$0x1E900] =	vst v63  }
0x51: {  	s21 =	simm.s32 $0x100  }
0x52: {  	[spmem:s3] =	stream.indirect.scatter.add.f32 [tilespmem:s23], [sflag:$0x5], $0x80, s21, s24, $0xb8;
	[tilespmem:$0x1E900] =	vst v63  }
0x53: {  	_ =	swait.ge [sflag:s22], $0x4000  }
0x54: {  	[sflag:s22] =	ssyncset.done $0x0  }
0x55: {  	[sflag:s22] =	ssyncadd.s32 $0xFFFFC000  }
0x56: {  	_ =	swait.ge [sflag:s29], $0x80  }
0x57: {  	s1 =	simm.s32 $0x180;
	[sflag:s29] =	ssyncset.done $0x0  }
0x58: {  	s31 =	sand.u32 $0x7C00, s1;
	[sflag:s29] =	ssyncadd.s32 $0xFFFFFF80  }
0x59: {  	s21 =	sadd.s32 s5, s31;
	s31 =	sand.u32 $0x380, s1;
	_ =	swait.ge [sflag:s30], $0x4000  }
0x5a: {  	s21 =	sor.u32 s31, s21;
	[sflag:s30] =	ssyncset.done $0x0  }
0x5b: {  	s21 =	sshrl.u32 s21, $0x3;
	[sflag:s30] =	ssyncadd.s32 $0xFFFFC000  }
0x5c: {  	[tilespmem:s23], [sflag:$0x3] =	stream.indirect.gather [hbm4b:s6+s24], $0x80, s4, s24, $0xb8;
	[tilespmem:$0x1E900] =	vst v63  }
0x5d: {  	s21 =	sadd.s32 s2, s21  }
0x5e: {  	[tilespmem:s24], [sflag:$0x2] =	stream.linear.gather [hbm4b:s21+s4], $0x80, $0x38;
	[tilespmem:$0x1E900] =	vst v63  }
0x5f: {  	_ = 	snop  }
0x60: {  	[spmem:s3] =	stream.indirect.scatter.add.f32 [tilespmem:s28], [sflag:$0x5], $0x80, s1, s24, $0xb8;
	[tilespmem:$0x1E900] =	vst v63  }
0x61: {  	s21 =	simm.s32 $0x280;
	_ =	swait.ge [sflag:s22], $0x4000  }
.LBB2_4:
0x62: {  	p0 =	sne.s32 s21, $0x2780;
	[sflag:s22] =	ssyncset.done $0x0;
	s1 =	sadd.s32 $0x100, s1  }
0x63: {  	s31 =	smov.u32 s21;
	s21 =	sadd.s32 $0x100, s21;
	[sflag:s22] =	ssyncadd.s32 $0xFFFFC000  }
0x64: {  	_ =	swait.ge [sflag:s25], $0x80  }
0x65: {  	[sflag:s25] =	ssyncset.done $0x0  }
0x66: {  	s7 =	sadd.s32 $0xFFFFFF80, s31;
	[sflag:s25] =	ssyncadd.s32 $0xFFFFFF80  }
0x67: {  	s14 =	sand.u32 $0x7C00, s7;
	_ =	swait.ge [sflag:s26], $0x4000  }
0x68: {  	s7 =	sand.u32 $0x300, s7;
	s14 =	sadd.s32 s5, s14;
	[sflag:s26] =	ssyncset.done $0x0  }
0x69: {  	s7 =	sor.u32 s7, s14;
	[sflag:s26] =	ssyncadd.s32 $0xFFFFC000  }
0x6a: {  	[tilespmem:s28], [sflag:$0x4] =	stream.indirect.gather [hbm4b:s6+s24], $0x80, s24, s24, $0xb8;
	[tilespmem:$0x1E900] =	vst v63  }
0x6b: {  	s7 =	sshrl.u32 s7, $0x3  }
0x6c: {  	s14 =	sadd.s32 $0xFFFFFF80, s1;
	s7 =	sadd.s32 s2, s7  }
0x6d: {  	[tilespmem:s4], [sflag:$0x1] =	stream.linear.gather [hbm4b:s7+s4], $0x80, $0x38;
	[tilespmem:$0x1E900] =	vst v63  }
0x6e: {  	_ = 	snop  }
0x6f: {  	[spmem:s3] =	stream.indirect.scatter.add.f32 [tilespmem:s23], [sflag:$0x5], $0x80, s14, s24, $0xb8;
	[tilespmem:$0x1E900] =	vst v63  }
0x70: {  	_ =	swait.ge [sflag:s22], $0x4000  }
0x71: {  	[sflag:s22] =	ssyncset.done $0x0  }
0x72: {  	[sflag:s22] =	ssyncadd.s32 $0xFFFFC000  }
0x73: {  	_ =	swait.ge [sflag:s29], $0x80  }
0x74: {  	[sflag:s29] =	ssyncset.done $0x0  }
0x75: {  	s7 =	sand.u32 $0x7C00, s31;
	[sflag:s29] =	ssyncadd.s32 $0xFFFFFF80  }
0x76: {  	s7 =	sadd.s32 s5, s7;
	s14 =	sand.u32 $0x380, s31;
	_ =	swait.ge [sflag:s30], $0x4000  }
0x77: {  	s7 =	sor.u32 s14, s7;
	[sflag:s30] =	ssyncset.done $0x0  }
0x78: {  	s7 =	sshrl.u32 s7, $0x3;
	[sflag:s30] =	ssyncadd.s32 $0xFFFFC000  }
0x79: {  	[tilespmem:s23], [sflag:$0x3] =	stream.indirect.gather [hbm4b:s6+s24], $0x80, s4, s24, $0xb8;
	[tilespmem:$0x1E900] =	vst v63  }
.Ltmp1:
0x7a: {  	s7 =	sadd.s32 s2, s7;
	(pc) =	sbr.rel @p0 .LBB2_4-.Ltmp1, $4  }
0x7b: {  	[tilespmem:s24], [sflag:$0x2] =	stream.linear.gather [hbm4b:s7+s4], $0x80, $0x38;
	[tilespmem:$0x1E900] =	vst v63  }
0x7c: {  	_ = 	snop  }
0x7d: {  	[spmem:s3] =	stream.indirect.scatter.add.f32 [tilespmem:s28], [sflag:$0x5], $0x80, s1, s24, $0xb8;
	[tilespmem:$0x1E900] =	vst v63  }
0x7e: {  	_ =	swait.ge [sflag:s22], $0x4000  }
0x7f: {  	[sflag:s22] =	ssyncset.done $0x0  }
0x80: {  	[sflag:s22] =	ssyncadd.s32 $0xFFFFC000  }
0x81: {  	_ =	swait.ge [sflag:s26], $0x4000  }
0x82: {  	[sflag:s26] =	ssyncset.done $0x0  }
0x83: {  	[sflag:s26] =	ssyncadd.s32 $0xFFFFC000  }
0x84: {  	_ =	swait.ge [sflag:s25], $0x80  }
0x85: {  	[sflag:s25] =	ssyncset.done $0x0  }
0x86: {  	s1 =	simm.s32 $0x2800;
	[sflag:s25] =	ssyncadd.s32 $0xFFFFFF80  }
0x87: {  	[spmem:s3] =	stream.indirect.scatter.add.f32 [tilespmem:s23], [sflag:$0x5], $0x80, s1, s24, $0xb8;
	[tilespmem:$0x1E900] =	vst v63  }
0x88: {  	_ =	swait.ge [sflag:s22], $0x4000  }
0x89: {  	s21 =	stileid.u32;
	[sflag:s22] =	ssyncset.done $0x0  }
0x8a: {  	s1 =	sshll.u32 s21, $0x6;
	[sflag:s22] =	ssyncadd.s32 $0xFFFFC000  }
0x8b: {  	s7 =	sshrl.u32 s8, $0x3;
	s1 =	sor.u32 $0x1C05, s1;
	[bflag:$0x0] =	sbarrier.arrive $0xFFFF  }
0x8c: {  	[hbm:s15], [sflag:s1] =	dma.local [spmem:s7], $0x800  }
0x8d: {  	_ =	swait.ge [sflag:s22], $0x800  }
0x8e: {  	[sflag:s22] =	ssyncset.done $0x0  }
0x8f: {  	s31 =	sshrl.u32 s9, $0x3;
	[sflag:s22] =	ssyncadd.s32 $0xFFFFF800  }
0x90: {  	[hbm:s16], [sflag:s1] =	dma.local [spmem:s31], $0x800  }
0x91: {  	_ =	swait.ge [sflag:s22], $0x800  }
0x92: {  	[sflag:s22] =	ssyncset.done $0x0  }
0x93: {  	s14 =	sshrl.u32 s10, $0x3;
	[sflag:s22] =	ssyncadd.s32 $0xFFFFF800  }
0x94: {  	[hbm:s17], [sflag:s1] =	dma.local [spmem:s14], $0x800  }
0x95: {  	_ =	swait.ge [sflag:s22], $0x800  }
0x96: {  	[sflag:s22] =	ssyncset.done $0x0  }
0x97: {  	s21 =	sshrl.u32 s11, $0x3;
	[sflag:s22] =	ssyncadd.s32 $0xFFFFF800  }
0x98: {  	[hbm:s18], [sflag:s1] =	dma.local [spmem:s21], $0x800  }
0x99: {  	s0 =	sadd.s32 $0x1, s0;
	_ =	swait.ge [sflag:s22], $0x800  }
0x9a: {  	p0 =	sne.s32 s0, s20;
	[sflag:s22] =	ssyncset.done $0x0  }
.Ltmp2:
0x9b: {  	s31 =	sshrl.u32 s12, $0x3;
	[sflag:s22] =	ssyncadd.s32 $0xFFFFF800;
	(pc) =	sbr.rel @p0 .LBB2_1-.Ltmp2, $4  }
0x9c: {  	[hbm:s19], [sflag:s1] =	dma.local [spmem:s31], $0x800  }
0x9d: {  	_ =	swait.ge [sflag:s22], $0x800  }
0x9e: {  	[sflag:s22] =	ssyncset.done $0x0  }
0x9f: {  	[sflag:s22] =	ssyncadd.s32 $0xFFFFF800  }
0xa0: {  	_ =	sfence.sel $0x180000  }
0xa1: {  	[bflag:$0x0] =	sbarrier.arrive $0xFFFF  }
0xa2: {  	_ =	strace $0x9000004A  }
0xa3: {  	s0 =	stileid.u32;
	[bflag:$0x2] =	sbarrier.arrive $0xFFFF  }
0xa4: {  	p0 =	sne.s32 s0, $0x0;
	s0 =	rddreg [dreg:$0x3]  }
0xa5: {  	s0 =	sadd.s32 @!p0 $0x100000, s0  }
0xa6: {  	[sflag:s0] =	ssyncadd.tile.s32 @!p0 $0x1;
	_ =	shalt  }
.Lfunc_end2:
_tile_overlayer_lowered:
.L_overlay_start_2:
0xa7: {  	(tag) =	ssettag $0x2  }
0xa8: {  	s0 =	rddreg [dreg:$0x0];
	s2 =	stileid.u32  }
0xa9: {  	s1 =	rddreg [dreg:$0x1];
	p0 =	sne.s32 s2, $0x0  }
0xaa: {  	s3 =	rddreg [dreg:$0x2];
	[bflag:$0x3] =	sbarrier.arrive $0xFFFF;
	s2 =	simm.s32 @!p0 $0x1C05  }
0xab: {  	[timem:s3], [sflag:s2] =	dma.local @!p0 [hbm:s0], s1  }
0xac: {  	s0 =	simm.s32 @!p0 $0x5  }
0xad: {  	_ =	swait.ge @!p0 [sflag:s0], s1  }
0xae: {  	s1 =	ssub.s32 @!p0 $0x0, s1;
	[sflag:s0] =	ssyncset.done @!p0 $0x0  }
0xaf: {  	[sflag:s0] =	ssyncadd.s32 @!p0 s1  }
0xb0: {  	[bflag:$0x3] =	sbarrier.arrive $0xFFFF  }
0xb1: {  	_ =	shalt  }

// kernel: kernel.16.cloned.1.call-start
scs
__scs_entry_jumppad:
0x0: {  	(pc) =	sbr.rel $0x88, $3  }
0x1: {  	(tag) =	ssettag $0x0;
	lr =	simm.s32 $0x1  }
0x2: {  	[smem:$0x3F99] =	sst lr;
	_ =	strace $0xD0000000  }
0x3: {  	_ = 	snop  }
0x4: {  	_ = 	snop  }
0x5: {  	_ = 	snop  }
0x6: {  	_ = 	snop  }
0x7: {  	_ = 	snop  }
__scs_overlays_trampoline_lowered:
0x8: {  	[smem:$0x3FA8] =	sst s0  }
0x9: {  	[smem:$0x3FA9] =	sst s1  }
0xa: {  	[smem:$0x3FAA] =	sst s2  }
0xb: {  	[smem:$0x3FAB] =	sst s3  }
0xc: {  	[smem:$0x3FAC] =	sst s4  }
0xd: {  	[smem:$0x3FAD] =	sst s5  }
0xe: {  	[smem:$0x3FAE] =	sst s6  }
0xf: {  	[smem:$0x3FAF] =	sst s7  }
0x10: {  	[smem:$0x3FB0] =	sst s8  }
0x11: {  	[smem:$0x3FB1] =	sst s9;
	s0 =	simm.s32 @!p0 $0x0  }
0x12: {  	s1 =	sld [smem:$0x3F97];
	s0 =	simm.s32 @p0 $0x1  }
0x13: {  	[smem:$0x3FB2] =	sst s0;
	s0 =	simm.s32 @!p1 $0x0  }
0x14: {  	s2 =	sld [smem:$0x3F96];
	s0 =	simm.s32 @p1 $0x1  }
0x15: {  	[smem:$0x3FB3] =	sst s0;
	s0 =	simm.s32 @!p2 $0x0  }
0x16: {  	s3 =	sld [smem:$0x3FDB];
	s0 =	simm.s32 @p2 $0x1  }
0x17: {  	s4 =	simm.s32 $0x1BF5;
	[smem:$0x3FB5] =	sst s0  }
0x18: {  	s0 =	sld [smem:$0x3F98];
	_ =	swait.ge [sflag:s4], $0x0  }
0x19: {  	s7 =	sld [smem:$0x3F99]  }
0x1a: {  	s8 =	sadd.s32 $0xFFFFE003, lr  }
0x1b: {  	s9 =	sadd.s32 $0xFFFFFEF7, lr;
	s5 =	simm.s32 $0xFFFFFFFF;
	p2 =	slt.u32 s8, $0xFFFFF086  }
0x1c: {  	p1 =	slt.u32 s9, $0xF7A;
	s5 =	simm.s32 @!p2 $0x0  }
0x1d: {  	s5 =	simm.s32 @p1 $0x1;
	p0 =	seq.s32 s7, s2  }
0x1e: {  	s7 =	smul.u32 @!p0 $0xF7A, s2;
	p2 =	seq.s32 @!p0 s5, $0x0  }
0x1f: {  	s9 =	smul.u32 $0xF7A, s1;
	s8 =	simm.s32 @!p0 $0x1BF5;
	p2 =	por !p2, p0  }
0x20: {  	[sflag:s8] =	ssyncset.s32 @!p0 $0xFFFFF086;
	s6 =	sadd.s32 @!p0 s3, s7;
	s7 =	simm.s32 @!p0 $0x108  }
0x21: {  	s3 =	sadd.s32 s3, s9;
	s6 =	sadd.s32 @!p0 $0x88, s6;
	s7 =	simm.s32 @p2 $0x1082  }
0x22: {  	[simem:s7], [sflag:s8] =	dma.local @!p0 [hbm:s6], $0xF7A  }
0x23: {  	s9 =	sor.u32 $0xD0000000, s2;
	s6 =	simm.s32 $0x108;
	_ =	swait.ge @!p0 [sflag:s8], $0x0  }
0x24: {  	s3 =	sadd.s32 $0x88, s3;
	s6 =	simm.s32 @!p1 $0x1082;
	[sflag:s4] =	ssyncset.s32 $0xFFFFF086  }
0x25: {  	[simem:s6], [sflag:s4] =	dma.local [hbm:s3], $0xF7A  }
0x26: {  	[smem:$0x3F99] =	sst s1;
	(tag) =	ssettag s2;
	_ =	strace s9  }
0x27: {  	s1 =	sld [smem:$0x3FA9]  }
0x28: {  	s2 =	sld [smem:$0x3FAA]  }
0x29: {  	s4 =	sld [smem:$0x3FAC]  }
0x2a: {  	p0 =	seq.s32 s5, $0x0;
	s5 =	sld [smem:$0x3FAD]  }
0x2b: {  	s6 =	sld [smem:$0x3FAE]  }
0x2c: {  	s7 =	sld [smem:$0x3FAF]  }
0x2d: {  	s3 =	simm.s32 $0x108;
	s8 =	sld [smem:$0x3FB0]  }
0x2e: {  	s3 =	simm.s32 @!p0 $0x1082;
	s9 =	sld [smem:$0x3FB1]  }
0x2f: {  	lr =	sadd.s32 s0, s3;
	s0 =	sld [smem:$0x3FA8]  }
0x30: {  	s3 =	sld [smem:$0x3FAB]  }
0x31: {  	[smem:$0x3FB4] =	sst s10  }
0x32: {  	s10 =	sld [smem:$0x3FB2];
	_ =	sdelay $0x3  }
0x33: {  	p0 =	seq.s32 s10, $0x1;
	s10 =	sld [smem:$0x3FB4];
	_ =	sdelay $0x3  }
0x34: {  	[smem:$0x3FB4] =	sst s10  }
0x35: {  	s10 =	sld [smem:$0x3FB3];
	_ =	sdelay $0x3  }
0x36: {  	p1 =	seq.s32 s10, $0x1;
	s10 =	sld [smem:$0x3FB4];
	_ =	sdelay $0x3  }
0x37: {  	[smem:$0x3FB4] =	sst s10  }
0x38: {  	s10 =	sld [smem:$0x3FB5]  }
0x39: {  	_ = 	snop;
	(pc) =	sbr.ind lr, $3  }
0x3a: {  	_ = 	snop  }
0x3b: {  	_ = 	snop  }
0x3c: {  	p2 =	seq.s32 s10, $0x1;
	s10 =	sld [smem:$0x3FB4]  }
0x3d: {  	_ =	shalt  }
0x3e: {  	_ =	shalt  }
0x3f: {  	_ =	shalt  }
0x40: {  	_ =	shalt  }
0x41: {  	_ =	shalt  }
0x42: {  	_ =	shalt  }
0x43: {  	_ =	shalt  }
0x44: {  	_ =	shalt  }
0x45: {  	_ =	shalt  }
0x46: {  	_ =	shalt  }
0x47: {  	_ =	shalt  }
0x48: {  	_ =	shalt  }
0x49: {  	_ =	shalt  }
0x4a: {  	_ =	shalt  }
0x4b: {  	_ =	shalt  }
0x4c: {  	_ =	shalt  }
0x4d: {  	_ =	shalt  }
0x4e: {  	_ =	shalt  }
0x4f: {  	_ =	shalt  }
0x50: {  	_ =	shalt  }
0x51: {  	_ =	shalt  }
0x52: {  	_ =	shalt  }
0x53: {  	_ =	shalt  }
0x54: {  	_ =	shalt  }
0x55: {  	_ =	shalt  }
0x56: {  	_ =	shalt  }
0x57: {  	_ =	shalt  }
0x58: {  	_ =	shalt  }
0x59: {  	_ =	shalt  }
0x5a: {  	_ =	shalt  }
0x5b: {  	_ =	shalt  }
0x5c: {  	_ =	shalt  }
0x5d: {  	_ =	shalt  }
0x5e: {  	_ =	shalt  }
0x5f: {  	_ =	shalt  }
0x60: {  	_ =	shalt  }
0x61: {  	_ =	shalt  }
0x62: {  	_ =	shalt  }
0x63: {  	_ =	shalt  }
0x64: {  	_ =	shalt  }
0x65: {  	_ =	shalt  }
0x66: {  	_ =	shalt  }
0x67: {  	_ =	shalt  }
0x68: {  	_ =	shalt  }
0x69: {  	_ =	shalt  }
0x6a: {  	_ =	shalt  }
0x6b: {  	_ =	shalt  }
0x6c: {  	_ =	shalt  }
0x6d: {  	_ =	shalt  }
0x6e: {  	_ =	shalt  }
0x6f: {  	_ =	shalt  }
0x70: {  	_ =	shalt  }
0x71: {  	_ =	shalt  }
0x72: {  	_ =	shalt  }
0x73: {  	_ =	shalt  }
0x74: {  	_ =	shalt  }
0x75: {  	_ =	shalt  }
0x76: {  	_ =	shalt  }
0x77: {  	_ =	shalt  }
0x78: {  	_ =	shalt  }
0x79: {  	_ =	shalt  }
0x7a: {  	_ =	shalt  }
0x7b: {  	_ =	shalt  }
0x7c: {  	_ =	shalt  }
0x7d: {  	_ =	shalt  }
0x7e: {  	_ =	shalt  }
0x7f: {  	_ =	shalt  }
0x80: {  	_ =	shalt  }
0x81: {  	_ =	shalt  }
0x82: {  	_ =	shalt  }
0x83: {  	_ =	shalt  }
0x84: {  	_ =	shalt  }
0x85: {  	_ =	shalt  }
0x86: {  	_ =	shalt  }
0x87: {  	_ =	shalt  }
.Lfunc_end0:
.L_simem_size_0:
called_computation.2_lowered:
.L_overlay_start_0:
0x88: {  	s2 =	sld [smem:$0x3FD9]  }
0x89: {  	s3 =	sld [smem:$0x3FFE];
	_ =	sdelay $0x1  }
0x8a: {  	s1 =	srdreg.scid  }
0x8b: {  	s0 =	sand.u32 $0x1, s1  }
0x8c: {  	s17 =	sshll.u32 s0, $0xA;
	s2 =	sadd.s32 s3, s2  }
0x8d: {  	s2 =	sadd.s32 s2, s17  }
0x8e: {  	[smem:$0x3FC0] =	sst s2  }
0x8f: {  	_ = 	snop  }
0x90: {  	s2 =	sld [smem:$0x3FD0];
	(tm) =	ssettm $0x1  }
0x91: {  	s18 =	sld [smem:$0x3FFB];
	_ =	sdelay $0x3  }
0x92: {  	_ =	strace s18  }
0x93: {  	s3 =	sld [smem:$0x3FFC];
	_ =	sdelay $0x3  }
0x94: {  	_ =	strace s3  }
0x95: {  	s3 =	sld [smem:$0x3FFD];
	_ =	sdelay $0x3  }
0x96: {  	_ =	strace s3  }
0x97: {  	_ =	strace $0x8FFFFFFF  }
0x98: {  	s19 =	sld [smem:$0x3FDB];
	_ =	sdelay $0x1  }
0x99: {  	s4 =	simm.s32 $_scs_section_size  }
0x9a: {  	s5 =	simm.s32 $_size__tile_overlayer_lowered;
	s6 =	simm.s32 $_tile_overlayer_lowered  }
0x9b: {  	s22 =	simm.s32 $0x1BFF;
	s21 =	sshll.u32 s6, $0x1;
	s3 =	sadd.s32 s4, s19  }
0x9c: {  	s7 =	simm.s32 $0x0;
	s20 =	sshll.u32 s5, $0x1;
	s5 =	sadd.s32 s21, s3  }
0x9d: {  	[timem:s7], [sflag:s22] =	dma.local [hbm:s5], s20  }
0x9e: {  	_ =	swait.ge [sflag:s22], s20  }
0x9f: {  	s4 =	ssub.s32 $0x0, s20;
	[sflag:s22] =	ssyncset.done $0x0  }
0xa0: {  	[sflag:s22] =	ssyncadd.s32 s4;
	_ =	sdelay $0x1  }
0xa1: {  	s23 =	simm.s32 $0x1B8B  }
0xa2: {  	_ =	swait.ge [sflag:s23], $0x1  }
0xa3: {  	[sflag:s23] =	ssyncset.done $0x0  }
0xa4: {  	s25 =	simm.s32 $0x1B8E;
	s24 =	sld [smem:$0x3FFE];
	[sflag:s23] =	ssyncadd.s32 $0xFFFFFFFF  }
0xa5: {  	s26 =	simm.s32 $execute0_lowered;
	[smem:$0x3FD2] =	sst s25  }
0xa6: {  	s5 =	sshll.u32 s26, $0x1;
	_ =	strace $0x8000004C;
	[dreg:$0x1] =	wrdreg $0xFFFFFFFF  }
0xa7: {  	s28 =	simm.s32 $_size_execute0_lowered;
	s3 =	sadd.s32 s3, s5;
	[dreg:$0x0] =	wrdreg $0x0  }
0xa8: {  	s5 =	sshll.u32 s28, $0x1;
	[dreg:$0x2] =	wrdreg s3  }
0xa9: {  	[dreg:$0x3] =	wrdreg s5  }
0xaa: {  	[dreg:$0x4] =	wrdreg $0xC0  }
0xab: {  	_ =	task [dreg:s7], $0x5FFFF  }
0xac: {  	[dreg:$0x1] =	wrdreg $0xFFFFFFFF  }
0xad: {  	[dreg:$0x0] =	wrdreg $0x60  }
0xae: {  	[dreg:$0x2] =	wrdreg s24  }
0xaf: {  	[dreg:$0x3] =	wrdreg s2  }
0xb0: {  	[dreg:$0x4] =	wrdreg $0xA9000  }
0xb1: {  	[dreg:$0x5] =	wrdreg $0x9  }
0xb2: {  	_ =	task.clear_ibuf [dreg:s7], $0x6FFFF;
	_ =	strace $0x9000004C  }
0xb3: {  	s29 =	simm.s32 $0x9;
	_ =	strace $0x8000004E  }
0xb4: {  	_ =	swait.ge [sflag:s29], $0x1  }
0xb5: {  	[sflag:s29] =	ssyncadd.s32 $0xFFFFFFFF  }
0xb6: {  	_ =	strace $0x9000004E  }
0xb7: {  	_ =	sfence  }
0xb8: {  	s30 =	sld [smem:$0x0];
	_ =	sdelay $0x2  }
0xb9: {  	s31 =	sshll.u32 s1, $0xD;
	s1 =	sshrl.u32 s1, $0x2  }
0xba: {  	s3 =	sand.u32 $0x4000, s31;
	s1 =	sadd.s32 s1, s30  }
0xbb: {  	s0 =	sor.u32 s3, s0;
	s1 =	sshll.u32 s1, $0x11  }
0xbc: {  	s0 =	sor.u32 s1, s0  }
0xbd: {  	s0 =	sadd.s32 $0x8F2B, s0  }
0xbe: {  	[sflag:s0] =	ssyncadd.remote.s32 $0x1  }
0xbf: {  	_ =	sfence.sel $0xFFFF  }
0xc0: {  	[dreg:$0x0] =	wrdreg $0xFFFFFFFF;
	(pc) =	sbr.abs _section_cstart, $3  }
0xc1: {  	[dreg:$0x1] =	wrdreg $0xFFFFFFFF  }
0xc2: {  	_ =	task.clear_ibuf [dreg:s7], $0x2FFFF;
	_ =	strace $0x9FFFFFFF  }
0xc3: {  	(tm) =	ssettm $0x7FFFFFFF  }
tec
execute0_lowered:
.L_overlay_start_1:
0x0: {  	(tag) =	ssettag $0x1  }
0x1: {  	s0 =	rddreg [dreg:$0x0]  }
0x2: {  	s1 =	srdreg.scid;
	s2 =	rddreg [dreg:$0x1]  }
0x3: {  	s3 =	rddreg [dreg:$0x2];
	s9 =	stileid.u32  }
0x4: {  	s4 =	simm.s32 $0x0;
	s22 =	simm.s32 $0x5;
	s23 =	simm.s32 $0x2900  }
0x5: {  	s28 =	simm.s32 $0x6900;
	s29 =	simm.s32 $0x1;
	s30 =	simm.s32 $0x4  }
0x6: {  	s1 =	sand.u32 $0x1, s1;
	[smem:$0x7FF] =	sst s4;
	s7 =	smul.u32 $0x50000, s9  }
0x7: {  	s6 =	sadd.s32 $0x20400, s0;
	s14 =	smul.u32 $0x14000, s9;
	s5 =	sshll.u32 s1, $0x4  }
0x8: {  	_ =	strace $0x8000004D;
	s8 =	ssub.s32 $0x2, s1;
	s1 =	smul.u32 $0x140000, s1  }
0x9: {  	s5 =	sor.u32 s9, s5;
	s10 =	sshrl.u32 s8, $0x1;
	s25 =	sshrl.u32 s7, $0x2  }
0xa: {  	s15 =	sadd.s32 $0x4000, s14;
	s17 =	sadd.s32 $0x8000, s14;
	s18 =	sadd.s32 $0xC000, s14  }
0xb: {  	s19 =	sadd.s32 $0x10000, s14;
	s5 =	smul.u32 $0x2800, s5;
	s20 =	ssub.s32 s8, s10  }
0xc: {  	s8 =	sadd.s32 s25, s3;
	s9 =	sadd.s32 s15, s3;
	s10 =	sadd.s32 s17, s3  }
0xd: {  	s11 =	sadd.s32 s18, s3;
	s12 =	sadd.s32 s19, s3;
	s14 =	sadd.s32 s14, s1  }
0xe: {  	s15 =	sadd.s32 s1, s15;
	s17 =	sadd.s32 s1, s17;
	s18 =	sadd.s32 s1, s18  }
0xf: {  	s1 =	sadd.s32 s1, s19;
	s25 =	simm.s32 $0x2;
	s16 =	sshrl.u32 s14, $0x3  }
0x10: {  	s21 =	sshrl.u32 s15, $0x3;
	s17 =	sshrl.u32 s17, $0x3;
	s18 =	sshrl.u32 s18, $0x3  }
0x11: {  	s1 =	sshrl.u32 s1, $0x3;
	s20 =	smax.u32 s20, $0x1;
	s13 =	sshrl.u32 s5, $0x3  }
0x12: {  	s24 =	sadd.s32 s13, s0;
	s0 =	sadd.s32 $0x48400, s0;
	s13 =	sadd.s32 s2, s13  }
0x13: {  	s26 =	sadd.s32 $0x16400, s24;
	s31 =	sadd.s32 $0x10, s13;
	s15 =	sadd.s32 s0, s16  }
0x14: {  	s16 =	sadd.s32 s0, s21;
	s17 =	sadd.s32 s0, s17;
	s18 =	sadd.s32 s0, s18  }
0x15: {  	s19 =	sadd.s32 s0, s1;
	s24 =	simm.s32 $0x80;
	[dreg:$0x4] =	wrdreg s26  }
0x16: {  	v0 =	vimm.f32 $0.0e+00;
	s0 =	simm.s32 $0x0;
	[dreg:$0x5] =	wrdreg s31;
	s26 =	simm.s32 $0x3  }
.LBB2_1:
0x17: {  	s1 =	rddreg [dreg:$0x4];
	s7 =	simm.s32 $0x100  }
0x18: {  	[tilespmem:s7], [sflag:$0x5] =	stream.linear.gather [hbm4b:s1+s4], $0x2780, $0x38;
	[tilespmem:$0x1E900] =	vst v63  }
0x19: {  	_ =	swait.ge [sflag:s22], $0x2780  }
0x1a: {  	[sflag:s22] =	ssyncset.done $0x0  }
0x1b: {  	s21 =	simm.s32 $0x200;
	s1 =	simm.s32 $0x0;
	[sflag:s22] =	ssyncadd.s32 $0xFFFFD880  }
.LBB2_2:
0x1c: {  	p0 =	sne.s32 s21, $0xFE00;
	[tilespmem:s1+$0x2970] =	vst v0  }
0x1d: {  	[tilespmem:s1+$0x2900] =	vst v0  }
0x1e: {  	[tilespmem:s1+$0x2910] =	vst v0  }
.Ltmp0:
0x1f: {  	[tilespmem:s1+$0x2920] =	vst v0;
	(pc) =	sbr.rel @p0 .LBB2_2-.Ltmp0, $4  }
0x20: {  	[tilespmem:s1+$0x2930] =	vst v0  }
0x21: {  	[tilespmem:s1+$0x2940] =	vst v0  }
0x22: {  	[tilespmem:s1+$0x2950] =	vst v0  }
0x23: {  	[tilespmem:s1+$0x2960] =	vst v0;
	s1 =	sshra.s32 s21, $0x2;
	s21 =	sadd.s32 $0x200, s21  }
0x24: {  	[tilespmem:s1+$0x2970] =	vst v0  }
0x25: {  	[tilespmem:s1+$0x2900] =	vst v0  }
0x26: {  	[tilespmem:s1+$0x2910] =	vst v0  }
0x27: {  	[tilespmem:s1+$0x2920] =	vst v0  }
0x28: {  	[tilespmem:s1+$0x2930] =	vst v0  }
0x29: {  	[tilespmem:s1+$0x2940] =	vst v0  }
0x2a: {  	[tilespmem:s1+$0x2950] =	vst v0  }
0x2b: {  	[tilespmem:s1+$0x2960] =	vst v0  }
0x2c: {  	[spmem:s8] =	stream.linear.scatter [tilespmem:s23], [sflag:$0x5], $0x4000, $0x38;
	[tilespmem:$0x1E900] =	vst v63  }
0x2d: {  	_ =	swait.ge [sflag:s22], $0x4000  }
0x2e: {  	[sflag:s22] =	ssyncset.done $0x0  }
0x2f: {  	[sflag:s22] =	ssyncadd.s32 $0xFFFFC000  }
0x30: {  	[spmem:s9] =	stream.linear.scatter [tilespmem:s23], [sflag:$0x5], $0x4000, $0x38;
	[tilespmem:$0x1E900] =	vst v63  }
0x31: {  	_ =	swait.ge [sflag:s22], $0x4000  }
0x32: {  	[sflag:s22] =	ssyncset.done $0x0  }
0x33: {  	[sflag:s22] =	ssyncadd.s32 $0xFFFFC000  }
0x34: {  	[spmem:s10] =	stream.linear.scatter [tilespmem:s23], [sflag:$0x5], $0x4000, $0x38;
	[tilespmem:$0x1E900] =	vst v63  }
0x35: {  	_ =	swait.ge [sflag:s22], $0x4000  }
0x36: {  	[sflag:s22] =	ssyncset.done $0x0  }
0x37: {  	[sflag:s22] =	ssyncadd.s32 $0xFFFFC000  }
0x38: {  	[spmem:s11] =	stream.linear.scatter [tilespmem:s23], [sflag:$0x5], $0x4000, $0x38;
	[tilespmem:$0x1E900] =	vst v63  }
0x39: {  	_ =	swait.ge [sflag:s22], $0x4000  }
0x3a: {  	[sflag:s22] =	ssyncset.done $0x0  }
0x3b: {  	[sflag:s22] =	ssyncadd.s32 $0xFFFFC000  }
0x3c: {  	[spmem:s12] =	stream.linear.scatter [tilespmem:s23], [sflag:$0x5], $0x4000, $0x38;
	[tilespmem:$0x1E900] =	vst v63  }
0x3d: {  	_ =	swait.ge [sflag:s22], $0x4000  }
0x3e: {  	[sflag:s22] =	ssyncset.done $0x0  }
0x3f: {  	[sflag:s22] =	ssyncadd.s32 $0xFFFFC000  }
0x40: {  	[tilespmem:s4], [sflag:$0x5] =	stream.linear.gather [hbm4b:s13+s4], $0x80, $0x38;
	[tilespmem:$0x1E900] =	vst v63  }
0x41: {  	_ =	swait.ge [sflag:s22], $0x80  }
0x42: {  	[sflag:s22] =	ssyncset.done $0x0  }
0x43: {  	[sflag:s22] =	ssyncadd.s32 $0xFFFFFF80  }
0x44: {  	[tilespmem:s23], [sflag:$0x3] =	stream.indirect.gather [hbm4b:s6+s24], $0x80, s4, s24, $0xb8;
	[tilespmem:$0x1E900] =	vst v63  }
0x45: {  	s7 =	rddreg [dreg:$0x5]  }
0x46: {  	[tilespmem:s24], [sflag:$0x2] =	stream.linear.gather [hbm4b:s7+s4], $0x80, $0x38;
	[tilespmem:$0x1E900] =	vst v63  }
0x47: {  	[bflag:$0x0] =	sbarrier.arrive $0xFFFF  }
0x48: {  	_ =	swait.ge [sflag:s25], $0x80  }
0x49: {  	s14 =	simm.s32 $0x100;
	[sflag:s25] =	ssyncset.done $0x0  }
0x4a: {  	s21 =	sand.u32 $0x7C00, s14;
	[sflag:s25] =	ssyncadd.s32 $0xFFFFFF80  }
0x4b: {  	s1 =	sand.u32 $0x300, s14;
	s21 =	sadd.s32 s5, s21;
	_ =	swait.ge [sflag:s26], $0x4000  }
0x4c: {  	s1 =	sor.u32 s1, s21;
	[sflag:s26] =	ssyncset.done $0x0  }
0x4d: {  	s1 =	sshrl.u32 s1, $0x3;
	[sflag:s26] =	ssyncadd.s32 $0xFFFFC000  }
0x4e: {  	[tilespmem:s28], [sflag:$0x4] =	stream.indirect.gather [hbm4b:s6+s24], $0x80, s24, s24, $0xb8;
	[tilespmem:$0x1E900] =	vst v63  }
0x4f: {  	s1 =	sadd.s32 s2, s1  }
0x50: {  	[tilespmem:s4], [sflag:$0x1] =	stream.linear.gather [hbm4b:s1+s4], $0x80, $0x38;
	[tilespmem:$0x1E900] =	vst v63  }
0x51: {  	s21 =	simm.s32 $0x100  }
0x52: {  	[spmem:s3] =	stream.indirect.scatter.add.f32 [tilespmem:s23], [sflag:$0x5], $0x80, s21, s24, $0xb8;
	[tilespmem:$0x1E900] =	vst v63  }
0x53: {  	_ =	swait.ge [sflag:s22], $0x4000  }
0x54: {  	[sflag:s22] =	ssyncset.done $0x0  }
0x55: {  	[sflag:s22] =	ssyncadd.s32 $0xFFFFC000  }
0x56: {  	_ =	swait.ge [sflag:s29], $0x80  }
0x57: {  	s1 =	simm.s32 $0x180;
	[sflag:s29] =	ssyncset.done $0x0  }
0x58: {  	s31 =	sand.u32 $0x7C00, s1;
	[sflag:s29] =	ssyncadd.s32 $0xFFFFFF80  }
0x59: {  	s21 =	sadd.s32 s5, s31;
	s31 =	sand.u32 $0x380, s1;
	_ =	swait.ge [sflag:s30], $0x4000  }
0x5a: {  	s21 =	sor.u32 s31, s21;
	[sflag:s30] =	ssyncset.done $0x0  }
0x5b: {  	s21 =	sshrl.u32 s21, $0x3;
	[sflag:s30] =	ssyncadd.s32 $0xFFFFC000  }
0x5c: {  	[tilespmem:s23], [sflag:$0x3] =	stream.indirect.gather [hbm4b:s6+s24], $0x80, s4, s24, $0xb8;
	[tilespmem:$0x1E900] =	vst v63  }
0x5d: {  	s21 =	sadd.s32 s2, s21  }
0x5e: {  	[tilespmem:s24], [sflag:$0x2] =	stream.linear.gather [hbm4b:s21+s4], $0x80, $0x38;
	[tilespmem:$0x1E900] =	vst v63  }
0x5f: {  	_ = 	snop  }
0x60: {  	[spmem:s3] =	stream.indirect.scatter.add.f32 [tilespmem:s28], [sflag:$0x5], $0x80, s1, s24, $0xb8;
	[tilespmem:$0x1E900] =	vst v63  }
0x61: {  	s21 =	simm.s32 $0x280;
	_ =	swait.ge [sflag:s22], $0x4000  }
.LBB2_4:
0x62: {  	p0 =	sne.s32 s21, $0x2780;
	[sflag:s22] =	ssyncset.done $0x0;
	s1 =	sadd.s32 $0x100, s1  }
0x63: {  	s31 =	smov.u32 s21;
	s21 =	sadd.s32 $0x100, s21;
	[sflag:s22] =	ssyncadd.s32 $0xFFFFC000  }
0x64: {  	_ =	swait.ge [sflag:s25], $0x80  }
0x65: {  	[sflag:s25] =	ssyncset.done $0x0  }
0x66: {  	s7 =	sadd.s32 $0xFFFFFF80, s31;
	[sflag:s25] =	ssyncadd.s32 $0xFFFFFF80  }
0x67: {  	s14 =	sand.u32 $0x7C00, s7;
	_ =	swait.ge [sflag:s26], $0x4000  }
0x68: {  	s7 =	sand.u32 $0x300, s7;
	s14 =	sadd.s32 s5, s14;
	[sflag:s26] =	ssyncset.done $0x0  }
0x69: {  	s7 =	sor.u32 s7, s14;
	[sflag:s26] =	ssyncadd.s32 $0xFFFFC000  }
0x6a: {  	[tilespmem:s28], [sflag:$0x4] =	stream.indirect.gather [hbm4b:s6+s24], $0x80, s24, s24, $0xb8;
	[tilespmem:$0x1E900] =	vst v63  }
0x6b: {  	s7 =	sshrl.u32 s7, $0x3  }
0x6c: {  	s14 =	sadd.s32 $0xFFFFFF80, s1;
	s7 =	sadd.s32 s2, s7  }
0x6d: {  	[tilespmem:s4], [sflag:$0x1] =	stream.linear.gather [hbm4b:s7+s4], $0x80, $0x38;
	[tilespmem:$0x1E900] =	vst v63  }
0x6e: {  	_ = 	snop  }
0x6f: {  	[spmem:s3] =	stream.indirect.scatter.add.f32 [tilespmem:s23], [sflag:$0x5], $0x80, s14, s24, $0xb8;
	[tilespmem:$0x1E900] =	vst v63  }
0x70: {  	_ =	swait.ge [sflag:s22], $0x4000  }
0x71: {  	[sflag:s22] =	ssyncset.done $0x0  }
0x72: {  	[sflag:s22] =	ssyncadd.s32 $0xFFFFC000  }
0x73: {  	_ =	swait.ge [sflag:s29], $0x80  }
0x74: {  	[sflag:s29] =	ssyncset.done $0x0  }
0x75: {  	s7 =	sand.u32 $0x7C00, s31;
	[sflag:s29] =	ssyncadd.s32 $0xFFFFFF80  }
0x76: {  	s7 =	sadd.s32 s5, s7;
	s14 =	sand.u32 $0x380, s31;
	_ =	swait.ge [sflag:s30], $0x4000  }
0x77: {  	s7 =	sor.u32 s14, s7;
	[sflag:s30] =	ssyncset.done $0x0  }
0x78: {  	s7 =	sshrl.u32 s7, $0x3;
	[sflag:s30] =	ssyncadd.s32 $0xFFFFC000  }
0x79: {  	[tilespmem:s23], [sflag:$0x3] =	stream.indirect.gather [hbm4b:s6+s24], $0x80, s4, s24, $0xb8;
	[tilespmem:$0x1E900] =	vst v63  }
.Ltmp1:
0x7a: {  	s7 =	sadd.s32 s2, s7;
	(pc) =	sbr.rel @p0 .LBB2_4-.Ltmp1, $4  }
0x7b: {  	[tilespmem:s24], [sflag:$0x2] =	stream.linear.gather [hbm4b:s7+s4], $0x80, $0x38;
	[tilespmem:$0x1E900] =	vst v63  }
0x7c: {  	_ = 	snop  }
0x7d: {  	[spmem:s3] =	stream.indirect.scatter.add.f32 [tilespmem:s28], [sflag:$0x5], $0x80, s1, s24, $0xb8;
	[tilespmem:$0x1E900] =	vst v63  }
0x7e: {  	_ =	swait.ge [sflag:s22], $0x4000  }
0x7f: {  	[sflag:s22] =	ssyncset.done $0x0  }
0x80: {  	[sflag:s22] =	ssyncadd.s32 $0xFFFFC000  }
0x81: {  	_ =	swait.ge [sflag:s26], $0x4000  }
0x82: {  	[sflag:s26] =	ssyncset.done $0x0  }
0x83: {  	[sflag:s26] =	ssyncadd.s32 $0xFFFFC000  }
0x84: {  	_ =	swait.ge [sflag:s25], $0x80  }
0x85: {  	[sflag:s25] =	ssyncset.done $0x0  }
0x86: {  	s1 =	simm.s32 $0x2800;
	[sflag:s25] =	ssyncadd.s32 $0xFFFFFF80  }
0x87: {  	[spmem:s3] =	stream.indirect.scatter.add.f32 [tilespmem:s23], [sflag:$0x5], $0x80, s1, s24, $0xb8;
	[tilespmem:$0x1E900] =	vst v63  }
0x88: {  	_ =	swait.ge [sflag:s22], $0x4000  }
0x89: {  	s21 =	stileid.u32;
	[sflag:s22] =	ssyncset.done $0x0  }
0x8a: {  	s1 =	sshll.u32 s21, $0x6;
	[sflag:s22] =	ssyncadd.s32 $0xFFFFC000  }
0x8b: {  	s7 =	sshrl.u32 s8, $0x3;
	s1 =	sor.u32 $0x1C05, s1;
	[bflag:$0x0] =	sbarrier.arrive $0xFFFF  }
0x8c: {  	[hbm:s15], [sflag:s1] =	dma.local [spmem:s7], $0x800  }
0x8d: {  	_ =	swait.ge [sflag:s22], $0x800  }
0x8e: {  	[sflag:s22] =	ssyncset.done $0x0  }
0x8f: {  	s31 =	sshrl.u32 s9, $0x3;
	[sflag:s22] =	ssyncadd.s32 $0xFFFFF800  }
0x90: {  	[hbm:s16], [sflag:s1] =	dma.local [spmem:s31], $0x800  }
0x91: {  	_ =	swait.ge [sflag:s22], $0x800  }
0x92: {  	[sflag:s22] =	ssyncset.done $0x0  }
0x93: {  	s14 =	sshrl.u32 s10, $0x3;
	[sflag:s22] =	ssyncadd.s32 $0xFFFFF800  }
0x94: {  	[hbm:s17], [sflag:s1] =	dma.local [spmem:s14], $0x800  }
0x95: {  	_ =	swait.ge [sflag:s22], $0x800  }
0x96: {  	[sflag:s22] =	ssyncset.done $0x0  }
0x97: {  	s21 =	sshrl.u32 s11, $0x3;
	[sflag:s22] =	ssyncadd.s32 $0xFFFFF800  }
0x98: {  	[hbm:s18], [sflag:s1] =	dma.local [spmem:s21], $0x800  }
0x99: {  	s0 =	sadd.s32 $0x1, s0;
	_ =	swait.ge [sflag:s22], $0x800  }
0x9a: {  	p0 =	sne.s32 s0, s20;
	[sflag:s22] =	ssyncset.done $0x0  }
.Ltmp2:
0x9b: {  	s31 =	sshrl.u32 s12, $0x3;
	[sflag:s22] =	ssyncadd.s32 $0xFFFFF800;
	(pc) =	sbr.rel @p0 .LBB2_1-.Ltmp2, $4  }
0x9c: {  	[hbm:s19], [sflag:s1] =	dma.local [spmem:s31], $0x800  }
0x9d: {  	_ =	swait.ge [sflag:s22], $0x800  }
0x9e: {  	[sflag:s22] =	ssyncset.done $0x0  }
0x9f: {  	[sflag:s22] =	ssyncadd.s32 $0xFFFFF800  }
0xa0: {  	_ =	sfence.sel $0x180000  }
0xa1: {  	[bflag:$0x0] =	sbarrier.arrive $0xFFFF  }
0xa2: {  	_ =	strace $0x9000004D  }
0xa3: {  	s0 =	stileid.u32;
	[bflag:$0x2] =	sbarrier.arrive $0xFFFF  }
0xa4: {  	p0 =	sne.s32 s0, $0x0;
	s0 =	rddreg [dreg:$0x3]  }
0xa5: {  	s0 =	sadd.s32 @!p0 $0x100000, s0  }
0xa6: {  	[sflag:s0] =	ssyncadd.tile.s32 @!p0 $0x1;
	_ =	shalt  }
.Lfunc_end2:
_tile_overlayer_lowered:
.L_overlay_start_2:
0xa7: {  	(tag) =	ssettag $0x2  }
0xa8: {  	s0 =	rddreg [dreg:$0x0];
	s2 =	stileid.u32  }
0xa9: {  	s1 =	rddreg [dreg:$0x1];
	p0 =	sne.s32 s2, $0x0  }
0xaa: {  	s3 =	rddreg [dreg:$0x2];
	[bflag:$0x3] =	sbarrier.arrive $0xFFFF;
	s2 =	simm.s32 @!p0 $0x1C05  }
0xab: {  	[timem:s3], [sflag:s2] =	dma.local @!p0 [hbm:s0], s1  }
0xac: {  	s0 =	simm.s32 @!p0 $0x5  }
0xad: {  	_ =	swait.ge @!p0 [sflag:s0], s1  }
0xae: {  	s1 =	ssub.s32 @!p0 $0x0, s1;
	[sflag:s0] =	ssyncset.done @!p0 $0x0  }
0xaf: {  	[sflag:s0] =	ssyncadd.s32 @!p0 s1  }
0xb0: {  	[bflag:$0x3] =	sbarrier.arrive $0xFFFF  }
0xb1: {  	_ =	shalt  }

// kernel: kernel.19.cloned.1.call-start
scs
__scs_entry_jumppad:
0x0: {  	(pc) =	sbr.rel $0x88, $3  }
0x1: {  	(tag) =	ssettag $0x0;
	lr =	simm.s32 $0x1  }
0x2: {  	[smem:$0x3F99] =	sst lr;
	_ =	strace $0xD0000000  }
0x3: {  	_ = 	snop  }
0x4: {  	_ = 	snop  }
0x5: {  	_ = 	snop  }
0x6: {  	_ = 	snop  }
0x7: {  	_ = 	snop  }
__scs_overlays_trampoline_lowered:
0x8: {  	[smem:$0x3FA8] =	sst s0  }
0x9: {  	[smem:$0x3FA9] =	sst s1  }
0xa: {  	[smem:$0x3FAA] =	sst s2  }
0xb: {  	[smem:$0x3FAB] =	sst s3  }
0xc: {  	[smem:$0x3FAC] =	sst s4  }
0xd: {  	[smem:$0x3FAD] =	sst s5  }
0xe: {  	[smem:$0x3FAE] =	sst s6  }
0xf: {  	[smem:$0x3FAF] =	sst s7  }
0x10: {  	[smem:$0x3FB0] =	sst s8  }
0x11: {  	[smem:$0x3FB1] =	sst s9;
	s0 =	simm.s32 @!p0 $0x0  }
0x12: {  	s1 =	sld [smem:$0x3F97];
	s0 =	simm.s32 @p0 $0x1  }
0x13: {  	[smem:$0x3FB2] =	sst s0;
	s0 =	simm.s32 @!p1 $0x0  }
0x14: {  	s2 =	sld [smem:$0x3F96];
	s0 =	simm.s32 @p1 $0x1  }
0x15: {  	[smem:$0x3FB3] =	sst s0;
	s0 =	simm.s32 @!p2 $0x0  }
0x16: {  	s3 =	sld [smem:$0x3FDB];
	s0 =	simm.s32 @p2 $0x1  }
0x17: {  	s4 =	simm.s32 $0x1BF5;
	[smem:$0x3FB5] =	sst s0  }
0x18: {  	s0 =	sld [smem:$0x3F98];
	_ =	swait.ge [sflag:s4], $0x0  }
0x19: {  	s7 =	sld [smem:$0x3F99]  }
0x1a: {  	s8 =	sadd.s32 $0xFFFFE003, lr  }
0x1b: {  	s9 =	sadd.s32 $0xFFFFFEF7, lr;
	s5 =	simm.s32 $0xFFFFFFFF;
	p2 =	slt.u32 s8, $0xFFFFF086  }
0x1c: {  	p1 =	slt.u32 s9, $0xF7A;
	s5 =	simm.s32 @!p2 $0x0  }
0x1d: {  	s5 =	simm.s32 @p1 $0x1;
	p0 =	seq.s32 s7, s2  }
0x1e: {  	s7 =	smul.u32 @!p0 $0xF7A, s2;
	p2 =	seq.s32 @!p0 s5, $0x0  }
0x1f: {  	s9 =	smul.u32 $0xF7A, s1;
	s8 =	simm.s32 @!p0 $0x1BF5;
	p2 =	por !p2, p0  }
0x20: {  	[sflag:s8] =	ssyncset.s32 @!p0 $0xFFFFF086;
	s6 =	sadd.s32 @!p0 s3, s7;
	s7 =	simm.s32 @!p0 $0x108  }
0x21: {  	s3 =	sadd.s32 s3, s9;
	s6 =	sadd.s32 @!p0 $0x88, s6;
	s7 =	simm.s32 @p2 $0x1082  }
0x22: {  	[simem:s7], [sflag:s8] =	dma.local @!p0 [hbm:s6], $0xF7A  }
0x23: {  	s9 =	sor.u32 $0xD0000000, s2;
	s6 =	simm.s32 $0x108;
	_ =	swait.ge @!p0 [sflag:s8], $0x0  }
0x24: {  	s3 =	sadd.s32 $0x88, s3;
	s6 =	simm.s32 @!p1 $0x1082;
	[sflag:s4] =	ssyncset.s32 $0xFFFFF086  }
0x25: {  	[simem:s6], [sflag:s4] =	dma.local [hbm:s3], $0xF7A  }
0x26: {  	[smem:$0x3F99] =	sst s1;
	(tag) =	ssettag s2;
	_ =	strace s9  }
0x27: {  	s1 =	sld [smem:$0x3FA9]  }
0x28: {  	s2 =	sld [smem:$0x3FAA]  }
0x29: {  	s4 =	sld [smem:$0x3FAC]  }
0x2a: {  	p0 =	seq.s32 s5, $0x0;
	s5 =	sld [smem:$0x3FAD]  }
0x2b: {  	s6 =	sld [smem:$0x3FAE]  }
0x2c: {  	s7 =	sld [smem:$0x3FAF]  }
0x2d: {  	s3 =	simm.s32 $0x108;
	s8 =	sld [smem:$0x3FB0]  }
0x2e: {  	s3 =	simm.s32 @!p0 $0x1082;
	s9 =	sld [smem:$0x3FB1]  }
0x2f: {  	lr =	sadd.s32 s0, s3;
	s0 =	sld [smem:$0x3FA8]  }
0x30: {  	s3 =	sld [smem:$0x3FAB]  }
0x31: {  	[smem:$0x3FB4] =	sst s10  }
0x32: {  	s10 =	sld [smem:$0x3FB2];
	_ =	sdelay $0x3  }
0x33: {  	p0 =	seq.s32 s10, $0x1;
	s10 =	sld [smem:$0x3FB4];
	_ =	sdelay $0x3  }
0x34: {  	[smem:$0x3FB4] =	sst s10  }
0x35: {  	s10 =	sld [smem:$0x3FB3];
	_ =	sdelay $0x3  }
0x36: {  	p1 =	seq.s32 s10, $0x1;
	s10 =	sld [smem:$0x3FB4];
	_ =	sdelay $0x3  }
0x37: {  	[smem:$0x3FB4] =	sst s10  }
0x38: {  	s10 =	sld [smem:$0x3FB5]  }
0x39: {  	_ = 	snop;
	(pc) =	sbr.ind lr, $3  }
0x3a: {  	_ = 	snop  }
0x3b: {  	_ = 	snop  }
0x3c: {  	p2 =	seq.s32 s10, $0x1;
	s10 =	sld [smem:$0x3FB4]  }
0x3d: {  	_ =	shalt  }
0x3e: {  	_ =	shalt  }
0x3f: {  	_ =	shalt  }
0x40: {  	_ =	shalt  }
0x41: {  	_ =	shalt  }
0x42: {  	_ =	shalt  }
0x43: {  	_ =	shalt  }
0x44: {  	_ =	shalt  }
0x45: {  	_ =	shalt  }
0x46: {  	_ =	shalt  }
0x47: {  	_ =	shalt  }
0x48: {  	_ =	shalt  }
0x49: {  	_ =	shalt  }
0x4a: {  	_ =	shalt  }
0x4b: {  	_ =	shalt  }
0x4c: {  	_ =	shalt  }
0x4d: {  	_ =	shalt  }
0x4e: {  	_ =	shalt  }
0x4f: {  	_ =	shalt  }
0x50: {  	_ =	shalt  }
0x51: {  	_ =	shalt  }
0x52: {  	_ =	shalt  }
0x53: {  	_ =	shalt  }
0x54: {  	_ =	shalt  }
0x55: {  	_ =	shalt  }
0x56: {  	_ =	shalt  }
0x57: {  	_ =	shalt  }
0x58: {  	_ =	shalt  }
0x59: {  	_ =	shalt  }
0x5a: {  	_ =	shalt  }
0x5b: {  	_ =	shalt  }
0x5c: {  	_ =	shalt  }
0x5d: {  	_ =	shalt  }
0x5e: {  	_ =	shalt  }
0x5f: {  	_ =	shalt  }
0x60: {  	_ =	shalt  }
0x61: {  	_ =	shalt  }
0x62: {  	_ =	shalt  }
0x63: {  	_ =	shalt  }
0x64: {  	_ =	shalt  }
0x65: {  	_ =	shalt  }
0x66: {  	_ =	shalt  }
0x67: {  	_ =	shalt  }
0x68: {  	_ =	shalt  }
0x69: {  	_ =	shalt  }
0x6a: {  	_ =	shalt  }
0x6b: {  	_ =	shalt  }
0x6c: {  	_ =	shalt  }
0x6d: {  	_ =	shalt  }
0x6e: {  	_ =	shalt  }
0x6f: {  	_ =	shalt  }
0x70: {  	_ =	shalt  }
0x71: {  	_ =	shalt  }
0x72: {  	_ =	shalt  }
0x73: {  	_ =	shalt  }
0x74: {  	_ =	shalt  }
0x75: {  	_ =	shalt  }
0x76: {  	_ =	shalt  }
0x77: {  	_ =	shalt  }
0x78: {  	_ =	shalt  }
0x79: {  	_ =	shalt  }
0x7a: {  	_ =	shalt  }
0x7b: {  	_ =	shalt  }
0x7c: {  	_ =	shalt  }
0x7d: {  	_ =	shalt  }
0x7e: {  	_ =	shalt  }
0x7f: {  	_ =	shalt  }
0x80: {  	_ =	shalt  }
0x81: {  	_ =	shalt  }
0x82: {  	_ =	shalt  }
0x83: {  	_ =	shalt  }
0x84: {  	_ =	shalt  }
0x85: {  	_ =	shalt  }
0x86: {  	_ =	shalt  }
0x87: {  	_ =	shalt  }
.Lfunc_end0:
.L_simem_size_0:
called_computation.3_lowered:
.L_overlay_start_0:
0x88: {  	s2 =	sld [smem:$0x3FD9]  }
0x89: {  	s3 =	sld [smem:$0x3FFE];
	_ =	sdelay $0x1  }
0x8a: {  	s1 =	srdreg.scid  }
0x8b: {  	s0 =	sand.u32 $0x1, s1  }
0x8c: {  	s17 =	sshll.u32 s0, $0xA;
	s2 =	sadd.s32 s3, s2  }
0x8d: {  	s2 =	sadd.s32 s2, s17  }
0x8e: {  	[smem:$0x3FC0] =	sst s2  }
0x8f: {  	_ = 	snop  }
0x90: {  	s2 =	sld [smem:$0x3FD0];
	(tm) =	ssettm $0x1  }
0x91: {  	s18 =	sld [smem:$0x3FFB];
	_ =	sdelay $0x3  }
0x92: {  	_ =	strace s18  }
0x93: {  	s3 =	sld [smem:$0x3FFC];
	_ =	sdelay $0x3  }
0x94: {  	_ =	strace s3  }
0x95: {  	s3 =	sld [smem:$0x3FFD];
	_ =	sdelay $0x3  }
0x96: {  	_ =	strace s3  }
0x97: {  	_ =	strace $0x8FFFFFFF  }
0x98: {  	s19 =	sld [smem:$0x3FDB];
	_ =	sdelay $0x1  }
0x99: {  	s4 =	simm.s32 $_scs_section_size  }
0x9a: {  	s5 =	simm.s32 $_size__tile_overlayer_lowered;
	s6 =	simm.s32 $_tile_overlayer_lowered  }
0x9b: {  	s22 =	simm.s32 $0x1BFF;
	s21 =	sshll.u32 s6, $0x1;
	s3 =	sadd.s32 s4, s19  }
0x9c: {  	s7 =	simm.s32 $0x0;
	s20 =	sshll.u32 s5, $0x1;
	s5 =	sadd.s32 s21, s3  }
0x9d: {  	[timem:s7], [sflag:s22] =	dma.local [hbm:s5], s20  }
0x9e: {  	_ =	swait.ge [sflag:s22], s20  }
0x9f: {  	s4 =	ssub.s32 $0x0, s20;
	[sflag:s22] =	ssyncset.done $0x0  }
0xa0: {  	[sflag:s22] =	ssyncadd.s32 s4;
	_ =	sdelay $0x1  }
0xa1: {  	s23 =	simm.s32 $0x1B8B  }
0xa2: {  	_ =	swait.ge [sflag:s23], $0x1  }
0xa3: {  	[sflag:s23] =	ssyncset.done $0x0  }
0xa4: {  	s25 =	simm.s32 $0x1B8E;
	s24 =	sld [smem:$0x3FFE];
	[sflag:s23] =	ssyncadd.s32 $0xFFFFFFFF  }
0xa5: {  	s26 =	simm.s32 $execute0_lowered;
	[smem:$0x3FD2] =	sst s25  }
0xa6: {  	s5 =	sshll.u32 s26, $0x1;
	_ =	strace $0x8000004F;
	[dreg:$0x1] =	wrdreg $0xFFFFFFFF  }
0xa7: {  	s28 =	simm.s32 $_size_execute0_lowered;
	s3 =	sadd.s32 s3, s5;
	[dreg:$0x0] =	wrdreg $0x0  }
0xa8: {  	s5 =	sshll.u32 s28, $0x1;
	[dreg:$0x2] =	wrdreg s3  }
0xa9: {  	[dreg:$0x3] =	wrdreg s5  }
0xaa: {  	[dreg:$0x4] =	wrdreg $0xC0  }
0xab: {  	_ =	task [dreg:s7], $0x5FFFF  }
0xac: {  	[dreg:$0x1] =	wrdreg $0xFFFFFFFF  }
0xad: {  	[dreg:$0x0] =	wrdreg $0x60  }
0xae: {  	[dreg:$0x2] =	wrdreg s24  }
0xaf: {  	[dreg:$0x3] =	wrdreg s2  }
0xb0: {  	[dreg:$0x4] =	wrdreg $0x68800  }
0xb1: {  	[dreg:$0x5] =	wrdreg $0x9  }
0xb2: {  	_ =	task.clear_ibuf [dreg:s7], $0x6FFFF;
	_ =	strace $0x9000004F  }
0xb3: {  	s29 =	simm.s32 $0x9;
	_ =	strace $0x80000051  }
0xb4: {  	_ =	swait.ge [sflag:s29], $0x1  }
0xb5: {  	[sflag:s29] =	ssyncadd.s32 $0xFFFFFFFF  }
0xb6: {  	_ =	strace $0x90000051  }
0xb7: {  	_ =	sfence  }
0xb8: {  	s30 =	sld [smem:$0x0];
	_ =	sdelay $0x2  }
0xb9: {  	s31 =	sshll.u32 s1, $0xD;
	s1 =	sshrl.u32 s1, $0x2  }
0xba: {  	s3 =	sand.u32 $0x4000, s31;
	s1 =	sadd.s32 s1, s30  }
0xbb: {  	s0 =	sor.u32 s3, s0;
	s1 =	sshll.u32 s1, $0x11  }
0xbc: {  	s0 =	sor.u32 s1, s0  }
0xbd: {  	s0 =	sadd.s32 $0x8F2B, s0  }
0xbe: {  	[sflag:s0] =	ssyncadd.remote.s32 $0x1  }
0xbf: {  	_ =	sfence.sel $0xFFFF  }
0xc0: {  	[dreg:$0x0] =	wrdreg $0xFFFFFFFF;
	(pc) =	sbr.abs _section_cstart, $3  }
0xc1: {  	[dreg:$0x1] =	wrdreg $0xFFFFFFFF  }
0xc2: {  	_ =	task.clear_ibuf [dreg:s7], $0x2FFFF;
	_ =	strace $0x9FFFFFFF  }
0xc3: {  	(tm) =	ssettm $0x7FFFFFFF  }
tec
execute0_lowered:
.L_overlay_start_1:
0x0: {  	(tag) =	ssettag $0x1  }
0x1: {  	s0 =	rddreg [dreg:$0x0]  }
0x2: {  	s2 =	rddreg [dreg:$0x1]  }
0x3: {  	s1 =	rddreg [dreg:$0x2]  }
0x4: {  	s3 =	srdreg.scid;
	s22 =	stileid.u32;
	s28 =	simm.s32 $0x4880  }
0x5: {  	s29 =	simm.s32 $0x1;
	s30 =	simm.s32 $0x4;
	s10 =	smul.u32 $0xA000, s22  }
0x6: {  	s14 =	sand.u32 $0x1, s3;
	s3 =	simm.s32 $0x0;
	s23 =	smul.u32 $0x2800, s22  }
0x7: {  	s4 =	sshll.u32 s14, $0x4;
	[smem:$0x7FF] =	sst s3;
	s17 =	smul.u32 $0xA0000, s14  }
0x8: {  	s6 =	ssub.s32 $0x2, s14;
	s21 =	smul.u32 $0x28000, s14;
	s7 =	sor.u32 s22, s4  }
0x9: {  	_ =	strace $0x80000050;
	s4 =	sadd.s32 $0xC400, s0;
	s8 =	sshrl.u32 s6, $0x1  }
0xa: {  	s15 =	sadd.s32 $0x2000, s10;
	s16 =	sadd.s32 $0x4000, s10;
	s19 =	sadd.s32 $0x6000, s10  }
0xb: {  	s20 =	sadd.s32 $0x8000, s10;
	s22 =	simm.s32 $0x5;
	s5 =	smul.u32 $0x4F0, s7  }
0xc: {  	s18 =	ssub.s32 s6, s8;
	s6 =	sadd.s32 s10, s1;
	s11 =	smul.u32 $0x2800, s7  }
0xd: {  	s7 =	sadd.s32 s15, s1;
	s8 =	sadd.s32 s16, s1;
	s9 =	sadd.s32 s19, s1  }
0xe: {  	s12 =	sadd.s32 s10, s17;
	s15 =	sadd.s32 s17, s15;
	s16 =	sadd.s32 s17, s16  }
0xf: {  	s19 =	sadd.s32 s17, s19;
	s17 =	sadd.s32 s17, s20;
	s24 =	sadd.s32 s23, s21  }
0x10: {  	s23 =	simm.s32 $0x2880;
	s13 =	sshrl.u32 s12, $0x3;
	s15 =	sshrl.u32 s15, $0x3  }
0x11: {  	s16 =	sshrl.u32 s16, $0x3;
	s19 =	sshrl.u32 s19, $0x3;
	s17 =	sshrl.u32 s17, $0x3  }
0x12: {  	s25 =	sor.u32 $0x180, s24;
	s18 =	smax.u32 s18, $0x1;
	s5 =	sadd.s32 s5, s0  }
0x13: {  	s0 =	sadd.s32 $0x20400, s0;
	s11 =	sshrl.u32 s11, $0x3;
	s26 =	sshrl.u32 s25, $0x3  }
0x14: {  	s25 =	simm.s32 $0x2;
	s5 =	sadd.s32 $0x2600, s5;
	s10 =	sadd.s32 s2, s11  }
0x15: {  	s11 =	sadd.s32 s20, s1;
	s13 =	sadd.s32 s0, s13;
	s14 =	sadd.s32 s0, s15  }
0x16: {  	s15 =	sadd.s32 s0, s16;
	s16 =	sadd.s32 s0, s19;
	s17 =	sadd.s32 s0, s17  }
0x17: {  	s20 =	sor.u32 $0x100, s24;
	s19 =	sadd.s32 s26, s2;
	s24 =	simm.s32 $0x80  }
0x18: {  	s26 =	simm.s32 $0x3;
	s0 =	simm.s32 $0x0;
	s31 =	sshrl.u32 s20, $0x3  }
0x19: {  	v0 =	vimm.f32 $0.0e+00;
	[dreg:$0x4] =	wrdreg s5;
	s12 =	sadd.s32 $0x10, s10;
	s20 =	sadd.s32 s31, s2  }
.LBB2_1:
0x1a: {  	s2 =	rddreg [dreg:$0x4];
	s5 =	simm.s32 $0x100  }
0x1b: {  	[tilespmem:s5], [sflag:$0x5] =	stream.linear.gather [hbm4b:s2+s3], $0x2780, $0x38;
	[tilespmem:$0x10880] =	vst v63  }
0x1c: {  	_ =	swait.ge [sflag:s22], $0x2780  }
0x1d: {  	[sflag:s22] =	ssyncset.done $0x0  }
0x1e: {  	s21 =	simm.s32 $0x100;
	s2 =	simm.s32 $0x0;
	[sflag:s22] =	ssyncadd.s32 $0xFFFFD880  }
.LBB2_2:
0x1f: {  	p0 =	sne.s32 s21, $0x7F00;
	[tilespmem:s2+$0x28B0] =	vst v0;
	s31 =	smov.u32 s21;
	s21 =	sadd.s32 $0x100, s21  }
.Ltmp0:
0x20: {  	[tilespmem:s2+$0x28A0] =	vst v0;
	(pc) =	sbr.rel @p0 .LBB2_2-.Ltmp0, $3  }
0x21: {  	[tilespmem:s2+$0x2880] =	vst v0  }
0x22: {  	[tilespmem:s2+$0x2890] =	vst v0;
	_ =	sdelay $0x1  }
0x23: {  	s2 =	sshra.s32 s31, $0x2  }
0x24: {  	[tilespmem:s2+$0x28B0] =	vst v0  }
0x25: {  	[tilespmem:s2+$0x28A0] =	vst v0  }
0x26: {  	[tilespmem:s2+$0x2880] =	vst v0  }
0x27: {  	[tilespmem:s2+$0x2890] =	vst v0  }
0x28: {  	[spmem:s6] =	stream.linear.scatter [tilespmem:s23], [sflag:$0x5], $0x2000, $0x38;
	[tilespmem:$0x10880] =	vst v63  }
0x29: {  	_ =	swait.ge [sflag:s22], $0x2000  }
0x2a: {  	[sflag:s22] =	ssyncset.done $0x0  }
0x2b: {  	[sflag:s22] =	ssyncadd.s32 $0xFFFFE000  }
0x2c: {  	[spmem:s7] =	stream.linear.scatter [tilespmem:s23], [sflag:$0x5], $0x2000, $0x38;
	[tilespmem:$0x10880] =	vst v63  }
0x2d: {  	_ =	swait.ge [sflag:s22], $0x2000  }
0x2e: {  	[sflag:s22] =	ssyncset.done $0x0  }
0x2f: {  	[sflag:s22] =	ssyncadd.s32 $0xFFFFE000  }
0x30: {  	[spmem:s8] =	stream.linear.scatter [tilespmem:s23], [sflag:$0x5], $0x2000, $0x38;
	[tilespmem:$0x10880] =	vst v63  }
0x31: {  	_ =	swait.ge [sflag:s22], $0x2000  }
0x32: {  	[sflag:s22] =	ssyncset.done $0x0  }
0x33: {  	[sflag:s22] =	ssyncadd.s32 $0xFFFFE000  }
0x34: {  	[spmem:s9] =	stream.linear.scatter [tilespmem:s23], [sflag:$0x5], $0x2000, $0x38;
	[tilespmem:$0x10880] =	vst v63  }
0x35: {  	_ =	swait.ge [sflag:s22], $0x2000  }
0x36: {  	[sflag:s22] =	ssyncset.done $0x0  }
0x37: {  	[sflag:s22] =	ssyncadd.s32 $0xFFFFE000  }
0x38: {  	[spmem:s11] =	stream.linear.scatter [tilespmem:s23], [sflag:$0x5], $0x2000, $0x38;
	[tilespmem:$0x10880] =	vst v63  }
0x39: {  	_ =	swait.ge [sflag:s22], $0x2000  }
0x3a: {  	[sflag:s22] =	ssyncset.done $0x0  }
0x3b: {  	s31 =	simm.s32 $0x0;
	[sflag:s22] =	ssyncadd.s32 $0xFFFFE000  }
0x3c: {  	[tilespmem:s31], [sflag:$0x5] =	stream.linear.gather [hbm4b:s10+s31], $0x80, $0x38;
	[tilespmem:$0x10880] =	vst v63  }
0x3d: {  	_ =	swait.ge [sflag:s22], $0x80  }
0x3e: {  	[sflag:s22] =	ssyncset.done $0x0  }
0x3f: {  	[sflag:s22] =	ssyncadd.s32 $0xFFFFFF80  }
0x40: {  	[tilespmem:s23], [sflag:$0x3] =	stream.indirect.gather [hbm4b:s4+s24], $0x40, s31, s24, $0xb8;
	[tilespmem:$0x10880] =	vst v63  }
0x41: {  	_ = 	snop  }
0x42: {  	[tilespmem:s24], [sflag:$0x2] =	stream.linear.gather [hbm4b:s12+s31], $0x80, $0x38;
	[tilespmem:$0x10880] =	vst v63  }
0x43: {  	[bflag:$0x0] =	sbarrier.arrive $0xFFFF  }
0x44: {  	_ =	swait.ge [sflag:s25], $0x80  }
0x45: {  	[sflag:s25] =	ssyncset.done $0x0  }
0x46: {  	[sflag:s25] =	ssyncadd.s32 $0xFFFFFF80  }
0x47: {  	_ =	swait.ge [sflag:s26], $0x2000  }
0x48: {  	[sflag:s26] =	ssyncset.done $0x0  }
0x49: {  	[sflag:s26] =	ssyncadd.s32 $0xFFFFE000  }
0x4a: {  	[tilespmem:s28], [sflag:$0x4] =	stream.indirect.gather [hbm4b:s4+s24], $0x40, s24, s24, $0xb8;
	[tilespmem:$0x10880] =	vst v63  }
0x4b: {  	s5 =	sadd.s32 $0x0, s20  }
0x4c: {  	[tilespmem:s3], [sflag:$0x1] =	stream.linear.gather [hbm4b:s5+s3], $0x80, $0x38;
	[tilespmem:$0x10880] =	vst v63  }
0x4d: {  	s21 =	simm.s32 $0x100  }
0x4e: {  	[spmem:s1] =	stream.indirect.scatter.add.f32 [tilespmem:s23], [sflag:$0x5], $0x40, s21, s24, $0xb8;
	[tilespmem:$0x10880] =	vst v63  }
0x4f: {  	_ =	swait.ge [sflag:s22], $0x2000  }
0x50: {  	[sflag:s22] =	ssyncset.done $0x0  }
0x51: {  	[sflag:s22] =	ssyncadd.s32 $0xFFFFE000  }
0x52: {  	_ =	swait.ge [sflag:s29], $0x80  }
0x53: {  	[sflag:s29] =	ssyncset.done $0x0  }
0x54: {  	[sflag:s29] =	ssyncadd.s32 $0xFFFFFF80  }
0x55: {  	_ =	swait.ge [sflag:s30], $0x2000  }
0x56: {  	[sflag:s30] =	ssyncset.done $0x0  }
0x57: {  	[sflag:s30] =	ssyncadd.s32 $0xFFFFE000  }
0x58: {  	[tilespmem:s23], [sflag:$0x3] =	stream.indirect.gather [hbm4b:s4+s24], $0x40, s3, s24, $0xb8;
	[tilespmem:$0x10880] =	vst v63  }
0x59: {  	s31 =	sadd.s32 $0x0, s19  }
0x5a: {  	[tilespmem:s24], [sflag:$0x2] =	stream.linear.gather [hbm4b:s31+s3], $0x80, $0x38;
	[tilespmem:$0x10880] =	vst v63  }
0x5b: {  	s2 =	simm.s32 $0x180  }
0x5c: {  	[spmem:s1] =	stream.indirect.scatter.add.f32 [tilespmem:s28], [sflag:$0x5], $0x40, s2, s24, $0xb8;
	[tilespmem:$0x10880] =	vst v63  }
0x5d: {  	_ =	swait.ge [sflag:s22], $0x2000  }
0x5e: {  	s21 =	simm.s32 $0x20;
	[sflag:s22] =	ssyncset.done $0x0  }
.LBB2_4:
0x5f: {  	p0 =	sne.s32 s21, $0x4C0;
	[sflag:s22] =	ssyncadd.s32 $0xFFFFE000;
	s2 =	sadd.s32 $0x100, s2  }
0x60: {  	s31 =	smov.u32 s21;
	s21 =	sadd.s32 $0x20, s21  }
0x61: {  	_ =	swait.ge [sflag:s25], $0x80  }
0x62: {  	[sflag:s25] =	ssyncset.done $0x0  }
0x63: {  	[sflag:s25] =	ssyncadd.s32 $0xFFFFFF80  }
0x64: {  	_ =	swait.ge [sflag:s26], $0x2000  }
0x65: {  	[sflag:s26] =	ssyncset.done $0x0  }
0x66: {  	[sflag:s26] =	ssyncadd.s32 $0xFFFFE000  }
0x67: {  	[tilespmem:s28], [sflag:$0x4] =	stream.indirect.gather [hbm4b:s4+s24], $0x40, s24, s24, $0xb8;
	[tilespmem:$0x10880] =	vst v63  }
0x68: {  	s5 =	sadd.s32 s31, s20  }
0x69: {  	[tilespmem:s3], [sflag:$0x1] =	stream.linear.gather [hbm4b:s5+s3], $0x80, $0x38;
	[tilespmem:$0x10880] =	vst v63  }
0x6a: {  	s5 =	sadd.s32 $0xFFFFFF80, s2  }
0x6b: {  	[spmem:s1] =	stream.indirect.scatter.add.f32 [tilespmem:s23], [sflag:$0x5], $0x40, s5, s24, $0xb8;
	[tilespmem:$0x10880] =	vst v63  }
0x6c: {  	_ =	swait.ge [sflag:s22], $0x2000  }
0x6d: {  	[sflag:s22] =	ssyncset.done $0x0  }
0x6e: {  	[sflag:s22] =	ssyncadd.s32 $0xFFFFE000  }
0x6f: {  	_ =	swait.ge [sflag:s29], $0x80  }
0x70: {  	[sflag:s29] =	ssyncset.done $0x0  }
0x71: {  	[sflag:s29] =	ssyncadd.s32 $0xFFFFFF80  }
0x72: {  	_ =	swait.ge [sflag:s30], $0x2000  }
0x73: {  	[sflag:s30] =	ssyncset.done $0x0  }
0x74: {  	[sflag:s30] =	ssyncadd.s32 $0xFFFFE000  }
0x75: {  	[tilespmem:s23], [sflag:$0x3] =	stream.indirect.gather [hbm4b:s4+s24], $0x40, s3, s24, $0xb8;
	[tilespmem:$0x10880] =	vst v63  }
0x76: {  	s5 =	sadd.s32 s31, s19  }
0x77: {  	[tilespmem:s24], [sflag:$0x2] =	stream.linear.gather [hbm4b:s5+s3], $0x80, $0x38;
	[tilespmem:$0x10880] =	vst v63  }
.Ltmp1:
0x78: {  	_ = 	snop;
	(pc) =	sbr.rel @p0 .LBB2_4-.Ltmp1, $4  }
0x79: {  	_ = 	snop  }
0x7a: {  	[spmem:s1] =	stream.indirect.scatter.add.f32 [tilespmem:s28], [sflag:$0x5], $0x40, s2, s24, $0xb8;
	[tilespmem:$0x10880] =	vst v63  }
0x7b: {  	_ =	swait.ge [sflag:s22], $0x2000  }
0x7c: {  	[sflag:s22] =	ssyncset.done $0x0  }
0x7d: {  	[sflag:s22] =	ssyncadd.s32 $0xFFFFE000  }
0x7e: {  	_ =	swait.ge [sflag:s26], $0x2000  }
0x7f: {  	[sflag:s26] =	ssyncset.done $0x0  }
0x80: {  	[sflag:s26] =	ssyncadd.s32 $0xFFFFE000  }
0x81: {  	_ =	swait.ge [sflag:s25], $0x80  }
0x82: {  	[sflag:s25] =	ssyncset.done $0x0  }
0x83: {  	s2 =	simm.s32 $0x2800;
	[sflag:s25] =	ssyncadd.s32 $0xFFFFFF80  }
0x84: {  	[spmem:s1] =	stream.indirect.scatter.add.f32 [tilespmem:s23], [sflag:$0x5], $0x40, s2, s24, $0xb8;
	[tilespmem:$0x10880] =	vst v63  }
0x85: {  	_ =	swait.ge [sflag:s22], $0x2000  }
0x86: {  	s5 =	stileid.u32;
	[sflag:s22] =	ssyncset.done $0x0  }
0x87: {  	s2 =	sshll.u32 s5, $0x6;
	[sflag:s22] =	ssyncadd.s32 $0xFFFFE000  }
0x88: {  	s5 =	sshrl.u32 s6, $0x3;
	s2 =	sor.u32 $0x1C05, s2;
	[bflag:$0x0] =	sbarrier.arrive $0xFFFF  }
0x89: {  	[hbm:s13], [sflag:s2] =	dma.local [spmem:s5], $0x400  }
0x8a: {  	_ =	swait.ge [sflag:s22], $0x400  }
0x8b: {  	[sflag:s22] =	ssyncset.done $0x0  }
0x8c: {  	s21 =	sshrl.u32 s7, $0x3;
	[sflag:s22] =	ssyncadd.s32 $0xFFFFFC00  }
0x8d: {  	[hbm:s14], [sflag:s2] =	dma.local [spmem:s21], $0x400  }
0x8e: {  	_ =	swait.ge [sflag:s22], $0x400  }
0x8f: {  	[sflag:s22] =	ssyncset.done $0x0  }
0x90: {  	s31 =	sshrl.u32 s8, $0x3;
	[sflag:s22] =	ssyncadd.s32 $0xFFFFFC00  }
0x91: {  	[hbm:s15], [sflag:s2] =	dma.local [spmem:s31], $0x400  }
0x92: {  	_ =	swait.ge [sflag:s22], $0x400  }
0x93: {  	[sflag:s22] =	ssyncset.done $0x0  }
0x94: {  	s21 =	sshrl.u32 s9, $0x3;
	[sflag:s22] =	ssyncadd.s32 $0xFFFFFC00  }
0x95: {  	[hbm:s16], [sflag:s2] =	dma.local [spmem:s21], $0x400  }
0x96: {  	s0 =	sadd.s32 $0x1, s0;
	_ =	swait.ge [sflag:s22], $0x400  }
0x97: {  	p0 =	sne.s32 s0, s18;
	[sflag:s22] =	ssyncset.done $0x0  }
.Ltmp2:
0x98: {  	s31 =	sshrl.u32 s11, $0x3;
	[sflag:s22] =	ssyncadd.s32 $0xFFFFFC00;
	(pc) =	sbr.rel @p0 .LBB2_1-.Ltmp2, $4  }
0x99: {  	[hbm:s17], [sflag:s2] =	dma.local [spmem:s31], $0x400  }
0x9a: {  	_ =	swait.ge [sflag:s22], $0x400  }
0x9b: {  	[sflag:s22] =	ssyncset.done $0x0  }
0x9c: {  	[sflag:s22] =	ssyncadd.s32 $0xFFFFFC00  }
0x9d: {  	_ =	sfence.sel $0x180000  }
0x9e: {  	[bflag:$0x0] =	sbarrier.arrive $0xFFFF  }
0x9f: {  	_ =	strace $0x90000050  }
0xa0: {  	s0 =	stileid.u32;
	[bflag:$0x2] =	sbarrier.arrive $0xFFFF  }
0xa1: {  	p0 =	sne.s32 s0, $0x0;
	s0 =	rddreg [dreg:$0x3]  }
0xa2: {  	s0 =	sadd.s32 @!p0 $0x100000, s0  }
0xa3: {  	[sflag:s0] =	ssyncadd.tile.s32 @!p0 $0x1;
	_ =	shalt  }
.Lfunc_end2:
_tile_overlayer_lowered:
.L_overlay_start_2:
0xa4: {  	(tag) =	ssettag $0x2  }
0xa5: {  	s0 =	rddreg [dreg:$0x0];
	s2 =	stileid.u32  }
0xa6: {  	s1 =	rddreg [dreg:$0x1];
	p0 =	sne.s32 s2, $0x0  }
0xa7: {  	s3 =	rddreg [dreg:$0x2];
	[bflag:$0x3] =	sbarrier.arrive $0xFFFF;
	s2 =	simm.s32 @!p0 $0x1C05  }
0xa8: {  	[timem:s3], [sflag:s2] =	dma.local @!p0 [hbm:s0], s1  }
0xa9: {  	s0 =	simm.s32 @!p0 $0x5  }
0xaa: {  	_ =	swait.ge @!p0 [sflag:s0], s1  }
0xab: {  	s1 =	ssub.s32 @!p0 $0x0, s1;
	[sflag:s0] =	ssyncset.done @!p0 $0x0  }
0xac: {  	[sflag:s0] =	ssyncadd.s32 @!p0 s1  }
0xad: {  	[bflag:$0x3] =	sbarrier.arrive $0xFFFF  }
0xae: {  	_ =	shalt  }

</sc_bundles>
